<compile_context>
chip_gen: v7x
topology: tpu7x:2x2x1
jax: 0.10.2.dev20260603
libtpu: 0.0.44.dev20260713+nightly
codegen_flags: <defaults>
</compile_context>

<pallas_src>
import functools

import jax
import jax.numpy as jnp
from jax import lax
from jax.experimental import pallas as pl
from jax.experimental.pallas import tpu as pltpu
from jax.experimental.pallas import tpu_sc as plsc

HIDDEN = 128
SEQ = 200
EPS = 1e-12

NC = 2
NS = 16
NW = NC * NS

CHUNK = 32
NBUF = 2
POS_BUF = 224
LANES = 16
NVEC = HIDDEN // LANES
UNROLL = 2


def _rsqrt(v):
    i = plsc.bitcast(v, jnp.int32)
    i = jnp.int32(0x5F3759DF) - lax.shift_right_logical(i, jnp.int32(1))
    y = plsc.bitcast(i, jnp.float32)
    for _ in range(2):
        y = y * (1.5 - 0.5 * v * y * y)
    return y


def kernel(input_ids, word_emb, pos_emb, gamma, beta):
    B, L = input_ids.shape
    N = B * L
    rows_per_w = N // NW
    n_chunks = rows_per_w // CHUNK
    ids = input_ids.reshape(NW, n_chunks, CHUNK).astype(jnp.int32)
    ids = jnp.pad(ids, ((0, 0), (0, 1), (0, 0)))

    mesh = plsc.VectorSubcoreMesh(core_axis_name="c", subcore_axis_name="s")

    @functools.partial(
        pl.kernel,
        mesh=mesh,
        out_type=jax.ShapeDtypeStruct((N, HIDDEN), jnp.float32),
        compiler_params=pltpu.CompilerParams(needs_layout_passes=False),
        scratch_types=[
            pltpu.VMEM((n_chunks + 1, CHUNK), jnp.int32),
            pltpu.VMEM((NBUF, CHUNK, HIDDEN), jnp.float32),
            pltpu.VMEM((POS_BUF, HIDDEN), jnp.float32),
            pltpu.VMEM((HIDDEN,), jnp.float32),
            pltpu.VMEM((HIDDEN,), jnp.float32),
            [pltpu.SemaphoreType.DMA] * NBUF,
            [pltpu.SemaphoreType.DMA] * NBUF,
        ],
    )
    def emb_kernel(ids_hbm, wemb_hbm, pemb_hbm, gamma_hbm, beta_hbm, out_hbm,
                   idx_all, rows_b, pos_v, g_v, b_v, gsems, wsems):
        wid = lax.axis_index("s") * NC + lax.axis_index("c")

        pltpu.sync_copy(ids_hbm.at[wid], idx_all)
        pltpu.sync_copy(pemb_hbm.at[pl.ds(0, SEQ)], pos_v.at[pl.ds(0, SEQ)])
        if POS_BUF > SEQ:
            pltpu.sync_copy(pemb_hbm.at[pl.ds(0, POS_BUF - SEQ)],
                            pos_v.at[pl.ds(SEQ, POS_BUF - SEQ)])
        pltpu.sync_copy(gamma_hbm, g_v)
        pltpu.sync_copy(beta_hbm, b_v)

        lane = lax.iota(jnp.int32, LANES)
        perms = [lane ^ k for k in (1, 2, 4, 8)]
        gs = [g_v[pl.ds(LANES * j, LANES)] for j in range(NVEC)]
        bs = [b_v[pl.ds(LANES * j, LANES)] for j in range(NVEC)]

        def gather_desc(c, b):
            return pltpu.make_async_copy(
                wemb_hbm.at[idx_all.at[c]], rows_b.at[b], gsems[b])

        def wb_desc(c, b):
            base = wid * rows_per_w + c * CHUNK
            return pltpu.make_async_copy(
                rows_b.at[b], out_hbm.at[pl.ds(base, CHUNK)], wsems[b])

        def compute_chunk(c, b):
            off = lax.rem(c * CHUNK, SEQ)

            @plsc.parallel_loop(0, CHUNK, unroll=UNROLL)
            def row_body(i):
                x = [rows_b[b, i, pl.ds(LANES * j, LANES)] +
                     pos_v[off + i, pl.ds(LANES * j, LANES)]
                     for j in range(NVEC)]
                s = ((x[0] + x[1]) + (x[2] + x[3])) + \
                    ((x[4] + x[5]) + (x[6] + x[7]))
                q = ((x[0] * x[0] + x[1] * x[1]) + (x[2] * x[2] + x[3] * x[3])) + \
                    ((x[4] * x[4] + x[5] * x[5]) + (x[6] * x[6] + x[7] * x[7]))
                for p in perms:
                    s = s + s.at[p].get(mode="promise_in_bounds")
                    q = q + q.at[p].get(mode="promise_in_bounds")
                mean_v = s * (1.0 / HIDDEN)
                var_v = q * (1.0 / HIDDEN) - mean_v * mean_v
                rstd_v = _rsqrt(var_v + EPS)
                for j in range(NVEC):
                    rows_b[b, i, pl.ds(LANES * j, LANES)] = \
                        (x[j] - mean_v) * rstd_v * gs[j] + bs[j]

        gather_desc(0, 0).start()
        gather_desc(1, 1).start()
        gather_desc(0, 0).wait()
        compute_chunk(0, 0)
        wb_desc(0, 0).start()

        pltpu.make_async_copy(
            rows_b.at[0], out_hbm.at[pl.ds(0, CHUNK)], wsems[0]).wait()
        gather_desc(2, 0).start()
        gather_desc(1, 1).wait()
        compute_chunk(1, 1)
        wb_desc(1, 1).start()

        def pair_body(cp, carry):
            for b in range(NBUF):
                c = cp * NBUF + b
                nb = 1 - b
                pltpu.make_async_copy(
                    rows_b.at[nb], out_hbm.at[pl.ds(0, CHUNK)], wsems[nb]
                ).wait()
                gather_desc(c + 1, nb).start()
                gather_desc(c, b).wait()
                compute_chunk(c, b)
                wb_desc(c, b).start()
            return carry

        lax.fori_loop(1, n_chunks // NBUF, pair_body, 0)

        gather_desc(n_chunks, 0).wait()
        wb_desc(n_chunks - 1, 1).wait()

    out = emb_kernel(ids, word_emb, pos_emb, gamma, beta)
    return out.reshape(B, L, HIDDEN)

# --- scband reference (transcript-rebuilt; emitter-appended) ---
"""Pipeline reference for scband-embeddings-9766755631757 (READ-ONLY COPY).

The authoritative reference and input builder live on the scoring server;
editing this copy changes nothing except your own understanding.
"""

import jax, jax.numpy as jnp
import numpy as np

VOCAB = 100000
HIDDEN = 128
MAX_POS = 512
B = 1024
L = 200
EPS = 1e-12


def setup_inputs(seed: int = 0) -> dict:
    key = jax.random.key(seed)
    k1, k2, k3 = jax.random.split(key, 3)
    input_ids = jax.random.randint(k1, (B, L), 0, VOCAB, dtype=jnp.int64 if jax.config.jax_enable_x64 else jnp.int32)
    word_emb = jax.random.normal(k2, (VOCAB, HIDDEN), dtype=jnp.float32) * 0.02
    pos_emb = jax.random.normal(k3, (MAX_POS, HIDDEN), dtype=jnp.float32) * 0.02
    gamma = jnp.ones((HIDDEN,), dtype=jnp.float32)
    beta = jnp.zeros((HIDDEN,), dtype=jnp.float32)
    return {"input_ids": input_ids, "word_emb": word_emb, "pos_emb": pos_emb, "gamma": gamma, "beta": beta}


def _layer_norm(x, gamma, beta):
    u = jnp.mean(x, axis=-1, keepdims=True)
    s = jnp.mean((x - u) ** 2, axis=-1, keepdims=True)
    x = (x - u) / jnp.sqrt(s + EPS)
    return gamma * x + beta


def reference(input_ids, word_emb, pos_emb, gamma, beta):
    seq_length = input_ids.shape[1]
    position_ids = jnp.arange(seq_length, dtype=input_ids.dtype)
    position_ids = jnp.broadcast_to(position_ids[None, :], input_ids.shape)
    words_embeddings = jnp.take(word_emb, input_ids, axis=0)
    position_embeddings = jnp.take(pos_emb, position_ids, axis=0)
    embeddings = words_embeddings + position_embeddings
    embeddings = _layer_norm(embeddings, gamma, beta)
    # dropout is identity in eval / deterministic reference
    return embeddings

if __name__ == "__main__":
    import jax
    _d = setup_inputs()
    print(jax.jit(kernel)(*tuple(_d.values())))

</pallas_src>

<mosaic_0001>
#map = affine_map<(d0, d1) -> (0, 0, 0)>
#map1 = affine_map<(d0, d1) -> (0, 0)>
#map2 = affine_map<(d0, d1) -> (0)>
module attributes {stable_mosaic.version = 14 : i64} {
  func.func @emb_kernel(%arg0: i32, %arg1: i32, %arg2: memref<32x201x32xi32, #tpu.memory_space<hbm>>, %arg3: memref<100000x128xf32, #tpu.memory_space<hbm>>, %arg4: memref<512x128xf32, #tpu.memory_space<hbm>>, %arg5: memref<128xf32, #tpu.memory_space<hbm>>, %arg6: memref<128xf32, #tpu.memory_space<hbm>>, %arg7: memref<204800x128xf32, #tpu.memory_space<hbm>>, %arg8: memref<201x32xi32, #tpu.memory_space<vmem>>, %arg9: memref<2x32x128xf32, #tpu.memory_space<vmem>>, %arg10: memref<224x128xf32, #tpu.memory_space<vmem>>, %arg11: memref<128xf32, #tpu.memory_space<vmem>>, %arg12: memref<128xf32, #tpu.memory_space<vmem>>, %arg13: memref<!tpu.dma_semaphore, #tpu.memory_space<semaphore_mem>>, %arg14: memref<!tpu.dma_semaphore, #tpu.memory_space<semaphore_mem>>, %arg15: memref<!tpu.dma_semaphore, #tpu.memory_space<semaphore_mem>>, %arg16: memref<!tpu.dma_semaphore, #tpu.memory_space<semaphore_mem>>) attributes {dimension_semantics = [#tpu.dimension_semantics<core_parallel>, #tpu.dimension_semantics<subcore_parallel>], iteration_bounds = array<i64: 2, 16>, scalar_prefetch = 0 : i64, scratch_operands = 9 : i64, tpu.core_type = #tpu.core_type<sc_vector_subcore>, window_params = [{transform_indices = #map}, {transform_indices = #map1}, {transform_indices = #map1}, {transform_indices = #map2}, {transform_indices = #map2}, {transform_indices = #map1}]} {
    %mul3A = arith.constant 2 : i32
    %mul3A_0 = arith.muli %arg1, %mul3A : i32
    %add3A = arith.addi %mul3A_0, %arg0 : i32
    "tpu.region"() ({
      %run_scoped3A = tpu.sem_alloc : memref<!tpu.dma_semaphore, #tpu.memory_space<semaphore_mem>>
      %dma_start3A_194 = arith.constant 0 : i32
      %dma_start3A_195 = arith.constant 0 : i32
      %dma_start3A_196 = tpu.memref_slice %arg2[%add3A, %dma_start3A_194, %dma_start3A_195] : memref<32x201x32xi32, #tpu.memory_space<hbm>> -> memref<1x201x32xi32, #tpu.memory_space<hbm>>
      %dma_start3A_197 = tpu.memref_squeeze %dma_start3A_196 : memref<1x201x32xi32, #tpu.memory_space<hbm>> -> memref<201x32xi32, #tpu.memory_space<hbm>>
      %dma_start3A_198 = arith.constant 0 : i32
      %dma_start3A_199 = arith.constant 0 : i32
      %dma_start3A_200 = tpu.memref_slice %arg2[%add3A, %dma_start3A_198, %dma_start3A_199] : memref<32x201x32xi32, #tpu.memory_space<hbm>> -> memref<1x201x32xi32, #tpu.memory_space<hbm>>
      %dma_start3A_201 = tpu.memref_squeeze %dma_start3A_200 : memref<1x201x32xi32, #tpu.memory_space<hbm>> -> memref<201x32xi32, #tpu.memory_space<hbm>>
      tpu.enqueue_dma source(%dma_start3A_201 : memref<201x32xi32, #tpu.memory_space<hbm>>) target(%arg8 : memref<201x32xi32, #tpu.memory_space<vmem>>) target_semaphore(%run_scoped3A : memref<!tpu.dma_semaphore, #tpu.memory_space<semaphore_mem>>)
      %dma_wait3A_202 = arith.constant 0 : i32
      %dma_wait3A_203 = arith.constant 0 : i32
      %dma_wait3A_204 = tpu.memref_slice %arg2[%add3A, %dma_wait3A_202, %dma_wait3A_203] : memref<32x201x32xi32, #tpu.memory_space<hbm>> -> memref<1x201x32xi32, #tpu.memory_space<hbm>>
      %dma_wait3A_205 = tpu.memref_squeeze %dma_wait3A_204 : memref<1x201x32xi32, #tpu.memory_space<hbm>> -> memref<201x32xi32, #tpu.memory_space<hbm>>
      %dma_wait3A_206 = arith.constant 0 : i32
      %dma_wait3A_207 = arith.constant 0 : i32
      %dma_wait3A_208 = tpu.memref_slice %arg2[%add3A, %dma_wait3A_206, %dma_wait3A_207] : memref<32x201x32xi32, #tpu.memory_space<hbm>> -> memref<1x201x32xi32, #tpu.memory_space<hbm>>
      %dma_wait3A_209 = tpu.memref_squeeze %dma_wait3A_208 : memref<1x201x32xi32, #tpu.memory_space<hbm>> -> memref<201x32xi32, #tpu.memory_space<hbm>>
      tpu.wait_dma2 semaphore(%run_scoped3A : memref<!tpu.dma_semaphore, #tpu.memory_space<semaphore_mem>>) src(%dma_wait3A_209 : memref<201x32xi32, #tpu.memory_space<hbm>>) dst(%arg8 : memref<201x32xi32, #tpu.memory_space<vmem>>)
      tpu.yield
    }) : () -> ()
    "tpu.region"() ({
      %run_scoped3A = tpu.sem_alloc : memref<!tpu.dma_semaphore, #tpu.memory_space<semaphore_mem>>
      %dma_start3A_194 = arith.constant 0 : i32
      %dma_start3A_195 = arith.constant 0 : i32
      %dma_start3A_196 = tpu.memref_slice %arg10[%dma_start3A_194, %dma_start3A_195] : memref<224x128xf32, #tpu.memory_space<vmem>> -> memref<200x128xf32, #tpu.memory_space<vmem>>
      %dma_start3A_197 = arith.constant 0 : i32
      %dma_start3A_198 = arith.constant 0 : i32
      %dma_start3A_199 = tpu.memref_slice %arg4[%dma_start3A_197, %dma_start3A_198] : memref<512x128xf32, #tpu.memory_space<hbm>> -> memref<200x128xf32, #tpu.memory_space<hbm>>
      %dma_start3A_200 = arith.constant 0 : i32
      %dma_start3A_201 = arith.constant 0 : i32
      %dma_start3A_202 = tpu.memref_slice %arg10[%dma_start3A_200, %dma_start3A_201] : memref<224x128xf32, #tpu.memory_space<vmem>> -> memref<200x128xf32, #tpu.memory_space<vmem>>
      %dma_start3A_203 = arith.constant 0 : i32
      %dma_start3A_204 = arith.constant 0 : i32
      %dma_start3A_205 = tpu.memref_slice %arg4[%dma_start3A_203, %dma_start3A_204] : memref<512x128xf32, #tpu.memory_space<hbm>> -> memref<200x128xf32, #tpu.memory_space<hbm>>
      tpu.enqueue_dma source(%dma_start3A_205 : memref<200x128xf32, #tpu.memory_space<hbm>>) target(%dma_start3A_202 : memref<200x128xf32, #tpu.memory_space<vmem>>) target_semaphore(%run_scoped3A : memref<!tpu.dma_semaphore, #tpu.memory_space<semaphore_mem>>)
      %dma_wait3A_206 = arith.constant 0 : i32
      %dma_wait3A_207 = arith.constant 0 : i32
      %dma_wait3A_208 = tpu.memref_slice %arg10[%dma_wait3A_206, %dma_wait3A_207] : memref<224x128xf32, #tpu.memory_space<vmem>> -> memref<200x128xf32, #tpu.memory_space<vmem>>
      %dma_wait3A_209 = arith.constant 0 : i32
      %dma_wait3A_210 = arith.constant 0 : i32
      %dma_wait3A_211 = tpu.memref_slice %arg4[%dma_wait3A_209, %dma_wait3A_210] : memref<512x128xf32, #tpu.memory_space<hbm>> -> memref<200x128xf32, #tpu.memory_space<hbm>>
      %dma_wait3A_212 = arith.constant 0 : i32
      %dma_wait3A_213 = arith.constant 0 : i32
      %dma_wait3A_214 = tpu.memref_slice %arg10[%dma_wait3A_212, %dma_wait3A_213] : memref<224x128xf32, #tpu.memory_space<vmem>> -> memref<200x128xf32, #tpu.memory_space<vmem>>
      %dma_wait3A_215 = arith.constant 0 : i32
      %dma_wait3A_216 = arith.constant 0 : i32
      %dma_wait3A_217 = tpu.memref_slice %arg4[%dma_wait3A_215, %dma_wait3A_216] : memref<512x128xf32, #tpu.memory_space<hbm>> -> memref<200x128xf32, #tpu.memory_space<hbm>>
      tpu.wait_dma2 semaphore(%run_scoped3A : memref<!tpu.dma_semaphore, #tpu.memory_space<semaphore_mem>>) src(%dma_wait3A_217 : memref<200x128xf32, #tpu.memory_space<hbm>>) dst(%dma_wait3A_214 : memref<200x128xf32, #tpu.memory_space<vmem>>)
      tpu.yield
    }) : () -> ()
    "tpu.region"() ({
      %run_scoped3A = tpu.sem_alloc : memref<!tpu.dma_semaphore, #tpu.memory_space<semaphore_mem>>
      %dma_start3A_194 = arith.constant 200 : i32
      %dma_start3A_195 = arith.constant 0 : i32
      %dma_start3A_196 = tpu.memref_slice %arg10[%dma_start3A_194, %dma_start3A_195] : memref<224x128xf32, #tpu.memory_space<vmem>> -> memref<24x128xf32, #tpu.memory_space<vmem>>
      %dma_start3A_197 = arith.constant 0 : i32
      %dma_start3A_198 = arith.constant 0 : i32
      %dma_start3A_199 = tpu.memref_slice %arg4[%dma_start3A_197, %dma_start3A_198] : memref<512x128xf32, #tpu.memory_space<hbm>> -> memref<24x128xf32, #tpu.memory_space<hbm>>
      %dma_start3A_200 = arith.constant 200 : i32
      %dma_start3A_201 = arith.constant 0 : i32
      %dma_start3A_202 = tpu.memref_slice %arg10[%dma_start3A_200, %dma_start3A_201] : memref<224x128xf32, #tpu.memory_space<vmem>> -> memref<24x128xf32, #tpu.memory_space<vmem>>
      %dma_start3A_203 = arith.constant 0 : i32
      %dma_start3A_204 = arith.constant 0 : i32
      %dma_start3A_205 = tpu.memref_slice %arg4[%dma_start3A_203, %dma_start3A_204] : memref<512x128xf32, #tpu.memory_space<hbm>> -> memref<24x128xf32, #tpu.memory_space<hbm>>
      tpu.enqueue_dma source(%dma_start3A_205 : memref<24x128xf32, #tpu.memory_space<hbm>>) target(%dma_start3A_202 : memref<24x128xf32, #tpu.memory_space<vmem>>) target_semaphore(%run_scoped3A : memref<!tpu.dma_semaphore, #tpu.memory_space<semaphore_mem>>)
      %dma_wait3A_206 = arith.constant 200 : i32
      %dma_wait3A_207 = arith.constant 0 : i32
      %dma_wait3A_208 = tpu.memref_slice %arg10[%dma_wait3A_206, %dma_wait3A_207] : memref<224x128xf32, #tpu.memory_space<vmem>> -> memref<24x128xf32, #tpu.memory_space<vmem>>
      %dma_wait3A_209 = arith.constant 0 : i32
      %dma_wait3A_210 = arith.constant 0 : i32
      %dma_wait3A_211 = tpu.memref_slice %arg4[%dma_wait3A_209, %dma_wait3A_210] : memref<512x128xf32, #tpu.memory_space<hbm>> -> memref<24x128xf32, #tpu.memory_space<hbm>>
      %dma_wait3A_212 = arith.constant 200 : i32
      %dma_wait3A_213 = arith.constant 0 : i32
      %dma_wait3A_214 = tpu.memref_slice %arg10[%dma_wait3A_212, %dma_wait3A_213] : memref<224x128xf32, #tpu.memory_space<vmem>> -> memref<24x128xf32, #tpu.memory_space<vmem>>
      %dma_wait3A_215 = arith.constant 0 : i32
      %dma_wait3A_216 = arith.constant 0 : i32
      %dma_wait3A_217 = tpu.memref_slice %arg4[%dma_wait3A_215, %dma_wait3A_216] : memref<512x128xf32, #tpu.memory_space<hbm>> -> memref<24x128xf32, #tpu.memory_space<hbm>>
      tpu.wait_dma2 semaphore(%run_scoped3A : memref<!tpu.dma_semaphore, #tpu.memory_space<semaphore_mem>>) src(%dma_wait3A_217 : memref<24x128xf32, #tpu.memory_space<hbm>>) dst(%dma_wait3A_214 : memref<24x128xf32, #tpu.memory_space<vmem>>)
      tpu.yield
    }) : () -> ()
    "tpu.region"() ({
      %run_scoped3A = tpu.sem_alloc : memref<!tpu.dma_semaphore, #tpu.memory_space<semaphore_mem>>
      tpu.enqueue_dma source(%arg5 : memref<128xf32, #tpu.memory_space<hbm>>) target(%arg11 : memref<128xf32, #tpu.memory_space<vmem>>) target_semaphore(%run_scoped3A : memref<!tpu.dma_semaphore, #tpu.memory_space<semaphore_mem>>)
      tpu.wait_dma2 semaphore(%run_scoped3A : memref<!tpu.dma_semaphore, #tpu.memory_space<semaphore_mem>>) src(%arg5 : memref<128xf32, #tpu.memory_space<hbm>>) dst(%arg11 : memref<128xf32, #tpu.memory_space<vmem>>)
      tpu.yield
    }) : () -> ()
    "tpu.region"() ({
      %run_scoped3A = tpu.sem_alloc : memref<!tpu.dma_semaphore, #tpu.memory_space<semaphore_mem>>
      tpu.enqueue_dma source(%arg6 : memref<128xf32, #tpu.memory_space<hbm>>) target(%arg12 : memref<128xf32, #tpu.memory_space<vmem>>) target_semaphore(%run_scoped3A : memref<!tpu.dma_semaphore, #tpu.memory_space<semaphore_mem>>)
      tpu.wait_dma2 semaphore(%run_scoped3A : memref<!tpu.dma_semaphore, #tpu.memory_space<semaphore_mem>>) src(%arg6 : memref<128xf32, #tpu.memory_space<hbm>>) dst(%arg12 : memref<128xf32, #tpu.memory_space<vmem>>)
      tpu.yield
    }) : () -> ()
    %iota3A = tpu.iota {dimensions = array<i32: 0>} : vector<16xi32>
    %xor3A = arith.constant 1 : i32
    %xor3A_1 = vector.broadcast %xor3A : i32 to vector<16xi32>
    %xor3A_2 = arith.xori %iota3A, %xor3A_1 : vector<16xi32>
    %xor3A_3 = arith.constant 2 : i32
    %xor3A_4 = vector.broadcast %xor3A_3 : i32 to vector<16xi32>
    %xor3A_5 = arith.xori %iota3A, %xor3A_4 : vector<16xi32>
    %xor3A_6 = arith.constant 4 : i32
    %xor3A_7 = vector.broadcast %xor3A_6 : i32 to vector<16xi32>
    %xor3A_8 = arith.xori %iota3A, %xor3A_7 : vector<16xi32>
    %xor3A_9 = arith.constant 8 : i32
    %xor3A_10 = vector.broadcast %xor3A_9 : i32 to vector<16xi32>
    %xor3A_11 = arith.xori %iota3A, %xor3A_10 : vector<16xi32>
    %get3A = arith.constant 0 : index
    %get3A_12 = tpu.vector_load %arg11[%get3A] {strides = array<i32>} : memref<128xf32, #tpu.memory_space<vmem>>, vector<16xf32>,
    %get3A_13 = arith.constant 16 : index
    %get3A_14 = tpu.vector_load %arg11[%get3A_13] {strides = array<i32>} : memref<128xf32, #tpu.memory_space<vmem>>, vector<16xf32>,
    %get3A_15 = arith.constant 32 : index
    %get3A_16 = tpu.vector_load %arg11[%get3A_15] {strides = array<i32>} : memref<128xf32, #tpu.memory_space<vmem>>, vector<16xf32>,
    %get3A_17 = arith.constant 48 : index
    %get3A_18 = tpu.vector_load %arg11[%get3A_17] {strides = array<i32>} : memref<128xf32, #tpu.memory_space<vmem>>, vector<16xf32>,
    %get3A_19 = arith.constant 64 : index
    %get3A_20 = tpu.vector_load %arg11[%get3A_19] {strides = array<i32>} : memref<128xf32, #tpu.memory_space<vmem>>, vector<16xf32>,
    %get3A_21 = arith.constant 80 : index
    %get3A_22 = tpu.vector_load %arg11[%get3A_21] {strides = array<i32>} : memref<128xf32, #tpu.memory_space<vmem>>, vector<16xf32>,
    %get3A_23 = arith.constant 96 : index
    %get3A_24 = tpu.vector_load %arg11[%get3A_23] {strides = array<i32>} : memref<128xf32, #tpu.memory_space<vmem>>, vector<16xf32>,
    %get3A_25 = arith.constant 112 : index
    %get3A_26 = tpu.vector_load %arg11[%get3A_25] {strides = array<i32>} : memref<128xf32, #tpu.memory_space<vmem>>, vector<16xf32>,
    %get3A_27 = arith.constant 0 : index
    %get3A_28 = tpu.vector_load %arg12[%get3A_27] {strides = array<i32>} : memref<128xf32, #tpu.memory_space<vmem>>, vector<16xf32>,
    %get3A_29 = arith.constant 16 : index
    %get3A_30 = tpu.vector_load %arg12[%get3A_29] {strides = array<i32>} : memref<128xf32, #tpu.memory_space<vmem>>, vector<16xf32>,
    %get3A_31 = arith.constant 32 : index
    %get3A_32 = tpu.vector_load %arg12[%get3A_31] {strides = array<i32>} : memref<128xf32, #tpu.memory_space<vmem>>, vector<16xf32>,
    %get3A_33 = arith.constant 48 : index
    %get3A_34 = tpu.vector_load %arg12[%get3A_33] {strides = array<i32>} : memref<128xf32, #tpu.memory_space<vmem>>, vector<16xf32>,
    %get3A_35 = arith.constant 64 : index
    %get3A_36 = tpu.vector_load %arg12[%get3A_35] {strides = array<i32>} : memref<128xf32, #tpu.memory_space<vmem>>, vector<16xf32>,
    %get3A_37 = arith.constant 80 : index
    %get3A_38 = tpu.vector_load %arg12[%get3A_37] {strides = array<i32>} : memref<128xf32, #tpu.memory_space<vmem>>, vector<16xf32>,
    %get3A_39 = arith.constant 96 : index
    %get3A_40 = tpu.vector_load %arg12[%get3A_39] {strides = array<i32>} : memref<128xf32, #tpu.memory_space<vmem>>, vector<16xf32>,
    %get3A_41 = arith.constant 112 : index
    %get3A_42 = tpu.vector_load %arg12[%get3A_41] {strides = array<i32>} : memref<128xf32, #tpu.memory_space<vmem>>, vector<16xf32>,
    %dma_start3A = arith.constant 0 : i32
    %dma_start3A_43 = arith.constant 0 : i32
    %dma_start3A_44 = arith.constant 0 : i32
    %dma_start3A_45 = arith.constant 0 : i32
    %dma_start3A_46 = tpu.memref_slice %arg9[%dma_start3A_43, %dma_start3A_44, %dma_start3A_45] : memref<2x32x128xf32, #tpu.memory_space<vmem>> -> memref<1x32x128xf32, #tpu.memory_space<vmem>>
    %dma_start3A_47 = tpu.memref_squeeze %dma_start3A_46 : memref<1x32x128xf32, #tpu.memory_space<vmem>> -> memref<32x128xf32, #tpu.memory_space<vmem>>
    %dma_start3A_48 = arith.constant 0 : i32
    %dma_start3A_49 = tpu.memref_slice %arg8[%dma_start3A, %dma_start3A_48] : memref<201x32xi32, #tpu.memory_space<vmem>> -> memref<1x32xi32, #tpu.memory_space<vmem>>
    %dma_start3A_50 = tpu.memref_squeeze %dma_start3A_49 : memref<1x32xi32, #tpu.memory_space<vmem>> -> memref<32xi32, #tpu.memory_space<vmem>>
    %dma_start3A_51 = arith.constant 0 : i32
    %dma_start3A_52 = arith.constant 0 : i32
    %dma_start3A_53 = tpu.memref_slice %arg3[%dma_start3A_51, %dma_start3A_52] : memref<100000x128xf32, #tpu.memory_space<hbm>> -> memref<100000x128xf32, #tpu.memory_space<hbm>>
    tpu.enqueue_indirect_dma source(%dma_start3A_53 : memref<100000x128xf32, #tpu.memory_space<hbm>>) target(%dma_start3A_47 : memref<32x128xf32, #tpu.memory_space<vmem>>) offsets(%dma_start3A_50 : memref<32xi32, #tpu.memory_space<vmem>>) semaphore(%arg13 : memref<!tpu.dma_semaphore, #tpu.memory_space<semaphore_mem>>)
    %dma_start3A_54 = arith.constant 1 : i32
    %dma_start3A_55 = arith.constant 1 : i32
    %dma_start3A_56 = arith.constant 0 : i32
    %dma_start3A_57 = arith.constant 0 : i32
    %dma_start3A_58 = tpu.memref_slice %arg9[%dma_start3A_55, %dma_start3A_56, %dma_start3A_57] : memref<2x32x128xf32, #tpu.memory_space<vmem>> -> memref<1x32x128xf32, #tpu.memory_space<vmem>>
    %dma_start3A_59 = tpu.memref_squeeze %dma_start3A_58 : memref<1x32x128xf32, #tpu.memory_space<vmem>> -> memref<32x128xf32, #tpu.memory_space<vmem>>
    %dma_start3A_60 = arith.constant 0 : i32
    %dma_start3A_61 = tpu.memref_slice %arg8[%dma_start3A_54, %dma_start3A_60] : memref<201x32xi32, #tpu.memory_space<vmem>> -> memref<1x32xi32, #tpu.memory_space<vmem>>
    %dma_start3A_62 = tpu.memref_squeeze %dma_start3A_61 : memref<1x32xi32, #tpu.memory_space<vmem>> -> memref<32xi32, #tpu.memory_space<vmem>>
    %dma_start3A_63 = arith.constant 0 : i32
    %dma_start3A_64 = arith.constant 0 : i32
    %dma_start3A_65 = tpu.memref_slice %arg3[%dma_start3A_63, %dma_start3A_64] : memref<100000x128xf32, #tpu.memory_space<hbm>> -> memref<100000x128xf32, #tpu.memory_space<hbm>>
    tpu.enqueue_indirect_dma source(%dma_start3A_65 : memref<100000x128xf32, #tpu.memory_space<hbm>>) target(%dma_start3A_59 : memref<32x128xf32, #tpu.memory_space<vmem>>) offsets(%dma_start3A_62 : memref<32xi32, #tpu.memory_space<vmem>>) semaphore(%arg14 : memref<!tpu.dma_semaphore, #tpu.memory_space<semaphore_mem>>)
    %dma_wait3A = arith.constant 0 : i32
    %dma_wait3A_66 = arith.constant 0 : i32
    %dma_wait3A_67 = arith.constant 0 : i32
    %dma_wait3A_68 = arith.constant 0 : i32
    %dma_wait3A_69 = tpu.memref_slice %arg9[%dma_wait3A_66, %dma_wait3A_67, %dma_wait3A_68] : memref<2x32x128xf32, #tpu.memory_space<vmem>> -> memref<1x32x128xf32, #tpu.memory_space<vmem>>
    %dma_wait3A_70 = tpu.memref_squeeze %dma_wait3A_69 : memref<1x32x128xf32, #tpu.memory_space<vmem>> -> memref<32x128xf32, #tpu.memory_space<vmem>>
    %dma_wait3A_71 = arith.constant 0 : i32
    %dma_wait3A_72 = tpu.memref_slice %arg8[%dma_wait3A, %dma_wait3A_71] : memref<201x32xi32, #tpu.memory_space<vmem>> -> memref<1x32xi32, #tpu.memory_space<vmem>>
    %dma_wait3A_73 = tpu.memref_squeeze %dma_wait3A_72 : memref<1x32xi32, #tpu.memory_space<vmem>> -> memref<32xi32, #tpu.memory_space<vmem>>
    %dma_wait3A_74 = arith.constant 0 : i32
    %dma_wait3A_75 = arith.constant 0 : i32
    %dma_wait3A_76 = tpu.memref_slice %arg3[%dma_wait3A_74, %dma_wait3A_75] : memref<100000x128xf32, #tpu.memory_space<hbm>> -> memref<100000x128xf32, #tpu.memory_space<hbm>>
    tpu.wait_indirect_dma semaphore(%arg13 : memref<!tpu.dma_semaphore, #tpu.memory_space<semaphore_mem>>) src(%dma_wait3A_76 : memref<100000x128xf32, #tpu.memory_space<hbm>>) dst(%dma_wait3A_70 : memref<32x128xf32, #tpu.memory_space<vmem>>)
    %rem3A = arith.constant 0 : i32
    %rem3A_77 = arith.constant 200 : i32
    %rem3A_78 = arith.remsi %rem3A, %rem3A_77 : i32
    %parallel_loop3A = arith.constant 0 : i32
    %parallel_loop3A_79 = arith.constant 32 : i32
    %parallel_loop3A_80 = arith.constant 1 : i32
    scf.for %parallel_loop3A_194 = %parallel_loop3A to %parallel_loop3A_79 step %parallel_loop3A_80  : i32 {
      %parallel_loop3A_195 = arith.constant 0 : i32
      %parallel_loop3A_196 = arith.index_cast %parallel_loop3A_195 : i32 to index
      %parallel_loop3A_197 = arith.index_cast %parallel_loop3A_194 : i32 to index
      %parallel_loop3A_198 = arith.constant 0 : index
      %parallel_loop3A_199 = tpu.vector_load %arg9[%parallel_loop3A_196, %parallel_loop3A_197, %parallel_loop3A_198] {strides = array<i32>} : memref<2x32x128xf32, #tpu.memory_space<vmem>>, vector<16xf32>,
      %parallel_loop3A_200 = arith.addi %rem3A_78, %parallel_loop3A_194 : i32
      %parallel_loop3A_201 = arith.index_cast %parallel_loop3A_200 : i32 to index
      %parallel_loop3A_202 = arith.constant 0 : index
      %parallel_loop3A_203 = tpu.vector_load %arg10[%parallel_loop3A_201, %parallel_loop3A_202] {strides = array<i32>} : memref<224x128xf32, #tpu.memory_space<vmem>>, vector<16xf32>,
      %parallel_loop3A_204 = arith.addf %parallel_loop3A_199, %parallel_loop3A_203 : vector<16xf32>
      %parallel_loop3A_205 = arith.constant 0 : i32
      %parallel_loop3A_206 = arith.index_cast %parallel_loop3A_205 : i32 to index
      %parallel_loop3A_207 = arith.index_cast %parallel_loop3A_194 : i32 to index
      %parallel_loop3A_208 = arith.constant 16 : index
      %parallel_loop3A_209 = tpu.vector_load %arg9[%parallel_loop3A_206, %parallel_loop3A_207, %parallel_loop3A_208] {strides = array<i32>} : memref<2x32x128xf32, #tpu.memory_space<vmem>>, vector<16xf32>,
      %parallel_loop3A_210 = arith.addi %rem3A_78, %parallel_loop3A_194 : i32
      %parallel_loop3A_211 = arith.index_cast %parallel_loop3A_210 : i32 to index
      %parallel_loop3A_212 = arith.constant 16 : index
      %parallel_loop3A_213 = tpu.vector_load %arg10[%parallel_loop3A_211, %parallel_loop3A_212] {strides = array<i32>} : memref<224x128xf32, #tpu.memory_space<vmem>>, vector<16xf32>,
      %parallel_loop3A_214 = arith.addf %parallel_loop3A_209, %parallel_loop3A_213 : vector<16xf32>
      %parallel_loop3A_215 = arith.constant 0 : i32
      %parallel_loop3A_216 = arith.index_cast %parallel_loop3A_215 : i32 to index
      %parallel_loop3A_217 = arith.index_cast %parallel_loop3A_194 : i32 to index
      %parallel_loop3A_218 = arith.constant 32 : index
      %parallel_loop3A_219 = tpu.vector_load %arg9[%parallel_loop3A_216, %parallel_loop3A_217, %parallel_loop3A_218] {strides = array<i32>} : memref<2x32x128xf32, #tpu.memory_space<vmem>>, vector<16xf32>,
      %parallel_loop3A_220 = arith.addi %rem3A_78, %parallel_loop3A_194 : i32
      %parallel_loop3A_221 = arith.index_cast %parallel_loop3A_220 : i32 to index
      %parallel_loop3A_222 = arith.constant 32 : index
      %parallel_loop3A_223 = tpu.vector_load %arg10[%parallel_loop3A_221, %parallel_loop3A_222] {strides = array<i32>} : memref<224x128xf32, #tpu.memory_space<vmem>>, vector<16xf32>,
      %parallel_loop3A_224 = arith.addf %parallel_loop3A_219, %parallel_loop3A_223 : vector<16xf32>
      %parallel_loop3A_225 = arith.constant 0 : i32
      %parallel_loop3A_226 = arith.index_cast %parallel_loop3A_225 : i32 to index
      %parallel_loop3A_227 = arith.index_cast %parallel_loop3A_194 : i32 to index
      %parallel_loop3A_228 = arith.constant 48 : index
      %parallel_loop3A_229 = tpu.vector_load %arg9[%parallel_loop3A_226, %parallel_loop3A_227, %parallel_loop3A_228] {strides = array<i32>} : memref<2x32x128xf32, #tpu.memory_space<vmem>>, vector<16xf32>,
      %parallel_loop3A_230 = arith.addi %rem3A_78, %parallel_loop3A_194 : i32
      %parallel_loop3A_231 = arith.index_cast %parallel_loop3A_230 : i32 to index
      %parallel_loop3A_232 = arith.constant 48 : index
      %parallel_loop3A_233 = tpu.vector_load %arg10[%parallel_loop3A_231, %parallel_loop3A_232] {strides = array<i32>} : memref<224x128xf32, #tpu.memory_space<vmem>>, vector<16xf32>,
      %parallel_loop3A_234 = arith.addf %parallel_loop3A_229, %parallel_loop3A_233 : vector<16xf32>
      %parallel_loop3A_235 = arith.constant 0 : i32
      %parallel_loop3A_236 = arith.index_cast %parallel_loop3A_235 : i32 to index
      %parallel_loop3A_237 = arith.index_cast %parallel_loop3A_194 : i32 to index
      %parallel_loop3A_238 = arith.constant 64 : index
      %parallel_loop3A_239 = tpu.vector_load %arg9[%parallel_loop3A_236, %parallel_loop3A_237, %parallel_loop3A_238] {strides = array<i32>} : memref<2x32x128xf32, #tpu.memory_space<vmem>>, vector<16xf32>,
      %parallel_loop3A_240 = arith.addi %rem3A_78, %parallel_loop3A_194 : i32
      %parallel_loop3A_241 = arith.index_cast %parallel_loop3A_240 : i32 to index
      %parallel_loop3A_242 = arith.constant 64 : index
      %parallel_loop3A_243 = tpu.vector_load %arg10[%parallel_loop3A_241, %parallel_loop3A_242] {strides = array<i32>} : memref<224x128xf32, #tpu.memory_space<vmem>>, vector<16xf32>,
      %parallel_loop3A_244 = arith.addf %parallel_loop3A_239, %parallel_loop3A_243 : vector<16xf32>
      %parallel_loop3A_245 = arith.constant 0 : i32
      %parallel_loop3A_246 = arith.index_cast %parallel_loop3A_245 : i32 to index
      %parallel_loop3A_247 = arith.index_cast %parallel_loop3A_194 : i32 to index
      %parallel_loop3A_248 = arith.constant 80 : index
      %parallel_loop3A_249 = tpu.vector_load %arg9[%parallel_loop3A_246, %parallel_loop3A_247, %parallel_loop3A_248] {strides = array<i32>} : memref<2x32x128xf32, #tpu.memory_space<vmem>>, vector<16xf32>,
      %parallel_loop3A_250 = arith.addi %rem3A_78, %parallel_loop3A_194 : i32
      %parallel_loop3A_251 = arith.index_cast %parallel_loop3A_250 : i32 to index
      %parallel_loop3A_252 = arith.constant 80 : index
      %parallel_loop3A_253 = tpu.vector_load %arg10[%parallel_loop3A_251, %parallel_loop3A_252] {strides = array<i32>} : memref<224x128xf32, #tpu.memory_space<vmem>>, vector<16xf32>,
      %parallel_loop3A_254 = arith.addf %parallel_loop3A_249, %parallel_loop3A_253 : vector<16xf32>
      %parallel_loop3A_255 = arith.constant 0 : i32
      %parallel_loop3A_256 = arith.index_cast %parallel_loop3A_255 : i32 to index
      %parallel_loop3A_257 = arith.index_cast %parallel_loop3A_194 : i32 to index
      %parallel_loop3A_258 = arith.constant 96 : index
      %parallel_loop3A_259 = tpu.vector_load %arg9[%parallel_loop3A_256, %parallel_loop3A_257, %parallel_loop3A_258] {strides = array<i32>} : memref<2x32x128xf32, #tpu.memory_space<vmem>>, vector<16xf32>,
      %parallel_loop3A_260 = arith.addi %rem3A_78, %parallel_loop3A_194 : i32
      %parallel_loop3A_261 = arith.index_cast %parallel_loop3A_260 : i32 to index
      %parallel_loop3A_262 = arith.constant 96 : index
      %parallel_loop3A_263 = tpu.vector_load %arg10[%parallel_loop3A_261, %parallel_loop3A_262] {strides = array<i32>} : memref<224x128xf32, #tpu.memory_space<vmem>>, vector<16xf32>,
      %parallel_loop3A_264 = arith.addf %parallel_loop3A_259, %parallel_loop3A_263 : vector<16xf32>
      %parallel_loop3A_265 = arith.constant 0 : i32
      %parallel_loop3A_266 = arith.index_cast %parallel_loop3A_265 : i32 to index
      %parallel_loop3A_267 = arith.index_cast %parallel_loop3A_194 : i32 to index
      %parallel_loop3A_268 = arith.constant 112 : index
      %parallel_loop3A_269 = tpu.vector_load %arg9[%parallel_loop3A_266, %parallel_loop3A_267, %parallel_loop3A_268] {strides = array<i32>} : memref<2x32x128xf32, #tpu.memory_space<vmem>>, vector<16xf32>,
      %parallel_loop3A_270 = arith.addi %rem3A_78, %parallel_loop3A_194 : i32
      %parallel_loop3A_271 = arith.index_cast %parallel_loop3A_270 : i32 to index
      %parallel_loop3A_272 = arith.constant 112 : index
      %parallel_loop3A_273 = tpu.vector_load %arg10[%parallel_loop3A_271, %parallel_loop3A_272] {strides = array<i32>} : memref<224x128xf32, #tpu.memory_space<vmem>>, vector<16xf32>,
      %parallel_loop3A_274 = arith.addf %parallel_loop3A_269, %parallel_loop3A_273 : vector<16xf32>
      %parallel_loop3A_275 = arith.addf %parallel_loop3A_204, %parallel_loop3A_214 : vector<16xf32>
      %parallel_loop3A_276 = arith.addf %parallel_loop3A_224, %parallel_loop3A_234 : vector<16xf32>
      %parallel_loop3A_277 = arith.addf %parallel_loop3A_275, %parallel_loop3A_276 : vector<16xf32>
      %parallel_loop3A_278 = arith.addf %parallel_loop3A_244, %parallel_loop3A_254 : vector<16xf32>
      %parallel_loop3A_279 = arith.addf %parallel_loop3A_264, %parallel_loop3A_274 : vector<16xf32>
      %parallel_loop3A_280 = arith.addf %parallel_loop3A_278, %parallel_loop3A_279 : vector<16xf32>
      %parallel_loop3A_281 = arith.addf %parallel_loop3A_277, %parallel_loop3A_280 : vector<16xf32>
      %parallel_loop3A_282 = arith.mulf %parallel_loop3A_204, %parallel_loop3A_204 : vector<16xf32>
      %parallel_loop3A_283 = arith.mulf %parallel_loop3A_214, %parallel_loop3A_214 : vector<16xf32>
      %parallel_loop3A_284 = arith.addf %parallel_loop3A_282, %parallel_loop3A_283 : vector<16xf32>
      %parallel_loop3A_285 = arith.mulf %parallel_loop3A_224, %parallel_loop3A_224 : vector<16xf32>
      %parallel_loop3A_286 = arith.mulf %parallel_loop3A_234, %parallel_loop3A_234 : vector<16xf32>
      %parallel_loop3A_287 = arith.addf %parallel_loop3A_285, %parallel_loop3A_286 : vector<16xf32>
      %parallel_loop3A_288 = arith.addf %parallel_loop3A_284, %parallel_loop3A_287 : vector<16xf32>
      %parallel_loop3A_289 = arith.mulf %parallel_loop3A_244, %parallel_loop3A_244 : vector<16xf32>
      %parallel_loop3A_290 = arith.mulf %parallel_loop3A_254, %parallel_loop3A_254 : vector<16xf32>
      %parallel_loop3A_291 = arith.addf %parallel_loop3A_289, %parallel_loop3A_290 : vector<16xf32>
      %parallel_loop3A_292 = arith.mulf %parallel_loop3A_264, %parallel_loop3A_264 : vector<16xf32>
      %parallel_loop3A_293 = arith.mulf %parallel_loop3A_274, %parallel_loop3A_274 : vector<16xf32>
      %parallel_loop3A_294 = arith.addf %parallel_loop3A_292, %parallel_loop3A_293 : vector<16xf32>
      %parallel_loop3A_295 = arith.addf %parallel_loop3A_291, %parallel_loop3A_294 : vector<16xf32>
      %parallel_loop3A_296 = arith.addf %parallel_loop3A_288, %parallel_loop3A_295 : vector<16xf32>
      %parallel_loop3A_297 = arith.constant 0 : i32
      %parallel_loop3A_298 = vector.broadcast %parallel_loop3A_297 : i32 to vector<16xi32>
      %parallel_loop3A_299 = arith.cmpi slt, %xor3A_2, %parallel_loop3A_298 : vector<16xi32>
      %parallel_loop3A_300 = arith.constant 16 : i32
      %parallel_loop3A_301 = vector.broadcast %parallel_loop3A_300 : i32 to vector<16xi32>
      %parallel_loop3A_302 = arith.addi %xor3A_2, %parallel_loop3A_301 : vector<16xi32>
      %parallel_loop3A_303 = arith.select %parallel_loop3A_299, %parallel_loop3A_302, %xor3A_2 : vector<16xi1>, vector<16xi32>
      %parallel_loop3A_304 = vector.shape_cast %parallel_loop3A_303 : vector<16xi32> to vector<16x1xi32>
      %parallel_loop3A_305 = vector.shape_cast %parallel_loop3A_304 : vector<16x1xi32> to vector<16xi32>
      %parallel_loop3A_306 = tpu.dynamic_gather %parallel_loop3A_281[%parallel_loop3A_305] in [0] : vector<16xf32>, vector<16xi32> -> vector<16xf32>
      %parallel_loop3A_307 = arith.addf %parallel_loop3A_281, %parallel_loop3A_306 : vector<16xf32>
      %parallel_loop3A_308 = arith.constant 0 : i32
      %parallel_loop3A_309 = vector.broadcast %parallel_loop3A_308 : i32 to vector<16xi32>
      %parallel_loop3A_310 = arith.cmpi slt, %xor3A_2, %parallel_loop3A_309 : vector<16xi32>
      %parallel_loop3A_311 = arith.constant 16 : i32
      %parallel_loop3A_312 = vector.broadcast %parallel_loop3A_311 : i32 to vector<16xi32>
      %parallel_loop3A_313 = arith.addi %xor3A_2, %parallel_loop3A_312 : vector<16xi32>
      %parallel_loop3A_314 = arith.select %parallel_loop3A_310, %parallel_loop3A_313, %xor3A_2 : vector<16xi1>, vector<16xi32>
      %parallel_loop3A_315 = vector.shape_cast %parallel_loop3A_314 : vector<16xi32> to vector<16x1xi32>
      %parallel_loop3A_316 = vector.shape_cast %parallel_loop3A_315 : vector<16x1xi32> to vector<16xi32>
      %parallel_loop3A_317 = tpu.dynamic_gather %parallel_loop3A_296[%parallel_loop3A_316] in [0] : vector<16xf32>, vector<16xi32> -> vector<16xf32>
      %parallel_loop3A_318 = arith.addf %parallel_loop3A_296, %parallel_loop3A_317 : vector<16xf32>
      %parallel_loop3A_319 = arith.constant 0 : i32
      %parallel_loop3A_320 = vector.broadcast %parallel_loop3A_319 : i32 to vector<16xi32>
      %parallel_loop3A_321 = arith.cmpi slt, %xor3A_5, %parallel_loop3A_320 : vector<16xi32>
      %parallel_loop3A_322 = arith.constant 16 : i32
      %parallel_loop3A_323 = vector.broadcast %parallel_loop3A_322 : i32 to vector<16xi32>
      %parallel_loop3A_324 = arith.addi %xor3A_5, %parallel_loop3A_323 : vector<16xi32>
      %parallel_loop3A_325 = arith.select %parallel_loop3A_321, %parallel_loop3A_324, %xor3A_5 : vector<16xi1>, vector<16xi32>
      %parallel_loop3A_326 = vector.shape_cast %parallel_loop3A_325 : vector<16xi32> to vector<16x1xi32>
      %parallel_loop3A_327 = vector.shape_cast %parallel_loop3A_326 : vector<16x1xi32> to vector<16xi32>
      %parallel_loop3A_328 = tpu.dynamic_gather %parallel_loop3A_307[%parallel_loop3A_327] in [0] : vector<16xf32>, vector<16xi32> -> vector<16xf32>
      %parallel_loop3A_329 = arith.addf %parallel_loop3A_307, %parallel_loop3A_328 : vector<16xf32>
      %parallel_loop3A_330 = arith.constant 0 : i32
      %parallel_loop3A_331 = vector.broadcast %parallel_loop3A_330 : i32 to vector<16xi32>
      %parallel_loop3A_332 = arith.cmpi slt, %xor3A_5, %parallel_loop3A_331 : vector<16xi32>
      %parallel_loop3A_333 = arith.constant 16 : i32
      %parallel_loop3A_334 = vector.broadcast %parallel_loop3A_333 : i32 to vector<16xi32>
      %parallel_loop3A_335 = arith.addi %xor3A_5, %parallel_loop3A_334 : vector<16xi32>
      %parallel_loop3A_336 = arith.select %parallel_loop3A_332, %parallel_loop3A_335, %xor3A_5 : vector<16xi1>, vector<16xi32>
      %parallel_loop3A_337 = vector.shape_cast %parallel_loop3A_336 : vector<16xi32> to vector<16x1xi32>
      %parallel_loop3A_338 = vector.shape_cast %parallel_loop3A_337 : vector<16x1xi32> to vector<16xi32>
      %parallel_loop3A_339 = tpu.dynamic_gather %parallel_loop3A_318[%parallel_loop3A_338] in [0] : vector<16xf32>, vector<16xi32> -> vector<16xf32>
      %parallel_loop3A_340 = arith.addf %parallel_loop3A_318, %parallel_loop3A_339 : vector<16xf32>
      %parallel_loop3A_341 = arith.constant 0 : i32
      %parallel_loop3A_342 = vector.broadcast %parallel_loop3A_341 : i32 to vector<16xi32>
      %parallel_loop3A_343 = arith.cmpi slt, %xor3A_8, %parallel_loop3A_342 : vector<16xi32>
      %parallel_loop3A_344 = arith.constant 16 : i32
      %parallel_loop3A_345 = vector.broadcast %parallel_loop3A_344 : i32 to vector<16xi32>
      %parallel_loop3A_346 = arith.addi %xor3A_8, %parallel_loop3A_345 : vector<16xi32>
      %parallel_loop3A_347 = arith.select %parallel_loop3A_343, %parallel_loop3A_346, %xor3A_8 : vector<16xi1>, vector<16xi32>
      %parallel_loop3A_348 = vector.shape_cast %parallel_loop3A_347 : vector<16xi32> to vector<16x1xi32>
      %parallel_loop3A_349 = vector.shape_cast %parallel_loop3A_348 : vector<16x1xi32> to vector<16xi32>
      %parallel_loop3A_350 = tpu.dynamic_gather %parallel_loop3A_329[%parallel_loop3A_349] in [0] : vector<16xf32>, vector<16xi32> -> vector<16xf32>
      %parallel_loop3A_351 = arith.addf %parallel_loop3A_329, %parallel_loop3A_350 : vector<16xf32>
      %parallel_loop3A_352 = arith.constant 0 : i32
      %parallel_loop3A_353 = vector.broadcast %parallel_loop3A_352 : i32 to vector<16xi32>
      %parallel_loop3A_354 = arith.cmpi slt, %xor3A_8, %parallel_loop3A_353 : vector<16xi32>
      %parallel_loop3A_355 = arith.constant 16 : i32
      %parallel_loop3A_356 = vector.broadcast %parallel_loop3A_355 : i32 to vector<16xi32>
      %parallel_loop3A_357 = arith.addi %xor3A_8, %parallel_loop3A_356 : vector<16xi32>
      %parallel_loop3A_358 = arith.select %parallel_loop3A_354, %parallel_loop3A_357, %xor3A_8 : vector<16xi1>, vector<16xi32>
      %parallel_loop3A_359 = vector.shape_cast %parallel_loop3A_358 : vector<16xi32> to vector<16x1xi32>
      %parallel_loop3A_360 = vector.shape_cast %parallel_loop3A_359 : vector<16x1xi32> to vector<16xi32>
      %parallel_loop3A_361 = tpu.dynamic_gather %parallel_loop3A_340[%parallel_loop3A_360] in [0] : vector<16xf32>, vector<16xi32> -> vector<16xf32>
      %parallel_loop3A_362 = arith.addf %parallel_loop3A_340, %parallel_loop3A_361 : vector<16xf32>
      %parallel_loop3A_363 = arith.constant 0 : i32
      %parallel_loop3A_364 = vector.broadcast %parallel_loop3A_363 : i32 to vector<16xi32>
      %parallel_loop3A_365 = arith.cmpi slt, %xor3A_11, %parallel_loop3A_364 : vector<16xi32>
      %parallel_loop3A_366 = arith.constant 16 : i32
      %parallel_loop3A_367 = vector.broadcast %parallel_loop3A_366 : i32 to vector<16xi32>
      %parallel_loop3A_368 = arith.addi %xor3A_11, %parallel_loop3A_367 : vector<16xi32>
      %parallel_loop3A_369 = arith.select %parallel_loop3A_365, %parallel_loop3A_368, %xor3A_11 : vector<16xi1>, vector<16xi32>
      %parallel_loop3A_370 = vector.shape_cast %parallel_loop3A_369 : vector<16xi32> to vector<16x1xi32>
      %parallel_loop3A_371 = vector.shape_cast %parallel_loop3A_370 : vector<16x1xi32> to vector<16xi32>
      %parallel_loop3A_372 = tpu.dynamic_gather %parallel_loop3A_351[%parallel_loop3A_371] in [0] : vector<16xf32>, vector<16xi32> -> vector<16xf32>
      %parallel_loop3A_373 = arith.addf %parallel_loop3A_351, %parallel_loop3A_372 : vector<16xf32>
      %parallel_loop3A_374 = arith.constant 0 : i32
      %parallel_loop3A_375 = vector.broadcast %parallel_loop3A_374 : i32 to vector<16xi32>
      %parallel_loop3A_376 = arith.cmpi slt, %xor3A_11, %parallel_loop3A_375 : vector<16xi32>
      %parallel_loop3A_377 = arith.constant 16 : i32
      %parallel_loop3A_378 = vector.broadcast %parallel_loop3A_377 : i32 to vector<16xi32>
      %parallel_loop3A_379 = arith.addi %xor3A_11, %parallel_loop3A_378 : vector<16xi32>
      %parallel_loop3A_380 = arith.select %parallel_loop3A_376, %parallel_loop3A_379, %xor3A_11 : vector<16xi1>, vector<16xi32>
      %parallel_loop3A_381 = vector.shape_cast %parallel_loop3A_380 : vector<16xi32> to vector<16x1xi32>
      %parallel_loop3A_382 = vector.shape_cast %parallel_loop3A_381 : vector<16x1xi32> to vector<16xi32>
      %parallel_loop3A_383 = tpu.dynamic_gather %parallel_loop3A_362[%parallel_loop3A_382] in [0] : vector<16xf32>, vector<16xi32> -> vector<16xf32>
      %parallel_loop3A_384 = arith.addf %parallel_loop3A_362, %parallel_loop3A_383 : vector<16xf32>
      %parallel_loop3A_385 = arith.constant 7.812500e-03 : f32
      %parallel_loop3A_386 = vector.broadcast %parallel_loop3A_385 : f32 to vector<16xf32>
      %parallel_loop3A_387 = arith.mulf %parallel_loop3A_373, %parallel_loop3A_386 : vector<16xf32>
      %parallel_loop3A_388 = arith.constant 7.812500e-03 : f32
      %parallel_loop3A_389 = vector.broadcast %parallel_loop3A_388 : f32 to vector<16xf32>
      %parallel_loop3A_390 = arith.mulf %parallel_loop3A_384, %parallel_loop3A_389 : vector<16xf32>
      %parallel_loop3A_391 = arith.mulf %parallel_loop3A_387, %parallel_loop3A_387 : vector<16xf32>
      %parallel_loop3A_392 = arith.subf %parallel_loop3A_390, %parallel_loop3A_391 : vector<16xf32>
      %parallel_loop3A_393 = arith.constant 9.99999996E-13 : f32
      %parallel_loop3A_394 = vector.broadcast %parallel_loop3A_393 : f32 to vector<16xf32>
      %parallel_loop3A_395 = arith.addf %parallel_loop3A_392, %parallel_loop3A_394 : vector<16xf32>
      %parallel_loop3A_396 = vector.bitcast %parallel_loop3A_395 : vector<16xf32> to vector<16xi32>
      %parallel_loop3A_397 = arith.constant 1 : i32
      %parallel_loop3A_398 = vector.broadcast %parallel_loop3A_397 : i32 to vector<16xi32>
      %parallel_loop3A_399 = arith.shrui %parallel_loop3A_396, %parallel_loop3A_398 : vector<16xi32>
      %parallel_loop3A_400 = arith.constant 1597463007 : i32
      %parallel_loop3A_401 = vector.broadcast %parallel_loop3A_400 : i32 to vector<16xi32>
      %parallel_loop3A_402 = arith.subi %parallel_loop3A_401, %parallel_loop3A_399 : vector<16xi32>
      %parallel_loop3A_403 = vector.bitcast %parallel_loop3A_402 : vector<16xi32> to vector<16xf32>
      %parallel_loop3A_404 = arith.constant 5.000000e-01 : f32
      %parallel_loop3A_405 = vector.broadcast %parallel_loop3A_404 : f32 to vector<16xf32>
      %parallel_loop3A_406 = arith.mulf %parallel_loop3A_405, %parallel_loop3A_395 : vector<16xf32>
      %parallel_loop3A_407 = arith.mulf %parallel_loop3A_406, %parallel_loop3A_403 : vector<16xf32>
      %parallel_loop3A_408 = arith.mulf %parallel_loop3A_407, %parallel_loop3A_403 : vector<16xf32>
      %parallel_loop3A_409 = arith.constant 1.500000e+00 : f32
      %parallel_loop3A_410 = vector.broadcast %parallel_loop3A_409 : f32 to vector<16xf32>
      %parallel_loop3A_411 = arith.subf %parallel_loop3A_410, %parallel_loop3A_408 : vector<16xf32>
      %parallel_loop3A_412 = arith.mulf %parallel_loop3A_403, %parallel_loop3A_411 : vector<16xf32>
      %parallel_loop3A_413 = arith.constant 5.000000e-01 : f32
      %parallel_loop3A_414 = vector.broadcast %parallel_loop3A_413 : f32 to vector<16xf32>
      %parallel_loop3A_415 = arith.mulf %parallel_loop3A_414, %parallel_loop3A_395 : vector<16xf32>
      %parallel_loop3A_416 = arith.mulf %parallel_loop3A_415, %parallel_loop3A_412 : vector<16xf32>
      %parallel_loop3A_417 = arith.mulf %parallel_loop3A_416, %parallel_loop3A_412 : vector<16xf32>
      %parallel_loop3A_418 = arith.constant 1.500000e+00 : f32
      %parallel_loop3A_419 = vector.broadcast %parallel_loop3A_418 : f32 to vector<16xf32>
      %parallel_loop3A_420 = arith.subf %parallel_loop3A_419, %parallel_loop3A_417 : vector<16xf32>
      %parallel_loop3A_421 = arith.mulf %parallel_loop3A_412, %parallel_loop3A_420 : vector<16xf32>
      %parallel_loop3A_422 = arith.subf %parallel_loop3A_204, %parallel_loop3A_387 : vector<16xf32>
      %parallel_loop3A_423 = arith.mulf %parallel_loop3A_422, %parallel_loop3A_421 : vector<16xf32>
      %parallel_loop3A_424 = arith.mulf %parallel_loop3A_423, %get3A_12 : vector<16xf32>
      %parallel_loop3A_425 = arith.addf %parallel_loop3A_424, %get3A_28 : vector<16xf32>
      %parallel_loop3A_426 = arith.constant 0 : i32
      %parallel_loop3A_427 = arith.index_cast %parallel_loop3A_426 : i32 to index
      %parallel_loop3A_428 = arith.index_cast %parallel_loop3A_194 : i32 to index
      %parallel_loop3A_429 = arith.constant 0 : index
      %parallel_loop3A_430 = tpu.vector_load %arg9[%parallel_loop3A_427, %parallel_loop3A_428, %parallel_loop3A_429] {strides = array<i32>} : memref<2x32x128xf32, #tpu.memory_space<vmem>>, vector<16xf32>,
      tpu.vector_store %arg9[%parallel_loop3A_427, %parallel_loop3A_428, %parallel_loop3A_429], %parallel_loop3A_425 {strides = array<i32>} : memref<2x32x128xf32, #tpu.memory_space<vmem>>, vector<16xf32>,
      %parallel_loop3A_431 = arith.subf %parallel_loop3A_214, %parallel_loop3A_387 : vector<16xf32>
      %parallel_loop3A_432 = arith.mulf %parallel_loop3A_431, %parallel_loop3A_421 : vector<16xf32>
      %parallel_loop3A_433 = arith.mulf %parallel_loop3A_432, %get3A_14 : vector<16xf32>
      %parallel_loop3A_434 = arith.addf %parallel_loop3A_433, %get3A_30 : vector<16xf32>
      %parallel_loop3A_435 = arith.constant 0 : i32
      %parallel_loop3A_436 = arith.index_cast %parallel_loop3A_435 : i32 to index
      %parallel_loop3A_437 = arith.index_cast %parallel_loop3A_194 : i32 to index
      %parallel_loop3A_438 = arith.constant 16 : index
      %parallel_loop3A_439 = tpu.vector_load %arg9[%parallel_loop3A_436, %parallel_loop3A_437, %parallel_loop3A_438] {strides = array<i32>} : memref<2x32x128xf32, #tpu.memory_space<vmem>>, vector<16xf32>,
      tpu.vector_store %arg9[%parallel_loop3A_436, %parallel_loop3A_437, %parallel_loop3A_438], %parallel_loop3A_434 {strides = array<i32>} : memref<2x32x128xf32, #tpu.memory_space<vmem>>, vector<16xf32>,
      %parallel_loop3A_440 = arith.subf %parallel_loop3A_224, %parallel_loop3A_387 : vector<16xf32>
      %parallel_loop3A_441 = arith.mulf %parallel_loop3A_440, %parallel_loop3A_421 : vector<16xf32>
      %parallel_loop3A_442 = arith.mulf %parallel_loop3A_441, %get3A_16 : vector<16xf32>
      %parallel_loop3A_443 = arith.addf %parallel_loop3A_442, %get3A_32 : vector<16xf32>
      %parallel_loop3A_444 = arith.constant 0 : i32
      %parallel_loop3A_445 = arith.index_cast %parallel_loop3A_444 : i32 to index
      %parallel_loop3A_446 = arith.index_cast %parallel_loop3A_194 : i32 to index
      %parallel_loop3A_447 = arith.constant 32 : index
      %parallel_loop3A_448 = tpu.vector_load %arg9[%parallel_loop3A_445, %parallel_loop3A_446, %parallel_loop3A_447] {strides = array<i32>} : memref<2x32x128xf32, #tpu.memory_space<vmem>>, vector<16xf32>,
      tpu.vector_store %arg9[%parallel_loop3A_445, %parallel_loop3A_446, %parallel_loop3A_447], %parallel_loop3A_443 {strides = array<i32>} : memref<2x32x128xf32, #tpu.memory_space<vmem>>, vector<16xf32>,
      %parallel_loop3A_449 = arith.subf %parallel_loop3A_234, %parallel_loop3A_387 : vector<16xf32>
      %parallel_loop3A_450 = arith.mulf %parallel_loop3A_449, %parallel_loop3A_421 : vector<16xf32>
      %parallel_loop3A_451 = arith.mulf %parallel_loop3A_450, %get3A_18 : vector<16xf32>
      %parallel_loop3A_452 = arith.addf %parallel_loop3A_451, %get3A_34 : vector<16xf32>
      %parallel_loop3A_453 = arith.constant 0 : i32
      %parallel_loop3A_454 = arith.index_cast %parallel_loop3A_453 : i32 to index
      %parallel_loop3A_455 = arith.index_cast %parallel_loop3A_194 : i32 to index
      %parallel_loop3A_456 = arith.constant 48 : index
      %parallel_loop3A_457 = tpu.vector_load %arg9[%parallel_loop3A_454, %parallel_loop3A_455, %parallel_loop3A_456] {strides = array<i32>} : memref<2x32x128xf32, #tpu.memory_space<vmem>>, vector<16xf32>,
      tpu.vector_store %arg9[%parallel_loop3A_454, %parallel_loop3A_455, %parallel_loop3A_456], %parallel_loop3A_452 {strides = array<i32>} : memref<2x32x128xf32, #tpu.memory_space<vmem>>, vector<16xf32>,
      %parallel_loop3A_458 = arith.subf %parallel_loop3A_244, %parallel_loop3A_387 : vector<16xf32>
      %parallel_loop3A_459 = arith.mulf %parallel_loop3A_458, %parallel_loop3A_421 : vector<16xf32>
      %parallel_loop3A_460 = arith.mulf %parallel_loop3A_459, %get3A_20 : vector<16xf32>
      %parallel_loop3A_461 = arith.addf %parallel_loop3A_460, %get3A_36 : vector<16xf32>
      %parallel_loop3A_462 = arith.constant 0 : i32
      %parallel_loop3A_463 = arith.index_cast %parallel_loop3A_462 : i32 to index
      %parallel_loop3A_464 = arith.index_cast %parallel_loop3A_194 : i32 to index
      %parallel_loop3A_465 = arith.constant 64 : index
      %parallel_loop3A_466 = tpu.vector_load %arg9[%parallel_loop3A_463, %parallel_loop3A_464, %parallel_loop3A_465] {strides = array<i32>} : memref<2x32x128xf32, #tpu.memory_space<vmem>>, vector<16xf32>,
      tpu.vector_store %arg9[%parallel_loop3A_463, %parallel_loop3A_464, %parallel_loop3A_465], %parallel_loop3A_461 {strides = array<i32>} : memref<2x32x128xf32, #tpu.memory_space<vmem>>, vector<16xf32>,
      %parallel_loop3A_467 = arith.subf %parallel_loop3A_254, %parallel_loop3A_387 : vector<16xf32>
      %parallel_loop3A_468 = arith.mulf %parallel_loop3A_467, %parallel_loop3A_421 : vector<16xf32>
      %parallel_loop3A_469 = arith.mulf %parallel_loop3A_468, %get3A_22 : vector<16xf32>
      %parallel_loop3A_470 = arith.addf %parallel_loop3A_469, %get3A_38 : vector<16xf32>
      %parallel_loop3A_471 = arith.constant 0 : i32
      %parallel_loop3A_472 = arith.index_cast %parallel_loop3A_471 : i32 to index
      %parallel_loop3A_473 = arith.index_cast %parallel_loop3A_194 : i32 to index
      %parallel_loop3A_474 = arith.constant 80 : index
      %parallel_loop3A_475 = tpu.vector_load %arg9[%parallel_loop3A_472, %parallel_loop3A_473, %parallel_loop3A_474] {strides = array<i32>} : memref<2x32x128xf32, #tpu.memory_space<vmem>>, vector<16xf32>,
      tpu.vector_store %arg9[%parallel_loop3A_472, %parallel_loop3A_473, %parallel_loop3A_474], %parallel_loop3A_470 {strides = array<i32>} : memref<2x32x128xf32, #tpu.memory_space<vmem>>, vector<16xf32>,
      %parallel_loop3A_476 = arith.subf %parallel_loop3A_264, %parallel_loop3A_387 : vector<16xf32>
      %parallel_loop3A_477 = arith.mulf %parallel_loop3A_476, %parallel_loop3A_421 : vector<16xf32>
      %parallel_loop3A_478 = arith.mulf %parallel_loop3A_477, %get3A_24 : vector<16xf32>
      %parallel_loop3A_479 = arith.addf %parallel_loop3A_478, %get3A_40 : vector<16xf32>
      %parallel_loop3A_480 = arith.constant 0 : i32
      %parallel_loop3A_481 = arith.index_cast %parallel_loop3A_480 : i32 to index
      %parallel_loop3A_482 = arith.index_cast %parallel_loop3A_194 : i32 to index
      %parallel_loop3A_483 = arith.constant 96 : index
      %parallel_loop3A_484 = tpu.vector_load %arg9[%parallel_loop3A_481, %parallel_loop3A_482, %parallel_loop3A_483] {strides = array<i32>} : memref<2x32x128xf32, #tpu.memory_space<vmem>>, vector<16xf32>,
      tpu.vector_store %arg9[%parallel_loop3A_481, %parallel_loop3A_482, %parallel_loop3A_483], %parallel_loop3A_479 {strides = array<i32>} : memref<2x32x128xf32, #tpu.memory_space<vmem>>, vector<16xf32>,
      %parallel_loop3A_485 = arith.subf %parallel_loop3A_274, %parallel_loop3A_387 : vector<16xf32>
      %parallel_loop3A_486 = arith.mulf %parallel_loop3A_485, %parallel_loop3A_421 : vector<16xf32>
      %parallel_loop3A_487 = arith.mulf %parallel_loop3A_486, %get3A_26 : vector<16xf32>
      %parallel_loop3A_488 = arith.addf %parallel_loop3A_487, %get3A_42 : vector<16xf32>
      %parallel_loop3A_489 = arith.constant 0 : i32
      %parallel_loop3A_490 = arith.index_cast %parallel_loop3A_489 : i32 to index
      %parallel_loop3A_491 = arith.index_cast %parallel_loop3A_194 : i32 to index
      %parallel_loop3A_492 = arith.constant 112 : index
      %parallel_loop3A_493 = tpu.vector_load %arg9[%parallel_loop3A_490, %parallel_loop3A_491, %parallel_loop3A_492] {strides = array<i32>} : memref<2x32x128xf32, #tpu.memory_space<vmem>>, vector<16xf32>,
      tpu.vector_store %arg9[%parallel_loop3A_490, %parallel_loop3A_491, %parallel_loop3A_492], %parallel_loop3A_488 {strides = array<i32>} : memref<2x32x128xf32, #tpu.memory_space<vmem>>, vector<16xf32>,
    } {sc.loop_unroll_factor = 2 : i64, sc.parallel_access}
    %mul3A_81 = arith.constant 6400 : i32
    %mul3A_82 = arith.muli %add3A, %mul3A_81 : i32
    %add3A_83 = arith.constant 0 : i32
    %add3A_84 = arith.addi %mul3A_82, %add3A_83 : i32
    %dma_start3A_85 = arith.constant 0 : i32
    %dma_start3A_86 = arith.constant 0 : i32
    %dma_start3A_87 = arith.constant 0 : i32
    %dma_start3A_88 = tpu.memref_slice %arg9[%dma_start3A_85, %dma_start3A_86, %dma_start3A_87] : memref<2x32x128xf32, #tpu.memory_space<vmem>> -> memref<1x32x128xf32, #tpu.memory_space<vmem>>
    %dma_start3A_89 = tpu.memref_squeeze %dma_start3A_88 : memref<1x32x128xf32, #tpu.memory_space<vmem>> -> memref<32x128xf32, #tpu.memory_space<vmem>>
    %dma_start3A_90 = arith.constant 0 : i32
    %dma_start3A_91 = tpu.memref_slice %arg7[%add3A_84, %dma_start3A_90] : memref<204800x128xf32, #tpu.memory_space<hbm>> -> memref<32x128xf32, #tpu.memory_space<hbm>>
    %dma_start3A_92 = arith.constant 0 : i32
    %dma_start3A_93 = tpu.memref_slice %arg7[%add3A_84, %dma_start3A_92] : memref<204800x128xf32, #tpu.memory_space<hbm>> -> memref<32x128xf32, #tpu.memory_space<hbm>>
    %dma_start3A_94 = arith.constant 0 : i32
    %dma_start3A_95 = arith.constant 0 : i32
    %dma_start3A_96 = tpu.memref_slice %arg9[%dma_start3A_85, %dma_start3A_94, %dma_start3A_95] : memref<2x32x128xf32, #tpu.memory_space<vmem>> -> memref<1x32x128xf32, #tpu.memory_space<vmem>>
    %dma_start3A_97 = tpu.memref_squeeze %dma_start3A_96 : memref<1x32x128xf32, #tpu.memory_space<vmem>> -> memref<32x128xf32, #tpu.memory_space<vmem>>
    tpu.enqueue_dma source(%dma_start3A_97 : memref<32x128xf32, #tpu.memory_space<vmem>>) target(%dma_start3A_93 : memref<32x128xf32, #tpu.memory_space<hbm>>) target_semaphore(%arg15 : memref<!tpu.dma_semaphore, #tpu.memory_space<semaphore_mem>>)
    %dma_wait3A_98 = arith.constant 0 : i32
    %dma_wait3A_99 = arith.constant 0 : i32
    %dma_wait3A_100 = arith.constant 0 : i32
    %dma_wait3A_101 = tpu.memref_slice %arg9[%dma_wait3A_98, %dma_wait3A_99, %dma_wait3A_100] : memref<2x32x128xf32, #tpu.memory_space<vmem>> -> memref<1x32x128xf32, #tpu.memory_space<vmem>>
    %dma_wait3A_102 = tpu.memref_squeeze %dma_wait3A_101 : memref<1x32x128xf32, #tpu.memory_space<vmem>> -> memref<32x128xf32, #tpu.memory_space<vmem>>
    %dma_wait3A_103 = arith.constant 0 : i32
    %dma_wait3A_104 = arith.constant 0 : i32
    %dma_wait3A_105 = tpu.memref_slice %arg7[%dma_wait3A_103, %dma_wait3A_104] : memref<204800x128xf32, #tpu.memory_space<hbm>> -> memref<32x128xf32, #tpu.memory_space<hbm>>
    %dma_wait3A_106 = arith.constant 0 : i32
    %dma_wait3A_107 = arith.constant 0 : i32
    %dma_wait3A_108 = tpu.memref_slice %arg7[%dma_wait3A_106, %dma_wait3A_107] : memref<204800x128xf32, #tpu.memory_space<hbm>> -> memref<32x128xf32, #tpu.memory_space<hbm>>
    %dma_wait3A_109 = arith.constant 0 : i32
    %dma_wait3A_110 = arith.constant 0 : i32
    %dma_wait3A_111 = tpu.memref_slice %arg9[%dma_wait3A_98, %dma_wait3A_109, %dma_wait3A_110] : memref<2x32x128xf32, #tpu.memory_space<vmem>> -> memref<1x32x128xf32, #tpu.memory_space<vmem>>
    %dma_wait3A_112 = tpu.memref_squeeze %dma_wait3A_111 : memref<1x32x128xf32, #tpu.memory_space<vmem>> -> memref<32x128xf32, #tpu.memory_space<vmem>>
    tpu.wait_dma2 semaphore(%arg15 : memref<!tpu.dma_semaphore, #tpu.memory_space<semaphore_mem>>) src(%dma_wait3A_112 : memref<32x128xf32, #tpu.memory_space<vmem>>) dst(%dma_wait3A_108 : memref<32x128xf32, #tpu.memory_space<hbm>>)
    %dma_start3A_113 = arith.constant 2 : i32
    %dma_start3A_114 = arith.constant 0 : i32
    %dma_start3A_115 = arith.constant 0 : i32
    %dma_start3A_116 = arith.constant 0 : i32
    %dma_start3A_117 = tpu.memref_slice %arg9[%dma_start3A_114, %dma_start3A_115, %dma_start3A_116] : memref<2x32x128xf32, #tpu.memory_space<vmem>> -> memref<1x32x128xf32, #tpu.memory_space<vmem>>
    %dma_start3A_118 = tpu.memref_squeeze %dma_start3A_117 : memref<1x32x128xf32, #tpu.memory_space<vmem>> -> memref<32x128xf32, #tpu.memory_space<vmem>>
    %dma_start3A_119 = arith.constant 0 : i32
    %dma_start3A_120 = tpu.memref_slice %arg8[%dma_start3A_113, %dma_start3A_119] : memref<201x32xi32, #tpu.memory_space<vmem>> -> memref<1x32xi32, #tpu.memory_space<vmem>>
    %dma_start3A_121 = tpu.memref_squeeze %dma_start3A_120 : memref<1x32xi32, #tpu.memory_space<vmem>> -> memref<32xi32, #tpu.memory_space<vmem>>
    %dma_start3A_122 = arith.constant 0 : i32
    %dma_start3A_123 = arith.constant 0 : i32
    %dma_start3A_124 = tpu.memref_slice %arg3[%dma_start3A_122, %dma_start3A_123] : memref<100000x128xf32, #tpu.memory_space<hbm>> -> memref<100000x128xf32, #tpu.memory_space<hbm>>
    tpu.enqueue_indirect_dma source(%dma_start3A_124 : memref<100000x128xf32, #tpu.memory_space<hbm>>) target(%dma_start3A_118 : memref<32x128xf32, #tpu.memory_space<vmem>>) offsets(%dma_start3A_121 : memref<32xi32, #tpu.memory_space<vmem>>) semaphore(%arg13 : memref<!tpu.dma_semaphore, #tpu.memory_space<semaphore_mem>>)
    %dma_wait3A_125 = arith.constant 1 : i32
    %dma_wait3A_126 = arith.constant 1 : i32
    %dma_wait3A_127 = arith.constant 0 : i32
    %dma_wait3A_128 = arith.constant 0 : i32
    %dma_wait3A_129 = tpu.memref_slice %arg9[%dma_wait3A_126, %dma_wait3A_127, %dma_wait3A_128] : memref<2x32x128xf32, #tpu.memory_space<vmem>> -> memref<1x32x128xf32, #tpu.memory_space<vmem>>
    %dma_wait3A_130 = tpu.memref_squeeze %dma_wait3A_129 : memref<1x32x128xf32, #tpu.memory_space<vmem>> -> memref<32x128xf32, #tpu.memory_space<vmem>>
    %dma_wait3A_131 = arith.constant 0 : i32
    %dma_wait3A_132 = tpu.memref_slice %arg8[%dma_wait3A_125, %dma_wait3A_131] : memref<201x32xi32, #tpu.memory_space<vmem>> -> memref<1x32xi32, #tpu.memory_space<vmem>>
    %dma_wait3A_133 = tpu.memref_squeeze %dma_wait3A_132 : memref<1x32xi32, #tpu.memory_space<vmem>> -> memref<32xi32, #tpu.memory_space<vmem>>
    %dma_wait3A_134 = arith.constant 0 : i32
    %dma_wait3A_135 = arith.constant 0 : i32
    %dma_wait3A_136 = tpu.memref_slice %arg3[%dma_wait3A_134, %dma_wait3A_135] : memref<100000x128xf32, #tpu.memory_space<hbm>> -> memref<100000x128xf32, #tpu.memory_space<hbm>>
    tpu.wait_indirect_dma semaphore(%arg14 : memref<!tpu.dma_semaphore, #tpu.memory_space<semaphore_mem>>) src(%dma_wait3A_136 : memref<100000x128xf32, #tpu.memory_space<hbm>>) dst(%dma_wait3A_130 : memref<32x128xf32, #tpu.memory_space<vmem>>)
    %rem3A_137 = arith.constant 32 : i32
    %rem3A_138 = arith.constant 200 : i32
    %rem3A_139 = arith.remsi %rem3A_137, %rem3A_138 : i32
    %parallel_loop3A_140 = arith.constant 0 : i32
    %parallel_loop3A_141 = arith.constant 32 : i32
    %parallel_loop3A_142 = arith.constant 1 : i32
    scf.for %parallel_loop3A_194 = %parallel_loop3A_140 to %parallel_loop3A_141 step %parallel_loop3A_142  : i32 {
      %parallel_loop3A_195 = arith.constant 1 : i32
      %parallel_loop3A_196 = arith.index_cast %parallel_loop3A_195 : i32 to index
      %parallel_loop3A_197 = arith.index_cast %parallel_loop3A_194 : i32 to index
      %parallel_loop3A_198 = arith.constant 0 : index
      %parallel_loop3A_199 = tpu.vector_load %arg9[%parallel_loop3A_196, %parallel_loop3A_197, %parallel_loop3A_198] {strides = array<i32>} : memref<2x32x128xf32, #tpu.memory_space<vmem>>, vector<16xf32>,
      %parallel_loop3A_200 = arith.addi %rem3A_139, %parallel_loop3A_194 : i32
      %parallel_loop3A_201 = arith.index_cast %parallel_loop3A_200 : i32 to index
      %parallel_loop3A_202 = arith.constant 0 : index
      %parallel_loop3A_203 = tpu.vector_load %arg10[%parallel_loop3A_201, %parallel_loop3A_202] {strides = array<i32>} : memref<224x128xf32, #tpu.memory_space<vmem>>, vector<16xf32>,
      %parallel_loop3A_204 = arith.addf %parallel_loop3A_199, %parallel_loop3A_203 : vector<16xf32>
      %parallel_loop3A_205 = arith.constant 1 : i32
      %parallel_loop3A_206 = arith.index_cast %parallel_loop3A_205 : i32 to index
      %parallel_loop3A_207 = arith.index_cast %parallel_loop3A_194 : i32 to index
      %parallel_loop3A_208 = arith.constant 16 : index
      %parallel_loop3A_209 = tpu.vector_load %arg9[%parallel_loop3A_206, %parallel_loop3A_207, %parallel_loop3A_208] {strides = array<i32>} : memref<2x32x128xf32, #tpu.memory_space<vmem>>, vector<16xf32>,
      %parallel_loop3A_210 = arith.addi %rem3A_139, %parallel_loop3A_194 : i32
      %parallel_loop3A_211 = arith.index_cast %parallel_loop3A_210 : i32 to index
      %parallel_loop3A_212 = arith.constant 16 : index
      %parallel_loop3A_213 = tpu.vector_load %arg10[%parallel_loop3A_211, %parallel_loop3A_212] {strides = array<i32>} : memref<224x128xf32, #tpu.memory_space<vmem>>, vector<16xf32>,
      %parallel_loop3A_214 = arith.addf %parallel_loop3A_209, %parallel_loop3A_213 : vector<16xf32>
      %parallel_loop3A_215 = arith.constant 1 : i32
      %parallel_loop3A_216 = arith.index_cast %parallel_loop3A_215 : i32 to index
      %parallel_loop3A_217 = arith.index_cast %parallel_loop3A_194 : i32 to index
      %parallel_loop3A_218 = arith.constant 32 : index
      %parallel_loop3A_219 = tpu.vector_load %arg9[%parallel_loop3A_216, %parallel_loop3A_217, %parallel_loop3A_218] {strides = array<i32>} : memref<2x32x128xf32, #tpu.memory_space<vmem>>, vector<16xf32>,
      %parallel_loop3A_220 = arith.addi %rem3A_139, %parallel_loop3A_194 : i32
      %parallel_loop3A_221 = arith.index_cast %parallel_loop3A_220 : i32 to index
      %parallel_loop3A_222 = arith.constant 32 : index
      %parallel_loop3A_223 = tpu.vector_load %arg10[%parallel_loop3A_221, %parallel_loop3A_222] {strides = array<i32>} : memref<224x128xf32, #tpu.memory_space<vmem>>, vector<16xf32>,
      %parallel_loop3A_224 = arith.addf %parallel_loop3A_219, %parallel_loop3A_223 : vector<16xf32>
      %parallel_loop3A_225 = arith.constant 1 : i32
      %parallel_loop3A_226 = arith.index_cast %parallel_loop3A_225 : i32 to index
      %parallel_loop3A_227 = arith.index_cast %parallel_loop3A_194 : i32 to index
      %parallel_loop3A_228 = arith.constant 48 : index
      %parallel_loop3A_229 = tpu.vector_load %arg9[%parallel_loop3A_226, %parallel_loop3A_227, %parallel_loop3A_228] {strides = array<i32>} : memref<2x32x128xf32, #tpu.memory_space<vmem>>, vector<16xf32>,
      %parallel_loop3A_230 = arith.addi %rem3A_139, %parallel_loop3A_194 : i32
      %parallel_loop3A_231 = arith.index_cast %parallel_loop3A_230 : i32 to index
      %parallel_loop3A_232 = arith.constant 48 : index
      %parallel_loop3A_233 = tpu.vector_load %arg10[%parallel_loop3A_231, %parallel_loop3A_232] {strides = array<i32>} : memref<224x128xf32, #tpu.memory_space<vmem>>, vector<16xf32>,
      %parallel_loop3A_234 = arith.addf %parallel_loop3A_229, %parallel_loop3A_233 : vector<16xf32>
      %parallel_loop3A_235 = arith.constant 1 : i32
      %parallel_loop3A_236 = arith.index_cast %parallel_loop3A_235 : i32 to index
      %parallel_loop3A_237 = arith.index_cast %parallel_loop3A_194 : i32 to index
      %parallel_loop3A_238 = arith.constant 64 : index
      %parallel_loop3A_239 = tpu.vector_load %arg9[%parallel_loop3A_236, %parallel_loop3A_237, %parallel_loop3A_238] {strides = array<i32>} : memref<2x32x128xf32, #tpu.memory_space<vmem>>, vector<16xf32>,
      %parallel_loop3A_240 = arith.addi %rem3A_139, %parallel_loop3A_194 : i32
      %parallel_loop3A_241 = arith.index_cast %parallel_loop3A_240 : i32 to index
      %parallel_loop3A_242 = arith.constant 64 : index
      %parallel_loop3A_243 = tpu.vector_load %arg10[%parallel_loop3A_241, %parallel_loop3A_242] {strides = array<i32>} : memref<224x128xf32, #tpu.memory_space<vmem>>, vector<16xf32>,
      %parallel_loop3A_244 = arith.addf %parallel_loop3A_239, %parallel_loop3A_243 : vector<16xf32>
      %parallel_loop3A_245 = arith.constant 1 : i32
      %parallel_loop3A_246 = arith.index_cast %parallel_loop3A_245 : i32 to index
      %parallel_loop3A_247 = arith.index_cast %parallel_loop3A_194 : i32 to index
      %parallel_loop3A_248 = arith.constant 80 : index
      %parallel_loop3A_249 = tpu.vector_load %arg9[%parallel_loop3A_246, %parallel_loop3A_247, %parallel_loop3A_248] {strides = array<i32>} : memref<2x32x128xf32, #tpu.memory_space<vmem>>, vector<16xf32>,
      %parallel_loop3A_250 = arith.addi %rem3A_139, %parallel_loop3A_194 : i32
      %parallel_loop3A_251 = arith.index_cast %parallel_loop3A_250 : i32 to index
      %parallel_loop3A_252 = arith.constant 80 : index
      %parallel_loop3A_253 = tpu.vector_load %arg10[%parallel_loop3A_251, %parallel_loop3A_252] {strides = array<i32>} : memref<224x128xf32, #tpu.memory_space<vmem>>, vector<16xf32>,
      %parallel_loop3A_254 = arith.addf %parallel_loop3A_249, %parallel_loop3A_253 : vector<16xf32>
      %parallel_loop3A_255 = arith.constant 1 : i32
      %parallel_loop3A_256 = arith.index_cast %parallel_loop3A_255 : i32 to index
      %parallel_loop3A_257 = arith.index_cast %parallel_loop3A_194 : i32 to index
      %parallel_loop3A_258 = arith.constant 96 : index
      %parallel_loop3A_259 = tpu.vector_load %arg9[%parallel_loop3A_256, %parallel_loop3A_257, %parallel_loop3A_258] {strides = array<i32>} : memref<2x32x128xf32, #tpu.memory_space<vmem>>, vector<16xf32>,
      %parallel_loop3A_260 = arith.addi %rem3A_139, %parallel_loop3A_194 : i32
      %parallel_loop3A_261 = arith.index_cast %parallel_loop3A_260 : i32 to index
      %parallel_loop3A_262 = arith.constant 96 : index
      %parallel_loop3A_263 = tpu.vector_load %arg10[%parallel_loop3A_261, %parallel_loop3A_262] {strides = array<i32>} : memref<224x128xf32, #tpu.memory_space<vmem>>, vector<16xf32>,
      %parallel_loop3A_264 = arith.addf %parallel_loop3A_259, %parallel_loop3A_263 : vector<16xf32>
      %parallel_loop3A_265 = arith.constant 1 : i32
      %parallel_loop3A_266 = arith.index_cast %parallel_loop3A_265 : i32 to index
      %parallel_loop3A_267 = arith.index_cast %parallel_loop3A_194 : i32 to index
      %parallel_loop3A_268 = arith.constant 112 : index
      %parallel_loop3A_269 = tpu.vector_load %arg9[%parallel_loop3A_266, %parallel_loop3A_267, %parallel_loop3A_268] {strides = array<i32>} : memref<2x32x128xf32, #tpu.memory_space<vmem>>, vector<16xf32>,
      %parallel_loop3A_270 = arith.addi %rem3A_139, %parallel_loop3A_194 : i32
      %parallel_loop3A_271 = arith.index_cast %parallel_loop3A_270 : i32 to index
      %parallel_loop3A_272 = arith.constant 112 : index
      %parallel_loop3A_273 = tpu.vector_load %arg10[%parallel_loop3A_271, %parallel_loop3A_272] {strides = array<i32>} : memref<224x128xf32, #tpu.memory_space<vmem>>, vector<16xf32>,
      %parallel_loop3A_274 = arith.addf %parallel_loop3A_269, %parallel_loop3A_273 : vector<16xf32>
      %parallel_loop3A_275 = arith.addf %parallel_loop3A_204, %parallel_loop3A_214 : vector<16xf32>
      %parallel_loop3A_276 = arith.addf %parallel_loop3A_224, %parallel_loop3A_234 : vector<16xf32>
      %parallel_loop3A_277 = arith.addf %parallel_loop3A_275, %parallel_loop3A_276 : vector<16xf32>
      %parallel_loop3A_278 = arith.addf %parallel_loop3A_244, %parallel_loop3A_254 : vector<16xf32>
      %parallel_loop3A_279 = arith.addf %parallel_loop3A_264, %parallel_loop3A_274 : vector<16xf32>
      %parallel_loop3A_280 = arith.addf %parallel_loop3A_278, %parallel_loop3A_279 : vector<16xf32>
      %parallel_loop3A_281 = arith.addf %parallel_loop3A_277, %parallel_loop3A_280 : vector<16xf32>
      %parallel_loop3A_282 = arith.mulf %parallel_loop3A_204, %parallel_loop3A_204 : vector<16xf32>
      %parallel_loop3A_283 = arith.mulf %parallel_loop3A_214, %parallel_loop3A_214 : vector<16xf32>
      %parallel_loop3A_284 = arith.addf %parallel_loop3A_282, %parallel_loop3A_283 : vector<16xf32>
      %parallel_loop3A_285 = arith.mulf %parallel_loop3A_224, %parallel_loop3A_224 : vector<16xf32>
      %parallel_loop3A_286 = arith.mulf %parallel_loop3A_234, %parallel_loop3A_234 : vector<16xf32>
      %parallel_loop3A_287 = arith.addf %parallel_loop3A_285, %parallel_loop3A_286 : vector<16xf32>
      %parallel_loop3A_288 = arith.addf %parallel_loop3A_284, %parallel_loop3A_287 : vector<16xf32>
      %parallel_loop3A_289 = arith.mulf %parallel_loop3A_244, %parallel_loop3A_244 : vector<16xf32>
      %parallel_loop3A_290 = arith.mulf %parallel_loop3A_254, %parallel_loop3A_254 : vector<16xf32>
      %parallel_loop3A_291 = arith.addf %parallel_loop3A_289, %parallel_loop3A_290 : vector<16xf32>
      %parallel_loop3A_292 = arith.mulf %parallel_loop3A_264, %parallel_loop3A_264 : vector<16xf32>
      %parallel_loop3A_293 = arith.mulf %parallel_loop3A_274, %parallel_loop3A_274 : vector<16xf32>
      %parallel_loop3A_294 = arith.addf %parallel_loop3A_292, %parallel_loop3A_293 : vector<16xf32>
      %parallel_loop3A_295 = arith.addf %parallel_loop3A_291, %parallel_loop3A_294 : vector<16xf32>
      %parallel_loop3A_296 = arith.addf %parallel_loop3A_288, %parallel_loop3A_295 : vector<16xf32>
      %parallel_loop3A_297 = arith.constant 0 : i32
      %parallel_loop3A_298 = vector.broadcast %parallel_loop3A_297 : i32 to vector<16xi32>
      %parallel_loop3A_299 = arith.cmpi slt, %xor3A_2, %parallel_loop3A_298 : vector<16xi32>
      %parallel_loop3A_300 = arith.constant 16 : i32
      %parallel_loop3A_301 = vector.broadcast %parallel_loop3A_300 : i32 to vector<16xi32>
      %parallel_loop3A_302 = arith.addi %xor3A_2, %parallel_loop3A_301 : vector<16xi32>
      %parallel_loop3A_303 = arith.select %parallel_loop3A_299, %parallel_loop3A_302, %xor3A_2 : vector<16xi1>, vector<16xi32>
      %parallel_loop3A_304 = vector.shape_cast %parallel_loop3A_303 : vector<16xi32> to vector<16x1xi32>
      %parallel_loop3A_305 = vector.shape_cast %parallel_loop3A_304 : vector<16x1xi32> to vector<16xi32>
      %parallel_loop3A_306 = tpu.dynamic_gather %parallel_loop3A_281[%parallel_loop3A_305] in [0] : vector<16xf32>, vector<16xi32> -> vector<16xf32>
      %parallel_loop3A_307 = arith.addf %parallel_loop3A_281, %parallel_loop3A_306 : vector<16xf32>
      %parallel_loop3A_308 = arith.constant 0 : i32
      %parallel_loop3A_309 = vector.broadcast %parallel_loop3A_308 : i32 to vector<16xi32>
      %parallel_loop3A_310 = arith.cmpi slt, %xor3A_2, %parallel_loop3A_309 : vector<16xi32>
      %parallel_loop3A_311 = arith.constant 16 : i32
      %parallel_loop3A_312 = vector.broadcast %parallel_loop3A_311 : i32 to vector<16xi32>
      %parallel_loop3A_313 = arith.addi %xor3A_2, %parallel_loop3A_312 : vector<16xi32>
      %parallel_loop3A_314 = arith.select %parallel_loop3A_310, %parallel_loop3A_313, %xor3A_2 : vector<16xi1>, vector<16xi32>
      %parallel_loop3A_315 = vector.shape_cast %parallel_loop3A_314 : vector<16xi32> to vector<16x1xi32>
      %parallel_loop3A_316 = vector.shape_cast %parallel_loop3A_315 : vector<16x1xi32> to vector<16xi32>
      %parallel_loop3A_317 = tpu.dynamic_gather %parallel_loop3A_296[%parallel_loop3A_316] in [0] : vector<16xf32>, vector<16xi32> -> vector<16xf32>
      %parallel_loop3A_318 = arith.addf %parallel_loop3A_296, %parallel_loop3A_317 : vector<16xf32>
      %parallel_loop3A_319 = arith.constant 0 : i32
      %parallel_loop3A_320 = vector.broadcast %parallel_loop3A_319 : i32 to vector<16xi32>
      %parallel_loop3A_321 = arith.cmpi slt, %xor3A_5, %parallel_loop3A_320 : vector<16xi32>
      %parallel_loop3A_322 = arith.constant 16 : i32
      %parallel_loop3A_323 = vector.broadcast %parallel_loop3A_322 : i32 to vector<16xi32>
      %parallel_loop3A_324 = arith.addi %xor3A_5, %parallel_loop3A_323 : vector<16xi32>
      %parallel_loop3A_325 = arith.select %parallel_loop3A_321, %parallel_loop3A_324, %xor3A_5 : vector<16xi1>, vector<16xi32>
      %parallel_loop3A_326 = vector.shape_cast %parallel_loop3A_325 : vector<16xi32> to vector<16x1xi32>
      %parallel_loop3A_327 = vector.shape_cast %parallel_loop3A_326 : vector<16x1xi32> to vector<16xi32>
      %parallel_loop3A_328 = tpu.dynamic_gather %parallel_loop3A_307[%parallel_loop3A_327] in [0] : vector<16xf32>, vector<16xi32> -> vector<16xf32>
      %parallel_loop3A_329 = arith.addf %parallel_loop3A_307, %parallel_loop3A_328 : vector<16xf32>
      %parallel_loop3A_330 = arith.constant 0 : i32
      %parallel_loop3A_331 = vector.broadcast %parallel_loop3A_330 : i32 to vector<16xi32>
      %parallel_loop3A_332 = arith.cmpi slt, %xor3A_5, %parallel_loop3A_331 : vector<16xi32>
      %parallel_loop3A_333 = arith.constant 16 : i32
      %parallel_loop3A_334 = vector.broadcast %parallel_loop3A_333 : i32 to vector<16xi32>
      %parallel_loop3A_335 = arith.addi %xor3A_5, %parallel_loop3A_334 : vector<16xi32>
      %parallel_loop3A_336 = arith.select %parallel_loop3A_332, %parallel_loop3A_335, %xor3A_5 : vector<16xi1>, vector<16xi32>
      %parallel_loop3A_337 = vector.shape_cast %parallel_loop3A_336 : vector<16xi32> to vector<16x1xi32>
      %parallel_loop3A_338 = vector.shape_cast %parallel_loop3A_337 : vector<16x1xi32> to vector<16xi32>
      %parallel_loop3A_339 = tpu.dynamic_gather %parallel_loop3A_318[%parallel_loop3A_338] in [0] : vector<16xf32>, vector<16xi32> -> vector<16xf32>
      %parallel_loop3A_340 = arith.addf %parallel_loop3A_318, %parallel_loop3A_339 : vector<16xf32>
      %parallel_loop3A_341 = arith.constant 0 : i32
      %parallel_loop3A_342 = vector.broadcast %parallel_loop3A_341 : i32 to vector<16xi32>
      %parallel_loop3A_343 = arith.cmpi slt, %xor3A_8, %parallel_loop3A_342 : vector<16xi32>
      %parallel_loop3A_344 = arith.constant 16 : i32
      %parallel_loop3A_345 = vector.broadcast %parallel_loop3A_344 : i32 to vector<16xi32>
      %parallel_loop3A_346 = arith.addi %xor3A_8, %parallel_loop3A_345 : vector<16xi32>
      %parallel_loop3A_347 = arith.select %parallel_loop3A_343, %parallel_loop3A_346, %xor3A_8 : vector<16xi1>, vector<16xi32>
      %parallel_loop3A_348 = vector.shape_cast %parallel_loop3A_347 : vector<16xi32> to vector<16x1xi32>
      %parallel_loop3A_349 = vector.shape_cast %parallel_loop3A_348 : vector<16x1xi32> to vector<16xi32>
      %parallel_loop3A_350 = tpu.dynamic_gather %parallel_loop3A_329[%parallel_loop3A_349] in [0] : vector<16xf32>, vector<16xi32> -> vector<16xf32>
      %parallel_loop3A_351 = arith.addf %parallel_loop3A_329, %parallel_loop3A_350 : vector<16xf32>
      %parallel_loop3A_352 = arith.constant 0 : i32
      %parallel_loop3A_353 = vector.broadcast %parallel_loop3A_352 : i32 to vector<16xi32>
      %parallel_loop3A_354 = arith.cmpi slt, %xor3A_8, %parallel_loop3A_353 : vector<16xi32>
      %parallel_loop3A_355 = arith.constant 16 : i32
      %parallel_loop3A_356 = vector.broadcast %parallel_loop3A_355 : i32 to vector<16xi32>
      %parallel_loop3A_357 = arith.addi %xor3A_8, %parallel_loop3A_356 : vector<16xi32>
      %parallel_loop3A_358 = arith.select %parallel_loop3A_354, %parallel_loop3A_357, %xor3A_8 : vector<16xi1>, vector<16xi32>
      %parallel_loop3A_359 = vector.shape_cast %parallel_loop3A_358 : vector<16xi32> to vector<16x1xi32>
      %parallel_loop3A_360 = vector.shape_cast %parallel_loop3A_359 : vector<16x1xi32> to vector<16xi32>
      %parallel_loop3A_361 = tpu.dynamic_gather %parallel_loop3A_340[%parallel_loop3A_360] in [0] : vector<16xf32>, vector<16xi32> -> vector<16xf32>
      %parallel_loop3A_362 = arith.addf %parallel_loop3A_340, %parallel_loop3A_361 : vector<16xf32>
      %parallel_loop3A_363 = arith.constant 0 : i32
      %parallel_loop3A_364 = vector.broadcast %parallel_loop3A_363 : i32 to vector<16xi32>
      %parallel_loop3A_365 = arith.cmpi slt, %xor3A_11, %parallel_loop3A_364 : vector<16xi32>
      %parallel_loop3A_366 = arith.constant 16 : i32
      %parallel_loop3A_367 = vector.broadcast %parallel_loop3A_366 : i32 to vector<16xi32>
      %parallel_loop3A_368 = arith.addi %xor3A_11, %parallel_loop3A_367 : vector<16xi32>
      %parallel_loop3A_369 = arith.select %parallel_loop3A_365, %parallel_loop3A_368, %xor3A_11 : vector<16xi1>, vector<16xi32>
      %parallel_loop3A_370 = vector.shape_cast %parallel_loop3A_369 : vector<16xi32> to vector<16x1xi32>
      %parallel_loop3A_371 = vector.shape_cast %parallel_loop3A_370 : vector<16x1xi32> to vector<16xi32>
      %parallel_loop3A_372 = tpu.dynamic_gather %parallel_loop3A_351[%parallel_loop3A_371] in [0] : vector<16xf32>, vector<16xi32> -> vector<16xf32>
      %parallel_loop3A_373 = arith.addf %parallel_loop3A_351, %parallel_loop3A_372 : vector<16xf32>
      %parallel_loop3A_374 = arith.constant 0 : i32
      %parallel_loop3A_375 = vector.broadcast %parallel_loop3A_374 : i32 to vector<16xi32>
      %parallel_loop3A_376 = arith.cmpi slt, %xor3A_11, %parallel_loop3A_375 : vector<16xi32>
      %parallel_loop3A_377 = arith.constant 16 : i32
      %parallel_loop3A_378 = vector.broadcast %parallel_loop3A_377 : i32 to vector<16xi32>
      %parallel_loop3A_379 = arith.addi %xor3A_11, %parallel_loop3A_378 : vector<16xi32>
      %parallel_loop3A_380 = arith.select %parallel_loop3A_376, %parallel_loop3A_379, %xor3A_11 : vector<16xi1>, vector<16xi32>
      %parallel_loop3A_381 = vector.shape_cast %parallel_loop3A_380 : vector<16xi32> to vector<16x1xi32>
      %parallel_loop3A_382 = vector.shape_cast %parallel_loop3A_381 : vector<16x1xi32> to vector<16xi32>
      %parallel_loop3A_383 = tpu.dynamic_gather %parallel_loop3A_362[%parallel_loop3A_382] in [0] : vector<16xf32>, vector<16xi32> -> vector<16xf32>
      %parallel_loop3A_384 = arith.addf %parallel_loop3A_362, %parallel_loop3A_383 : vector<16xf32>
      %parallel_loop3A_385 = arith.constant 7.812500e-03 : f32
      %parallel_loop3A_386 = vector.broadcast %parallel_loop3A_385 : f32 to vector<16xf32>
      %parallel_loop3A_387 = arith.mulf %parallel_loop3A_373, %parallel_loop3A_386 : vector<16xf32>
      %parallel_loop3A_388 = arith.constant 7.812500e-03 : f32
      %parallel_loop3A_389 = vector.broadcast %parallel_loop3A_388 : f32 to vector<16xf32>
      %parallel_loop3A_390 = arith.mulf %parallel_loop3A_384, %parallel_loop3A_389 : vector<16xf32>
      %parallel_loop3A_391 = arith.mulf %parallel_loop3A_387, %parallel_loop3A_387 : vector<16xf32>
      %parallel_loop3A_392 = arith.subf %parallel_loop3A_390, %parallel_loop3A_391 : vector<16xf32>
      %parallel_loop3A_393 = arith.constant 9.99999996E-13 : f32
      %parallel_loop3A_394 = vector.broadcast %parallel_loop3A_393 : f32 to vector<16xf32>
      %parallel_loop3A_395 = arith.addf %parallel_loop3A_392, %parallel_loop3A_394 : vector<16xf32>
      %parallel_loop3A_396 = vector.bitcast %parallel_loop3A_395 : vector<16xf32> to vector<16xi32>
      %parallel_loop3A_397 = arith.constant 1 : i32
      %parallel_loop3A_398 = vector.broadcast %parallel_loop3A_397 : i32 to vector<16xi32>
      %parallel_loop3A_399 = arith.shrui %parallel_loop3A_396, %parallel_loop3A_398 : vector<16xi32>
      %parallel_loop3A_400 = arith.constant 1597463007 : i32
      %parallel_loop3A_401 = vector.broadcast %parallel_loop3A_400 : i32 to vector<16xi32>
      %parallel_loop3A_402 = arith.subi %parallel_loop3A_401, %parallel_loop3A_399 : vector<16xi32>
      %parallel_loop3A_403 = vector.bitcast %parallel_loop3A_402 : vector<16xi32> to vector<16xf32>
      %parallel_loop3A_404 = arith.constant 5.000000e-01 : f32
      %parallel_loop3A_405 = vector.broadcast %parallel_loop3A_404 : f32 to vector<16xf32>
      %parallel_loop3A_406 = arith.mulf %parallel_loop3A_405, %parallel_loop3A_395 : vector<16xf32>
      %parallel_loop3A_407 = arith.mulf %parallel_loop3A_406, %parallel_loop3A_403 : vector<16xf32>
      %parallel_loop3A_408 = arith.mulf %parallel_loop3A_407, %parallel_loop3A_403 : vector<16xf32>
      %parallel_loop3A_409 = arith.constant 1.500000e+00 : f32
      %parallel_loop3A_410 = vector.broadcast %parallel_loop3A_409 : f32 to vector<16xf32>
      %parallel_loop3A_411 = arith.subf %parallel_loop3A_410, %parallel_loop3A_408 : vector<16xf32>
      %parallel_loop3A_412 = arith.mulf %parallel_loop3A_403, %parallel_loop3A_411 : vector<16xf32>
      %parallel_loop3A_413 = arith.constant 5.000000e-01 : f32
      %parallel_loop3A_414 = vector.broadcast %parallel_loop3A_413 : f32 to vector<16xf32>
      %parallel_loop3A_415 = arith.mulf %parallel_loop3A_414, %parallel_loop3A_395 : vector<16xf32>
      %parallel_loop3A_416 = arith.mulf %parallel_loop3A_415, %parallel_loop3A_412 : vector<16xf32>
      %parallel_loop3A_417 = arith.mulf %parallel_loop3A_416, %parallel_loop3A_412 : vector<16xf32>
      %parallel_loop3A_418 = arith.constant 1.500000e+00 : f32
      %parallel_loop3A_419 = vector.broadcast %parallel_loop3A_418 : f32 to vector<16xf32>
      %parallel_loop3A_420 = arith.subf %parallel_loop3A_419, %parallel_loop3A_417 : vector<16xf32>
      %parallel_loop3A_421 = arith.mulf %parallel_loop3A_412, %parallel_loop3A_420 : vector<16xf32>
      %parallel_loop3A_422 = arith.subf %parallel_loop3A_204, %parallel_loop3A_387 : vector<16xf32>
      %parallel_loop3A_423 = arith.mulf %parallel_loop3A_422, %parallel_loop3A_421 : vector<16xf32>
      %parallel_loop3A_424 = arith.mulf %parallel_loop3A_423, %get3A_12 : vector<16xf32>
      %parallel_loop3A_425 = arith.addf %parallel_loop3A_424, %get3A_28 : vector<16xf32>
      %parallel_loop3A_426 = arith.constant 1 : i32
      %parallel_loop3A_427 = arith.index_cast %parallel_loop3A_426 : i32 to index
      %parallel_loop3A_428 = arith.index_cast %parallel_loop3A_194 : i32 to index
      %parallel_loop3A_429 = arith.constant 0 : index
      %parallel_loop3A_430 = tpu.vector_load %arg9[%parallel_loop3A_427, %parallel_loop3A_428, %parallel_loop3A_429] {strides = array<i32>} : memref<2x32x128xf32, #tpu.memory_space<vmem>>, vector<16xf32>,
      tpu.vector_store %arg9[%parallel_loop3A_427, %parallel_loop3A_428, %parallel_loop3A_429], %parallel_loop3A_425 {strides = array<i32>} : memref<2x32x128xf32, #tpu.memory_space<vmem>>, vector<16xf32>,
      %parallel_loop3A_431 = arith.subf %parallel_loop3A_214, %parallel_loop3A_387 : vector<16xf32>
      %parallel_loop3A_432 = arith.mulf %parallel_loop3A_431, %parallel_loop3A_421 : vector<16xf32>
      %parallel_loop3A_433 = arith.mulf %parallel_loop3A_432, %get3A_14 : vector<16xf32>
      %parallel_loop3A_434 = arith.addf %parallel_loop3A_433, %get3A_30 : vector<16xf32>
      %parallel_loop3A_435 = arith.constant 1 : i32
      %parallel_loop3A_436 = arith.index_cast %parallel_loop3A_435 : i32 to index
      %parallel_loop3A_437 = arith.index_cast %parallel_loop3A_194 : i32 to index
      %parallel_loop3A_438 = arith.constant 16 : index
      %parallel_loop3A_439 = tpu.vector_load %arg9[%parallel_loop3A_436, %parallel_loop3A_437, %parallel_loop3A_438] {strides = array<i32>} : memref<2x32x128xf32, #tpu.memory_space<vmem>>, vector<16xf32>,
      tpu.vector_store %arg9[%parallel_loop3A_436, %parallel_loop3A_437, %parallel_loop3A_438], %parallel_loop3A_434 {strides = array<i32>} : memref<2x32x128xf32, #tpu.memory_space<vmem>>, vector<16xf32>,
      %parallel_loop3A_440 = arith.subf %parallel_loop3A_224, %parallel_loop3A_387 : vector<16xf32>
      %parallel_loop3A_441 = arith.mulf %parallel_loop3A_440, %parallel_loop3A_421 : vector<16xf32>
      %parallel_loop3A_442 = arith.mulf %parallel_loop3A_441, %get3A_16 : vector<16xf32>
      %parallel_loop3A_443 = arith.addf %parallel_loop3A_442, %get3A_32 : vector<16xf32>
      %parallel_loop3A_444 = arith.constant 1 : i32
      %parallel_loop3A_445 = arith.index_cast %parallel_loop3A_444 : i32 to index
      %parallel_loop3A_446 = arith.index_cast %parallel_loop3A_194 : i32 to index
      %parallel_loop3A_447 = arith.constant 32 : index
      %parallel_loop3A_448 = tpu.vector_load %arg9[%parallel_loop3A_445, %parallel_loop3A_446, %parallel_loop3A_447] {strides = array<i32>} : memref<2x32x128xf32, #tpu.memory_space<vmem>>, vector<16xf32>,
      tpu.vector_store %arg9[%parallel_loop3A_445, %parallel_loop3A_446, %parallel_loop3A_447], %parallel_loop3A_443 {strides = array<i32>} : memref<2x32x128xf32, #tpu.memory_space<vmem>>, vector<16xf32>,
      %parallel_loop3A_449 = arith.subf %parallel_loop3A_234, %parallel_loop3A_387 : vector<16xf32>
      %parallel_loop3A_450 = arith.mulf %parallel_loop3A_449, %parallel_loop3A_421 : vector<16xf32>
      %parallel_loop3A_451 = arith.mulf %parallel_loop3A_450, %get3A_18 : vector<16xf32>
      %parallel_loop3A_452 = arith.addf %parallel_loop3A_451, %get3A_34 : vector<16xf32>
      %parallel_loop3A_453 = arith.constant 1 : i32
      %parallel_loop3A_454 = arith.index_cast %parallel_loop3A_453 : i32 to index
      %parallel_loop3A_455 = arith.index_cast %parallel_loop3A_194 : i32 to index
      %parallel_loop3A_456 = arith.constant 48 : index
      %parallel_loop3A_457 = tpu.vector_load %arg9[%parallel_loop3A_454, %parallel_loop3A_455, %parallel_loop3A_456] {strides = array<i32>} : memref<2x32x128xf32, #tpu.memory_space<vmem>>, vector<16xf32>,
      tpu.vector_store %arg9[%parallel_loop3A_454, %parallel_loop3A_455, %parallel_loop3A_456], %parallel_loop3A_452 {strides = array<i32>} : memref<2x32x128xf32, #tpu.memory_space<vmem>>, vector<16xf32>,
      %parallel_loop3A_458 = arith.subf %parallel_loop3A_244, %parallel_loop3A_387 : vector<16xf32>
      %parallel_loop3A_459 = arith.mulf %parallel_loop3A_458, %parallel_loop3A_421 : vector<16xf32>
      %parallel_loop3A_460 = arith.mulf %parallel_loop3A_459, %get3A_20 : vector<16xf32>
      %parallel_loop3A_461 = arith.addf %parallel_loop3A_460, %get3A_36 : vector<16xf32>
      %parallel_loop3A_462 = arith.constant 1 : i32
      %parallel_loop3A_463 = arith.index_cast %parallel_loop3A_462 : i32 to index
      %parallel_loop3A_464 = arith.index_cast %parallel_loop3A_194 : i32 to index
      %parallel_loop3A_465 = arith.constant 64 : index
      %parallel_loop3A_466 = tpu.vector_load %arg9[%parallel_loop3A_463, %parallel_loop3A_464, %parallel_loop3A_465] {strides = array<i32>} : memref<2x32x128xf32, #tpu.memory_space<vmem>>, vector<16xf32>,
      tpu.vector_store %arg9[%parallel_loop3A_463, %parallel_loop3A_464, %parallel_loop3A_465], %parallel_loop3A_461 {strides = array<i32>} : memref<2x32x128xf32, #tpu.memory_space<vmem>>, vector<16xf32>,
      %parallel_loop3A_467 = arith.subf %parallel_loop3A_254, %parallel_loop3A_387 : vector<16xf32>
      %parallel_loop3A_468 = arith.mulf %parallel_loop3A_467, %parallel_loop3A_421 : vector<16xf32>
      %parallel_loop3A_469 = arith.mulf %parallel_loop3A_468, %get3A_22 : vector<16xf32>
      %parallel_loop3A_470 = arith.addf %parallel_loop3A_469, %get3A_38 : vector<16xf32>
      %parallel_loop3A_471 = arith.constant 1 : i32
      %parallel_loop3A_472 = arith.index_cast %parallel_loop3A_471 : i32 to index
      %parallel_loop3A_473 = arith.index_cast %parallel_loop3A_194 : i32 to index
      %parallel_loop3A_474 = arith.constant 80 : index
      %parallel_loop3A_475 = tpu.vector_load %arg9[%parallel_loop3A_472, %parallel_loop3A_473, %parallel_loop3A_474] {strides = array<i32>} : memref<2x32x128xf32, #tpu.memory_space<vmem>>, vector<16xf32>,
      tpu.vector_store %arg9[%parallel_loop3A_472, %parallel_loop3A_473, %parallel_loop3A_474], %parallel_loop3A_470 {strides = array<i32>} : memref<2x32x128xf32, #tpu.memory_space<vmem>>, vector<16xf32>,
      %parallel_loop3A_476 = arith.subf %parallel_loop3A_264, %parallel_loop3A_387 : vector<16xf32>
      %parallel_loop3A_477 = arith.mulf %parallel_loop3A_476, %parallel_loop3A_421 : vector<16xf32>
      %parallel_loop3A_478 = arith.mulf %parallel_loop3A_477, %get3A_24 : vector<16xf32>
      %parallel_loop3A_479 = arith.addf %parallel_loop3A_478, %get3A_40 : vector<16xf32>
      %parallel_loop3A_480 = arith.constant 1 : i32
      %parallel_loop3A_481 = arith.index_cast %parallel_loop3A_480 : i32 to index
      %parallel_loop3A_482 = arith.index_cast %parallel_loop3A_194 : i32 to index
      %parallel_loop3A_483 = arith.constant 96 : index
      %parallel_loop3A_484 = tpu.vector_load %arg9[%parallel_loop3A_481, %parallel_loop3A_482, %parallel_loop3A_483] {strides = array<i32>} : memref<2x32x128xf32, #tpu.memory_space<vmem>>, vector<16xf32>,
      tpu.vector_store %arg9[%parallel_loop3A_481, %parallel_loop3A_482, %parallel_loop3A_483], %parallel_loop3A_479 {strides = array<i32>} : memref<2x32x128xf32, #tpu.memory_space<vmem>>, vector<16xf32>,
      %parallel_loop3A_485 = arith.subf %parallel_loop3A_274, %parallel_loop3A_387 : vector<16xf32>
      %parallel_loop3A_486 = arith.mulf %parallel_loop3A_485, %parallel_loop3A_421 : vector<16xf32>
      %parallel_loop3A_487 = arith.mulf %parallel_loop3A_486, %get3A_26 : vector<16xf32>
      %parallel_loop3A_488 = arith.addf %parallel_loop3A_487, %get3A_42 : vector<16xf32>
      %parallel_loop3A_489 = arith.constant 1 : i32
      %parallel_loop3A_490 = arith.index_cast %parallel_loop3A_489 : i32 to index
      %parallel_loop3A_491 = arith.index_cast %parallel_loop3A_194 : i32 to index
      %parallel_loop3A_492 = arith.constant 112 : index
      %parallel_loop3A_493 = tpu.vector_load %arg9[%parallel_loop3A_490, %parallel_loop3A_491, %parallel_loop3A_492] {strides = array<i32>} : memref<2x32x128xf32, #tpu.memory_space<vmem>>, vector<16xf32>,
      tpu.vector_store %arg9[%parallel_loop3A_490, %parallel_loop3A_491, %parallel_loop3A_492], %parallel_loop3A_488 {strides = array<i32>} : memref<2x32x128xf32, #tpu.memory_space<vmem>>, vector<16xf32>,
    } {sc.loop_unroll_factor = 2 : i64, sc.parallel_access}
    %mul3A_143 = arith.constant 6400 : i32
    %mul3A_144 = arith.muli %add3A, %mul3A_143 : i32
    %add3A_145 = arith.constant 32 : i32
    %add3A_146 = arith.addi %mul3A_144, %add3A_145 : i32
    %dma_start3A_147 = arith.constant 1 : i32
    %dma_start3A_148 = arith.constant 0 : i32
    %dma_start3A_149 = arith.constant 0 : i32
    %dma_start3A_150 = tpu.memref_slice %arg9[%dma_start3A_147, %dma_start3A_148, %dma_start3A_149] : memref<2x32x128xf32, #tpu.memory_space<vmem>> -> memref<1x32x128xf32, #tpu.memory_space<vmem>>
    %dma_start3A_151 = tpu.memref_squeeze %dma_start3A_150 : memref<1x32x128xf32, #tpu.memory_space<vmem>> -> memref<32x128xf32, #tpu.memory_space<vmem>>
    %dma_start3A_152 = arith.constant 0 : i32
    %dma_start3A_153 = tpu.memref_slice %arg7[%add3A_146, %dma_start3A_152] : memref<204800x128xf32, #tpu.memory_space<hbm>> -> memref<32x128xf32, #tpu.memory_space<hbm>>
    %dma_start3A_154 = arith.constant 0 : i32
    %dma_start3A_155 = tpu.memref_slice %arg7[%add3A_146, %dma_start3A_154] : memref<204800x128xf32, #tpu.memory_space<hbm>> -> memref<32x128xf32, #tpu.memory_space<hbm>>
    %dma_start3A_156 = arith.constant 0 : i32
    %dma_start3A_157 = arith.constant 0 : i32
    %dma_start3A_158 = tpu.memref_slice %arg9[%dma_start3A_147, %dma_start3A_156, %dma_start3A_157] : memref<2x32x128xf32, #tpu.memory_space<vmem>> -> memref<1x32x128xf32, #tpu.memory_space<vmem>>
    %dma_start3A_159 = tpu.memref_squeeze %dma_start3A_158 : memref<1x32x128xf32, #tpu.memory_space<vmem>> -> memref<32x128xf32, #tpu.memory_space<vmem>>
    tpu.enqueue_dma source(%dma_start3A_159 : memref<32x128xf32, #tpu.memory_space<vmem>>) target(%dma_start3A_155 : memref<32x128xf32, #tpu.memory_space<hbm>>) target_semaphore(%arg16 : memref<!tpu.dma_semaphore, #tpu.memory_space<semaphore_mem>>)
    %scan3A = arith.constant 0 : i32
    %scan3A_160 = arith.constant 1 : i32
    %scan3A_161 = arith.constant 99 : i32
    %scan3A_162 = arith.addi %scan3A_160, %scan3A_161 : i32
    %scan3A_163 = arith.constant 1 : i32
    scf.for %scan3A_194 = %scan3A_160 to %scan3A_162 step %scan3A_163  : i32 {
      %mul3A_195 = arith.constant 2 : i32
      %mul3A_196 = arith.muli %scan3A_194, %mul3A_195 : i32
      %add3A_197 = arith.constant 0 : i32
      %add3A_198 = arith.addi %mul3A_196, %add3A_197 : i32
      %dma_wait3A_199 = arith.constant 1 : i32
      %dma_wait3A_200 = arith.constant 0 : i32
      %dma_wait3A_201 = arith.constant 0 : i32
      %dma_wait3A_202 = tpu.memref_slice %arg9[%dma_wait3A_199, %dma_wait3A_200, %dma_wait3A_201] : memref<2x32x128xf32, #tpu.memory_space<vmem>> -> memref<1x32x128xf32, #tpu.memory_space<vmem>>
      %dma_wait3A_203 = tpu.memref_squeeze %dma_wait3A_202 : memref<1x32x128xf32, #tpu.memory_space<vmem>> -> memref<32x128xf32, #tpu.memory_space<vmem>>
      %dma_wait3A_204 = arith.constant 0 : i32
      %dma_wait3A_205 = arith.constant 0 : i32
      %dma_wait3A_206 = tpu.memref_slice %arg7[%dma_wait3A_204, %dma_wait3A_205] : memref<204800x128xf32, #tpu.memory_space<hbm>> -> memref<32x128xf32, #tpu.memory_space<hbm>>
      %dma_wait3A_207 = arith.constant 0 : i32
      %dma_wait3A_208 = arith.constant 0 : i32
      %dma_wait3A_209 = tpu.memref_slice %arg7[%dma_wait3A_207, %dma_wait3A_208] : memref<204800x128xf32, #tpu.memory_space<hbm>> -> memref<32x128xf32, #tpu.memory_space<hbm>>
      %dma_wait3A_210 = arith.constant 0 : i32
      %dma_wait3A_211 = arith.constant 0 : i32
      %dma_wait3A_212 = tpu.memref_slice %arg9[%dma_wait3A_199, %dma_wait3A_210, %dma_wait3A_211] : memref<2x32x128xf32, #tpu.memory_space<vmem>> -> memref<1x32x128xf32, #tpu.memory_space<vmem>>
      %dma_wait3A_213 = tpu.memref_squeeze %dma_wait3A_212 : memref<1x32x128xf32, #tpu.memory_space<vmem>> -> memref<32x128xf32, #tpu.memory_space<vmem>>
      tpu.wait_dma2 semaphore(%arg16 : memref<!tpu.dma_semaphore, #tpu.memory_space<semaphore_mem>>) src(%dma_wait3A_213 : memref<32x128xf32, #tpu.memory_space<vmem>>) dst(%dma_wait3A_209 : memref<32x128xf32, #tpu.memory_space<hbm>>)
      %add3A_214 = arith.constant 1 : i32
      %add3A_215 = arith.addi %add3A_198, %add3A_214 : i32
      %dma_start3A_216 = arith.constant 1 : i32
      %dma_start3A_217 = arith.constant 0 : i32
      %dma_start3A_218 = arith.constant 0 : i32
      %dma_start3A_219 = tpu.memref_slice %arg9[%dma_start3A_216, %dma_start3A_217, %dma_start3A_218] : memref<2x32x128xf32, #tpu.memory_space<vmem>> -> memref<1x32x128xf32, #tpu.memory_space<vmem>>
      %dma_start3A_220 = tpu.memref_squeeze %dma_start3A_219 : memref<1x32x128xf32, #tpu.memory_space<vmem>> -> memref<32x128xf32, #tpu.memory_space<vmem>>
      %dma_start3A_221 = arith.constant 0 : i32
      %dma_start3A_222 = tpu.memref_slice %arg8[%add3A_215, %dma_start3A_221] : memref<201x32xi32, #tpu.memory_space<vmem>> -> memref<1x32xi32, #tpu.memory_space<vmem>>
      %dma_start3A_223 = tpu.memref_squeeze %dma_start3A_222 : memref<1x32xi32, #tpu.memory_space<vmem>> -> memref<32xi32, #tpu.memory_space<vmem>>
      %dma_start3A_224 = arith.constant 0 : i32
      %dma_start3A_225 = arith.constant 0 : i32
      %dma_start3A_226 = tpu.memref_slice %arg3[%dma_start3A_224, %dma_start3A_225] : memref<100000x128xf32, #tpu.memory_space<hbm>> -> memref<100000x128xf32, #tpu.memory_space<hbm>>
      tpu.enqueue_indirect_dma source(%dma_start3A_226 : memref<100000x128xf32, #tpu.memory_space<hbm>>) target(%dma_start3A_220 : memref<32x128xf32, #tpu.memory_space<vmem>>) offsets(%dma_start3A_223 : memref<32xi32, #tpu.memory_space<vmem>>) semaphore(%arg14 : memref<!tpu.dma_semaphore, #tpu.memory_space<semaphore_mem>>)
      %dma_wait3A_227 = arith.constant 0 : i32
      %dma_wait3A_228 = arith.constant 0 : i32
      %dma_wait3A_229 = arith.constant 0 : i32
      %dma_wait3A_230 = tpu.memref_slice %arg9[%dma_wait3A_227, %dma_wait3A_228, %dma_wait3A_229] : memref<2x32x128xf32, #tpu.memory_space<vmem>> -> memref<1x32x128xf32, #tpu.memory_space<vmem>>
      %dma_wait3A_231 = tpu.memref_squeeze %dma_wait3A_230 : memref<1x32x128xf32, #tpu.memory_space<vmem>> -> memref<32x128xf32, #tpu.memory_space<vmem>>
      %dma_wait3A_232 = arith.constant 0 : i32
      %dma_wait3A_233 = tpu.memref_slice %arg8[%add3A_198, %dma_wait3A_232] : memref<201x32xi32, #tpu.memory_space<vmem>> -> memref<1x32xi32, #tpu.memory_space<vmem>>
      %dma_wait3A_234 = tpu.memref_squeeze %dma_wait3A_233 : memref<1x32xi32, #tpu.memory_space<vmem>> -> memref<32xi32, #tpu.memory_space<vmem>>
      %dma_wait3A_235 = arith.constant 0 : i32
      %dma_wait3A_236 = arith.constant 0 : i32
      %dma_wait3A_237 = tpu.memref_slice %arg3[%dma_wait3A_235, %dma_wait3A_236] : memref<100000x128xf32, #tpu.memory_space<hbm>> -> memref<100000x128xf32, #tpu.memory_space<hbm>>
      tpu.wait_indirect_dma semaphore(%arg13 : memref<!tpu.dma_semaphore, #tpu.memory_space<semaphore_mem>>) src(%dma_wait3A_237 : memref<100000x128xf32, #tpu.memory_space<hbm>>) dst(%dma_wait3A_231 : memref<32x128xf32, #tpu.memory_space<vmem>>)
      %mul3A_238 = arith.constant 32 : i32
      %mul3A_239 = arith.muli %add3A_198, %mul3A_238 : i32
      %rem3A_240 = arith.constant 200 : i32
      %rem3A_241 = arith.remsi %mul3A_239, %rem3A_240 : i32
      %parallel_loop3A_242 = arith.constant 0 : i32
      %parallel_loop3A_243 = arith.constant 32 : i32
      %parallel_loop3A_244 = arith.constant 1 : i32
      scf.for %parallel_loop3A_331 = %parallel_loop3A_242 to %parallel_loop3A_243 step %parallel_loop3A_244  : i32 {
        %parallel_loop3A_332 = arith.constant 0 : i32
        %parallel_loop3A_333 = arith.index_cast %parallel_loop3A_332 : i32 to index
        %parallel_loop3A_334 = arith.index_cast %parallel_loop3A_331 : i32 to index
        %parallel_loop3A_335 = arith.constant 0 : index
        %parallel_loop3A_336 = tpu.vector_load %arg9[%parallel_loop3A_333, %parallel_loop3A_334, %parallel_loop3A_335] {strides = array<i32>} : memref<2x32x128xf32, #tpu.memory_space<vmem>>, vector<16xf32>,
        %parallel_loop3A_337 = arith.addi %rem3A_241, %parallel_loop3A_331 : i32
        %parallel_loop3A_338 = arith.index_cast %parallel_loop3A_337 : i32 to index
        %parallel_loop3A_339 = arith.constant 0 : index
        %parallel_loop3A_340 = tpu.vector_load %arg10[%parallel_loop3A_338, %parallel_loop3A_339] {strides = array<i32>} : memref<224x128xf32, #tpu.memory_space<vmem>>, vector<16xf32>,
        %parallel_loop3A_341 = arith.addf %parallel_loop3A_336, %parallel_loop3A_340 : vector<16xf32>
        %parallel_loop3A_342 = arith.constant 0 : i32
        %parallel_loop3A_343 = arith.index_cast %parallel_loop3A_342 : i32 to index
        %parallel_loop3A_344 = arith.index_cast %parallel_loop3A_331 : i32 to index
        %parallel_loop3A_345 = arith.constant 16 : index
        %parallel_loop3A_346 = tpu.vector_load %arg9[%parallel_loop3A_343, %parallel_loop3A_344, %parallel_loop3A_345] {strides = array<i32>} : memref<2x32x128xf32, #tpu.memory_space<vmem>>, vector<16xf32>,
        %parallel_loop3A_347 = arith.addi %rem3A_241, %parallel_loop3A_331 : i32
        %parallel_loop3A_348 = arith.index_cast %parallel_loop3A_347 : i32 to index
        %parallel_loop3A_349 = arith.constant 16 : index
        %parallel_loop3A_350 = tpu.vector_load %arg10[%parallel_loop3A_348, %parallel_loop3A_349] {strides = array<i32>} : memref<224x128xf32, #tpu.memory_space<vmem>>, vector<16xf32>,
        %parallel_loop3A_351 = arith.addf %parallel_loop3A_346, %parallel_loop3A_350 : vector<16xf32>
        %parallel_loop3A_352 = arith.constant 0 : i32
        %parallel_loop3A_353 = arith.index_cast %parallel_loop3A_352 : i32 to index
        %parallel_loop3A_354 = arith.index_cast %parallel_loop3A_331 : i32 to index
        %parallel_loop3A_355 = arith.constant 32 : index
        %parallel_loop3A_356 = tpu.vector_load %arg9[%parallel_loop3A_353, %parallel_loop3A_354, %parallel_loop3A_355] {strides = array<i32>} : memref<2x32x128xf32, #tpu.memory_space<vmem>>, vector<16xf32>,
        %parallel_loop3A_357 = arith.addi %rem3A_241, %parallel_loop3A_331 : i32
        %parallel_loop3A_358 = arith.index_cast %parallel_loop3A_357 : i32 to index
        %parallel_loop3A_359 = arith.constant 32 : index
        %parallel_loop3A_360 = tpu.vector_load %arg10[%parallel_loop3A_358, %parallel_loop3A_359] {strides = array<i32>} : memref<224x128xf32, #tpu.memory_space<vmem>>, vector<16xf32>,
        %parallel_loop3A_361 = arith.addf %parallel_loop3A_356, %parallel_loop3A_360 : vector<16xf32>
        %parallel_loop3A_362 = arith.constant 0 : i32
        %parallel_loop3A_363 = arith.index_cast %parallel_loop3A_362 : i32 to index
        %parallel_loop3A_364 = arith.index_cast %parallel_loop3A_331 : i32 to index
        %parallel_loop3A_365 = arith.constant 48 : index
        %parallel_loop3A_366 = tpu.vector_load %arg9[%parallel_loop3A_363, %parallel_loop3A_364, %parallel_loop3A_365] {strides = array<i32>} : memref<2x32x128xf32, #tpu.memory_space<vmem>>, vector<16xf32>,
        %parallel_loop3A_367 = arith.addi %rem3A_241, %parallel_loop3A_331 : i32
        %parallel_loop3A_368 = arith.index_cast %parallel_loop3A_367 : i32 to index
        %parallel_loop3A_369 = arith.constant 48 : index
        %parallel_loop3A_370 = tpu.vector_load %arg10[%parallel_loop3A_368, %parallel_loop3A_369] {strides = array<i32>} : memref<224x128xf32, #tpu.memory_space<vmem>>, vector<16xf32>,
        %parallel_loop3A_371 = arith.addf %parallel_loop3A_366, %parallel_loop3A_370 : vector<16xf32>
        %parallel_loop3A_372 = arith.constant 0 : i32
        %parallel_loop3A_373 = arith.index_cast %parallel_loop3A_372 : i32 to index
        %parallel_loop3A_374 = arith.index_cast %parallel_loop3A_331 : i32 to index
        %parallel_loop3A_375 = arith.constant 64 : index
        %parallel_loop3A_376 = tpu.vector_load %arg9[%parallel_loop3A_373, %parallel_loop3A_374, %parallel_loop3A_375] {strides = array<i32>} : memref<2x32x128xf32, #tpu.memory_space<vmem>>, vector<16xf32>,
        %parallel_loop3A_377 = arith.addi %rem3A_241, %parallel_loop3A_331 : i32
        %parallel_loop3A_378 = arith.index_cast %parallel_loop3A_377 : i32 to index
        %parallel_loop3A_379 = arith.constant 64 : index
        %parallel_loop3A_380 = tpu.vector_load %arg10[%parallel_loop3A_378, %parallel_loop3A_379] {strides = array<i32>} : memref<224x128xf32, #tpu.memory_space<vmem>>, vector<16xf32>,
        %parallel_loop3A_381 = arith.addf %parallel_loop3A_376, %parallel_loop3A_380 : vector<16xf32>
        %parallel_loop3A_382 = arith.constant 0 : i32
        %parallel_loop3A_383 = arith.index_cast %parallel_loop3A_382 : i32 to index
        %parallel_loop3A_384 = arith.index_cast %parallel_loop3A_331 : i32 to index
        %parallel_loop3A_385 = arith.constant 80 : index
        %parallel_loop3A_386 = tpu.vector_load %arg9[%parallel_loop3A_383, %parallel_loop3A_384, %parallel_loop3A_385] {strides = array<i32>} : memref<2x32x128xf32, #tpu.memory_space<vmem>>, vector<16xf32>,
        %parallel_loop3A_387 = arith.addi %rem3A_241, %parallel_loop3A_331 : i32
        %parallel_loop3A_388 = arith.index_cast %parallel_loop3A_387 : i32 to index
        %parallel_loop3A_389 = arith.constant 80 : index
        %parallel_loop3A_390 = tpu.vector_load %arg10[%parallel_loop3A_388, %parallel_loop3A_389] {strides = array<i32>} : memref<224x128xf32, #tpu.memory_space<vmem>>, vector<16xf32>,
        %parallel_loop3A_391 = arith.addf %parallel_loop3A_386, %parallel_loop3A_390 : vector<16xf32>
        %parallel_loop3A_392 = arith.constant 0 : i32
        %parallel_loop3A_393 = arith.index_cast %parallel_loop3A_392 : i32 to index
        %parallel_loop3A_394 = arith.index_cast %parallel_loop3A_331 : i32 to index
        %parallel_loop3A_395 = arith.constant 96 : index
        %parallel_loop3A_396 = tpu.vector_load %arg9[%parallel_loop3A_393, %parallel_loop3A_394, %parallel_loop3A_395] {strides = array<i32>} : memref<2x32x128xf32, #tpu.memory_space<vmem>>, vector<16xf32>,
        %parallel_loop3A_397 = arith.addi %rem3A_241, %parallel_loop3A_331 : i32
        %parallel_loop3A_398 = arith.index_cast %parallel_loop3A_397 : i32 to index
        %parallel_loop3A_399 = arith.constant 96 : index
        %parallel_loop3A_400 = tpu.vector_load %arg10[%parallel_loop3A_398, %parallel_loop3A_399] {strides = array<i32>} : memref<224x128xf32, #tpu.memory_space<vmem>>, vector<16xf32>,
        %parallel_loop3A_401 = arith.addf %parallel_loop3A_396, %parallel_loop3A_400 : vector<16xf32>
        %parallel_loop3A_402 = arith.constant 0 : i32
        %parallel_loop3A_403 = arith.index_cast %parallel_loop3A_402 : i32 to index
        %parallel_loop3A_404 = arith.index_cast %parallel_loop3A_331 : i32 to index
        %parallel_loop3A_405 = arith.constant 112 : index
        %parallel_loop3A_406 = tpu.vector_load %arg9[%parallel_loop3A_403, %parallel_loop3A_404, %parallel_loop3A_405] {strides = array<i32>} : memref<2x32x128xf32, #tpu.memory_space<vmem>>, vector<16xf32>,
        %parallel_loop3A_407 = arith.addi %rem3A_241, %parallel_loop3A_331 : i32
        %parallel_loop3A_408 = arith.index_cast %parallel_loop3A_407 : i32 to index
        %parallel_loop3A_409 = arith.constant 112 : index
        %parallel_loop3A_410 = tpu.vector_load %arg10[%parallel_loop3A_408, %parallel_loop3A_409] {strides = array<i32>} : memref<224x128xf32, #tpu.memory_space<vmem>>, vector<16xf32>,
        %parallel_loop3A_411 = arith.addf %parallel_loop3A_406, %parallel_loop3A_410 : vector<16xf32>
        %parallel_loop3A_412 = arith.addf %parallel_loop3A_341, %parallel_loop3A_351 : vector<16xf32>
        %parallel_loop3A_413 = arith.addf %parallel_loop3A_361, %parallel_loop3A_371 : vector<16xf32>
        %parallel_loop3A_414 = arith.addf %parallel_loop3A_412, %parallel_loop3A_413 : vector<16xf32>
        %parallel_loop3A_415 = arith.addf %parallel_loop3A_381, %parallel_loop3A_391 : vector<16xf32>
        %parallel_loop3A_416 = arith.addf %parallel_loop3A_401, %parallel_loop3A_411 : vector<16xf32>
        %parallel_loop3A_417 = arith.addf %parallel_loop3A_415, %parallel_loop3A_416 : vector<16xf32>
        %parallel_loop3A_418 = arith.addf %parallel_loop3A_414, %parallel_loop3A_417 : vector<16xf32>
        %parallel_loop3A_419 = arith.mulf %parallel_loop3A_341, %parallel_loop3A_341 : vector<16xf32>
        %parallel_loop3A_420 = arith.mulf %parallel_loop3A_351, %parallel_loop3A_351 : vector<16xf32>
        %parallel_loop3A_421 = arith.addf %parallel_loop3A_419, %parallel_loop3A_420 : vector<16xf32>
        %parallel_loop3A_422 = arith.mulf %parallel_loop3A_361, %parallel_loop3A_361 : vector<16xf32>
        %parallel_loop3A_423 = arith.mulf %parallel_loop3A_371, %parallel_loop3A_371 : vector<16xf32>
        %parallel_loop3A_424 = arith.addf %parallel_loop3A_422, %parallel_loop3A_423 : vector<16xf32>
        %parallel_loop3A_425 = arith.addf %parallel_loop3A_421, %parallel_loop3A_424 : vector<16xf32>
        %parallel_loop3A_426 = arith.mulf %parallel_loop3A_381, %parallel_loop3A_381 : vector<16xf32>
        %parallel_loop3A_427 = arith.mulf %parallel_loop3A_391, %parallel_loop3A_391 : vector<16xf32>
        %parallel_loop3A_428 = arith.addf %parallel_loop3A_426, %parallel_loop3A_427 : vector<16xf32>
        %parallel_loop3A_429 = arith.mulf %parallel_loop3A_401, %parallel_loop3A_401 : vector<16xf32>
        %parallel_loop3A_430 = arith.mulf %parallel_loop3A_411, %parallel_loop3A_411 : vector<16xf32>
        %parallel_loop3A_431 = arith.addf %parallel_loop3A_429, %parallel_loop3A_430 : vector<16xf32>
        %parallel_loop3A_432 = arith.addf %parallel_loop3A_428, %parallel_loop3A_431 : vector<16xf32>
        %parallel_loop3A_433 = arith.addf %parallel_loop3A_425, %parallel_loop3A_432 : vector<16xf32>
        %parallel_loop3A_434 = arith.constant 0 : i32
        %parallel_loop3A_435 = vector.broadcast %parallel_loop3A_434 : i32 to vector<16xi32>
        %parallel_loop3A_436 = arith.cmpi slt, %xor3A_2, %parallel_loop3A_435 : vector<16xi32>
        %parallel_loop3A_437 = arith.constant 16 : i32
        %parallel_loop3A_438 = vector.broadcast %parallel_loop3A_437 : i32 to vector<16xi32>
        %parallel_loop3A_439 = arith.addi %xor3A_2, %parallel_loop3A_438 : vector<16xi32>
        %parallel_loop3A_440 = arith.select %parallel_loop3A_436, %parallel_loop3A_439, %xor3A_2 : vector<16xi1>, vector<16xi32>
        %parallel_loop3A_441 = vector.shape_cast %parallel_loop3A_440 : vector<16xi32> to vector<16x1xi32>
        %parallel_loop3A_442 = vector.shape_cast %parallel_loop3A_441 : vector<16x1xi32> to vector<16xi32>
        %parallel_loop3A_443 = tpu.dynamic_gather %parallel_loop3A_418[%parallel_loop3A_442] in [0] : vector<16xf32>, vector<16xi32> -> vector<16xf32>
        %parallel_loop3A_444 = arith.addf %parallel_loop3A_418, %parallel_loop3A_443 : vector<16xf32>
        %parallel_loop3A_445 = arith.constant 0 : i32
        %parallel_loop3A_446 = vector.broadcast %parallel_loop3A_445 : i32 to vector<16xi32>
        %parallel_loop3A_447 = arith.cmpi slt, %xor3A_2, %parallel_loop3A_446 : vector<16xi32>
        %parallel_loop3A_448 = arith.constant 16 : i32
        %parallel_loop3A_449 = vector.broadcast %parallel_loop3A_448 : i32 to vector<16xi32>
        %parallel_loop3A_450 = arith.addi %xor3A_2, %parallel_loop3A_449 : vector<16xi32>
        %parallel_loop3A_451 = arith.select %parallel_loop3A_447, %parallel_loop3A_450, %xor3A_2 : vector<16xi1>, vector<16xi32>
        %parallel_loop3A_452 = vector.shape_cast %parallel_loop3A_451 : vector<16xi32> to vector<16x1xi32>
        %parallel_loop3A_453 = vector.shape_cast %parallel_loop3A_452 : vector<16x1xi32> to vector<16xi32>
        %parallel_loop3A_454 = tpu.dynamic_gather %parallel_loop3A_433[%parallel_loop3A_453] in [0] : vector<16xf32>, vector<16xi32> -> vector<16xf32>
        %parallel_loop3A_455 = arith.addf %parallel_loop3A_433, %parallel_loop3A_454 : vector<16xf32>
        %parallel_loop3A_456 = arith.constant 0 : i32
        %parallel_loop3A_457 = vector.broadcast %parallel_loop3A_456 : i32 to vector<16xi32>
        %parallel_loop3A_458 = arith.cmpi slt, %xor3A_5, %parallel_loop3A_457 : vector<16xi32>
        %parallel_loop3A_459 = arith.constant 16 : i32
        %parallel_loop3A_460 = vector.broadcast %parallel_loop3A_459 : i32 to vector<16xi32>
        %parallel_loop3A_461 = arith.addi %xor3A_5, %parallel_loop3A_460 : vector<16xi32>
        %parallel_loop3A_462 = arith.select %parallel_loop3A_458, %parallel_loop3A_461, %xor3A_5 : vector<16xi1>, vector<16xi32>
        %parallel_loop3A_463 = vector.shape_cast %parallel_loop3A_462 : vector<16xi32> to vector<16x1xi32>
        %parallel_loop3A_464 = vector.shape_cast %parallel_loop3A_463 : vector<16x1xi32> to vector<16xi32>
        %parallel_loop3A_465 = tpu.dynamic_gather %parallel_loop3A_444[%parallel_loop3A_464] in [0] : vector<16xf32>, vector<16xi32> -> vector<16xf32>
        %parallel_loop3A_466 = arith.addf %parallel_loop3A_444, %parallel_loop3A_465 : vector<16xf32>
        %parallel_loop3A_467 = arith.constant 0 : i32
        %parallel_loop3A_468 = vector.broadcast %parallel_loop3A_467 : i32 to vector<16xi32>
        %parallel_loop3A_469 = arith.cmpi slt, %xor3A_5, %parallel_loop3A_468 : vector<16xi32>
        %parallel_loop3A_470 = arith.constant 16 : i32
        %parallel_loop3A_471 = vector.broadcast %parallel_loop3A_470 : i32 to vector<16xi32>
        %parallel_loop3A_472 = arith.addi %xor3A_5, %parallel_loop3A_471 : vector<16xi32>
        %parallel_loop3A_473 = arith.select %parallel_loop3A_469, %parallel_loop3A_472, %xor3A_5 : vector<16xi1>, vector<16xi32>
        %parallel_loop3A_474 = vector.shape_cast %parallel_loop3A_473 : vector<16xi32> to vector<16x1xi32>
        %parallel_loop3A_475 = vector.shape_cast %parallel_loop3A_474 : vector<16x1xi32> to vector<16xi32>
        %parallel_loop3A_476 = tpu.dynamic_gather %parallel_loop3A_455[%parallel_loop3A_475] in [0] : vector<16xf32>, vector<16xi32> -> vector<16xf32>
        %parallel_loop3A_477 = arith.addf %parallel_loop3A_455, %parallel_loop3A_476 : vector<16xf32>
        %parallel_loop3A_478 = arith.constant 0 : i32
        %parallel_loop3A_479 = vector.broadcast %parallel_loop3A_478 : i32 to vector<16xi32>
        %parallel_loop3A_480 = arith.cmpi slt, %xor3A_8, %parallel_loop3A_479 : vector<16xi32>
        %parallel_loop3A_481 = arith.constant 16 : i32
        %parallel_loop3A_482 = vector.broadcast %parallel_loop3A_481 : i32 to vector<16xi32>
        %parallel_loop3A_483 = arith.addi %xor3A_8, %parallel_loop3A_482 : vector<16xi32>
        %parallel_loop3A_484 = arith.select %parallel_loop3A_480, %parallel_loop3A_483, %xor3A_8 : vector<16xi1>, vector<16xi32>
        %parallel_loop3A_485 = vector.shape_cast %parallel_loop3A_484 : vector<16xi32> to vector<16x1xi32>
        %parallel_loop3A_486 = vector.shape_cast %parallel_loop3A_485 : vector<16x1xi32> to vector<16xi32>
        %parallel_loop3A_487 = tpu.dynamic_gather %parallel_loop3A_466[%parallel_loop3A_486] in [0] : vector<16xf32>, vector<16xi32> -> vector<16xf32>
        %parallel_loop3A_488 = arith.addf %parallel_loop3A_466, %parallel_loop3A_487 : vector<16xf32>
        %parallel_loop3A_489 = arith.constant 0 : i32
        %parallel_loop3A_490 = vector.broadcast %parallel_loop3A_489 : i32 to vector<16xi32>
        %parallel_loop3A_491 = arith.cmpi slt, %xor3A_8, %parallel_loop3A_490 : vector<16xi32>
        %parallel_loop3A_492 = arith.constant 16 : i32
        %parallel_loop3A_493 = vector.broadcast %parallel_loop3A_492 : i32 to vector<16xi32>
        %parallel_loop3A_494 = arith.addi %xor3A_8, %parallel_loop3A_493 : vector<16xi32>
        %parallel_loop3A_495 = arith.select %parallel_loop3A_491, %parallel_loop3A_494, %xor3A_8 : vector<16xi1>, vector<16xi32>
        %parallel_loop3A_496 = vector.shape_cast %parallel_loop3A_495 : vector<16xi32> to vector<16x1xi32>
        %parallel_loop3A_497 = vector.shape_cast %parallel_loop3A_496 : vector<16x1xi32> to vector<16xi32>
        %parallel_loop3A_498 = tpu.dynamic_gather %parallel_loop3A_477[%parallel_loop3A_497] in [0] : vector<16xf32>, vector<16xi32> -> vector<16xf32>
        %parallel_loop3A_499 = arith.addf %parallel_loop3A_477, %parallel_loop3A_498 : vector<16xf32>
        %parallel_loop3A_500 = arith.constant 0 : i32
        %parallel_loop3A_501 = vector.broadcast %parallel_loop3A_500 : i32 to vector<16xi32>
        %parallel_loop3A_502 = arith.cmpi slt, %xor3A_11, %parallel_loop3A_501 : vector<16xi32>
        %parallel_loop3A_503 = arith.constant 16 : i32
        %parallel_loop3A_504 = vector.broadcast %parallel_loop3A_503 : i32 to vector<16xi32>
        %parallel_loop3A_505 = arith.addi %xor3A_11, %parallel_loop3A_504 : vector<16xi32>
        %parallel_loop3A_506 = arith.select %parallel_loop3A_502, %parallel_loop3A_505, %xor3A_11 : vector<16xi1>, vector<16xi32>
        %parallel_loop3A_507 = vector.shape_cast %parallel_loop3A_506 : vector<16xi32> to vector<16x1xi32>
        %parallel_loop3A_508 = vector.shape_cast %parallel_loop3A_507 : vector<16x1xi32> to vector<16xi32>
        %parallel_loop3A_509 = tpu.dynamic_gather %parallel_loop3A_488[%parallel_loop3A_508] in [0] : vector<16xf32>, vector<16xi32> -> vector<16xf32>
        %parallel_loop3A_510 = arith.addf %parallel_loop3A_488, %parallel_loop3A_509 : vector<16xf32>
        %parallel_loop3A_511 = arith.constant 0 : i32
        %parallel_loop3A_512 = vector.broadcast %parallel_loop3A_511 : i32 to vector<16xi32>
        %parallel_loop3A_513 = arith.cmpi slt, %xor3A_11, %parallel_loop3A_512 : vector<16xi32>
        %parallel_loop3A_514 = arith.constant 16 : i32
        %parallel_loop3A_515 = vector.broadcast %parallel_loop3A_514 : i32 to vector<16xi32>
        %parallel_loop3A_516 = arith.addi %xor3A_11, %parallel_loop3A_515 : vector<16xi32>
        %parallel_loop3A_517 = arith.select %parallel_loop3A_513, %parallel_loop3A_516, %xor3A_11 : vector<16xi1>, vector<16xi32>
        %parallel_loop3A_518 = vector.shape_cast %parallel_loop3A_517 : vector<16xi32> to vector<16x1xi32>
        %parallel_loop3A_519 = vector.shape_cast %parallel_loop3A_518 : vector<16x1xi32> to vector<16xi32>
        %parallel_loop3A_520 = tpu.dynamic_gather %parallel_loop3A_499[%parallel_loop3A_519] in [0] : vector<16xf32>, vector<16xi32> -> vector<16xf32>
        %parallel_loop3A_521 = arith.addf %parallel_loop3A_499, %parallel_loop3A_520 : vector<16xf32>
        %parallel_loop3A_522 = arith.constant 7.812500e-03 : f32
        %parallel_loop3A_523 = vector.broadcast %parallel_loop3A_522 : f32 to vector<16xf32>
        %parallel_loop3A_524 = arith.mulf %parallel_loop3A_510, %parallel_loop3A_523 : vector<16xf32>
        %parallel_loop3A_525 = arith.constant 7.812500e-03 : f32
        %parallel_loop3A_526 = vector.broadcast %parallel_loop3A_525 : f32 to vector<16xf32>
        %parallel_loop3A_527 = arith.mulf %parallel_loop3A_521, %parallel_loop3A_526 : vector<16xf32>
        %parallel_loop3A_528 = arith.mulf %parallel_loop3A_524, %parallel_loop3A_524 : vector<16xf32>
        %parallel_loop3A_529 = arith.subf %parallel_loop3A_527, %parallel_loop3A_528 : vector<16xf32>
        %parallel_loop3A_530 = arith.constant 9.99999996E-13 : f32
        %parallel_loop3A_531 = vector.broadcast %parallel_loop3A_530 : f32 to vector<16xf32>
        %parallel_loop3A_532 = arith.addf %parallel_loop3A_529, %parallel_loop3A_531 : vector<16xf32>
        %parallel_loop3A_533 = vector.bitcast %parallel_loop3A_532 : vector<16xf32> to vector<16xi32>
        %parallel_loop3A_534 = arith.constant 1 : i32
        %parallel_loop3A_535 = vector.broadcast %parallel_loop3A_534 : i32 to vector<16xi32>
        %parallel_loop3A_536 = arith.shrui %parallel_loop3A_533, %parallel_loop3A_535 : vector<16xi32>
        %parallel_loop3A_537 = arith.constant 1597463007 : i32
        %parallel_loop3A_538 = vector.broadcast %parallel_loop3A_537 : i32 to vector<16xi32>
        %parallel_loop3A_539 = arith.subi %parallel_loop3A_538, %parallel_loop3A_536 : vector<16xi32>
        %parallel_loop3A_540 = vector.bitcast %parallel_loop3A_539 : vector<16xi32> to vector<16xf32>
        %parallel_loop3A_541 = arith.constant 5.000000e-01 : f32
        %parallel_loop3A_542 = vector.broadcast %parallel_loop3A_541 : f32 to vector<16xf32>
        %parallel_loop3A_543 = arith.mulf %parallel_loop3A_542, %parallel_loop3A_532 : vector<16xf32>
        %parallel_loop3A_544 = arith.mulf %parallel_loop3A_543, %parallel_loop3A_540 : vector<16xf32>
        %parallel_loop3A_545 = arith.mulf %parallel_loop3A_544, %parallel_loop3A_540 : vector<16xf32>
        %parallel_loop3A_546 = arith.constant 1.500000e+00 : f32
        %parallel_loop3A_547 = vector.broadcast %parallel_loop3A_546 : f32 to vector<16xf32>
        %parallel_loop3A_548 = arith.subf %parallel_loop3A_547, %parallel_loop3A_545 : vector<16xf32>
        %parallel_loop3A_549 = arith.mulf %parallel_loop3A_540, %parallel_loop3A_548 : vector<16xf32>
        %parallel_loop3A_550 = arith.constant 5.000000e-01 : f32
        %parallel_loop3A_551 = vector.broadcast %parallel_loop3A_550 : f32 to vector<16xf32>
        %parallel_loop3A_552 = arith.mulf %parallel_loop3A_551, %parallel_loop3A_532 : vector<16xf32>
        %parallel_loop3A_553 = arith.mulf %parallel_loop3A_552, %parallel_loop3A_549 : vector<16xf32>
        %parallel_loop3A_554 = arith.mulf %parallel_loop3A_553, %parallel_loop3A_549 : vector<16xf32>
        %parallel_loop3A_555 = arith.constant 1.500000e+00 : f32
        %parallel_loop3A_556 = vector.broadcast %parallel_loop3A_555 : f32 to vector<16xf32>
        %parallel_loop3A_557 = arith.subf %parallel_loop3A_556, %parallel_loop3A_554 : vector<16xf32>
        %parallel_loop3A_558 = arith.mulf %parallel_loop3A_549, %parallel_loop3A_557 : vector<16xf32>
        %parallel_loop3A_559 = arith.subf %parallel_loop3A_341, %parallel_loop3A_524 : vector<16xf32>
        %parallel_loop3A_560 = arith.mulf %parallel_loop3A_559, %parallel_loop3A_558 : vector<16xf32>
        %parallel_loop3A_561 = arith.mulf %parallel_loop3A_560, %get3A_12 : vector<16xf32>
        %parallel_loop3A_562 = arith.addf %parallel_loop3A_561, %get3A_28 : vector<16xf32>
        %parallel_loop3A_563 = arith.constant 0 : i32
        %parallel_loop3A_564 = arith.index_cast %parallel_loop3A_563 : i32 to index
        %parallel_loop3A_565 = arith.index_cast %parallel_loop3A_331 : i32 to index
        %parallel_loop3A_566 = arith.constant 0 : index
        %parallel_loop3A_567 = tpu.vector_load %arg9[%parallel_loop3A_564, %parallel_loop3A_565, %parallel_loop3A_566] {strides = array<i32>} : memref<2x32x128xf32, #tpu.memory_space<vmem>>, vector<16xf32>,
        tpu.vector_store %arg9[%parallel_loop3A_564, %parallel_loop3A_565, %parallel_loop3A_566], %parallel_loop3A_562 {strides = array<i32>} : memref<2x32x128xf32, #tpu.memory_space<vmem>>, vector<16xf32>,
        %parallel_loop3A_568 = arith.subf %parallel_loop3A_351, %parallel_loop3A_524 : vector<16xf32>
        %parallel_loop3A_569 = arith.mulf %parallel_loop3A_568, %parallel_loop3A_558 : vector<16xf32>
        %parallel_loop3A_570 = arith.mulf %parallel_loop3A_569, %get3A_14 : vector<16xf32>
        %parallel_loop3A_571 = arith.addf %parallel_loop3A_570, %get3A_30 : vector<16xf32>
        %parallel_loop3A_572 = arith.constant 0 : i32
        %parallel_loop3A_573 = arith.index_cast %parallel_loop3A_572 : i32 to index
        %parallel_loop3A_574 = arith.index_cast %parallel_loop3A_331 : i32 to index
        %parallel_loop3A_575 = arith.constant 16 : index
        %parallel_loop3A_576 = tpu.vector_load %arg9[%parallel_loop3A_573, %parallel_loop3A_574, %parallel_loop3A_575] {strides = array<i32>} : memref<2x32x128xf32, #tpu.memory_space<vmem>>, vector<16xf32>,
        tpu.vector_store %arg9[%parallel_loop3A_573, %parallel_loop3A_574, %parallel_loop3A_575], %parallel_loop3A_571 {strides = array<i32>} : memref<2x32x128xf32, #tpu.memory_space<vmem>>, vector<16xf32>,
        %parallel_loop3A_577 = arith.subf %parallel_loop3A_361, %parallel_loop3A_524 : vector<16xf32>
        %parallel_loop3A_578 = arith.mulf %parallel_loop3A_577, %parallel_loop3A_558 : vector<16xf32>
        %parallel_loop3A_579 = arith.mulf %parallel_loop3A_578, %get3A_16 : vector<16xf32>
        %parallel_loop3A_580 = arith.addf %parallel_loop3A_579, %get3A_32 : vector<16xf32>
        %parallel_loop3A_581 = arith.constant 0 : i32
        %parallel_loop3A_582 = arith.index_cast %parallel_loop3A_581 : i32 to index
        %parallel_loop3A_583 = arith.index_cast %parallel_loop3A_331 : i32 to index
        %parallel_loop3A_584 = arith.constant 32 : index
        %parallel_loop3A_585 = tpu.vector_load %arg9[%parallel_loop3A_582, %parallel_loop3A_583, %parallel_loop3A_584] {strides = array<i32>} : memref<2x32x128xf32, #tpu.memory_space<vmem>>, vector<16xf32>,
        tpu.vector_store %arg9[%parallel_loop3A_582, %parallel_loop3A_583, %parallel_loop3A_584], %parallel_loop3A_580 {strides = array<i32>} : memref<2x32x128xf32, #tpu.memory_space<vmem>>, vector<16xf32>,
        %parallel_loop3A_586 = arith.subf %parallel_loop3A_371, %parallel_loop3A_524 : vector<16xf32>
        %parallel_loop3A_587 = arith.mulf %parallel_loop3A_586, %parallel_loop3A_558 : vector<16xf32>
        %parallel_loop3A_588 = arith.mulf %parallel_loop3A_587, %get3A_18 : vector<16xf32>
        %parallel_loop3A_589 = arith.addf %parallel_loop3A_588, %get3A_34 : vector<16xf32>
        %parallel_loop3A_590 = arith.constant 0 : i32
        %parallel_loop3A_591 = arith.index_cast %parallel_loop3A_590 : i32 to index
        %parallel_loop3A_592 = arith.index_cast %parallel_loop3A_331 : i32 to index
        %parallel_loop3A_593 = arith.constant 48 : index
        %parallel_loop3A_594 = tpu.vector_load %arg9[%parallel_loop3A_591, %parallel_loop3A_592, %parallel_loop3A_593] {strides = array<i32>} : memref<2x32x128xf32, #tpu.memory_space<vmem>>, vector<16xf32>,
        tpu.vector_store %arg9[%parallel_loop3A_591, %parallel_loop3A_592, %parallel_loop3A_593], %parallel_loop3A_589 {strides = array<i32>} : memref<2x32x128xf32, #tpu.memory_space<vmem>>, vector<16xf32>,
        %parallel_loop3A_595 = arith.subf %parallel_loop3A_381, %parallel_loop3A_524 : vector<16xf32>
        %parallel_loop3A_596 = arith.mulf %parallel_loop3A_595, %parallel_loop3A_558 : vector<16xf32>
        %parallel_loop3A_597 = arith.mulf %parallel_loop3A_596, %get3A_20 : vector<16xf32>
        %parallel_loop3A_598 = arith.addf %parallel_loop3A_597, %get3A_36 : vector<16xf32>
        %parallel_loop3A_599 = arith.constant 0 : i32
        %parallel_loop3A_600 = arith.index_cast %parallel_loop3A_599 : i32 to index
        %parallel_loop3A_601 = arith.index_cast %parallel_loop3A_331 : i32 to index
        %parallel_loop3A_602 = arith.constant 64 : index
        %parallel_loop3A_603 = tpu.vector_load %arg9[%parallel_loop3A_600, %parallel_loop3A_601, %parallel_loop3A_602] {strides = array<i32>} : memref<2x32x128xf32, #tpu.memory_space<vmem>>, vector<16xf32>,
        tpu.vector_store %arg9[%parallel_loop3A_600, %parallel_loop3A_601, %parallel_loop3A_602], %parallel_loop3A_598 {strides = array<i32>} : memref<2x32x128xf32, #tpu.memory_space<vmem>>, vector<16xf32>,
        %parallel_loop3A_604 = arith.subf %parallel_loop3A_391, %parallel_loop3A_524 : vector<16xf32>
        %parallel_loop3A_605 = arith.mulf %parallel_loop3A_604, %parallel_loop3A_558 : vector<16xf32>
        %parallel_loop3A_606 = arith.mulf %parallel_loop3A_605, %get3A_22 : vector<16xf32>
        %parallel_loop3A_607 = arith.addf %parallel_loop3A_606, %get3A_38 : vector<16xf32>
        %parallel_loop3A_608 = arith.constant 0 : i32
        %parallel_loop3A_609 = arith.index_cast %parallel_loop3A_608 : i32 to index
        %parallel_loop3A_610 = arith.index_cast %parallel_loop3A_331 : i32 to index
        %parallel_loop3A_611 = arith.constant 80 : index
        %parallel_loop3A_612 = tpu.vector_load %arg9[%parallel_loop3A_609, %parallel_loop3A_610, %parallel_loop3A_611] {strides = array<i32>} : memref<2x32x128xf32, #tpu.memory_space<vmem>>, vector<16xf32>,
        tpu.vector_store %arg9[%parallel_loop3A_609, %parallel_loop3A_610, %parallel_loop3A_611], %parallel_loop3A_607 {strides = array<i32>} : memref<2x32x128xf32, #tpu.memory_space<vmem>>, vector<16xf32>,
        %parallel_loop3A_613 = arith.subf %parallel_loop3A_401, %parallel_loop3A_524 : vector<16xf32>
        %parallel_loop3A_614 = arith.mulf %parallel_loop3A_613, %parallel_loop3A_558 : vector<16xf32>
        %parallel_loop3A_615 = arith.mulf %parallel_loop3A_614, %get3A_24 : vector<16xf32>
        %parallel_loop3A_616 = arith.addf %parallel_loop3A_615, %get3A_40 : vector<16xf32>
        %parallel_loop3A_617 = arith.constant 0 : i32
        %parallel_loop3A_618 = arith.index_cast %parallel_loop3A_617 : i32 to index
        %parallel_loop3A_619 = arith.index_cast %parallel_loop3A_331 : i32 to index
        %parallel_loop3A_620 = arith.constant 96 : index
        %parallel_loop3A_621 = tpu.vector_load %arg9[%parallel_loop3A_618, %parallel_loop3A_619, %parallel_loop3A_620] {strides = array<i32>} : memref<2x32x128xf32, #tpu.memory_space<vmem>>, vector<16xf32>,
        tpu.vector_store %arg9[%parallel_loop3A_618, %parallel_loop3A_619, %parallel_loop3A_620], %parallel_loop3A_616 {strides = array<i32>} : memref<2x32x128xf32, #tpu.memory_space<vmem>>, vector<16xf32>,
        %parallel_loop3A_622 = arith.subf %parallel_loop3A_411, %parallel_loop3A_524 : vector<16xf32>
        %parallel_loop3A_623 = arith.mulf %parallel_loop3A_622, %parallel_loop3A_558 : vector<16xf32>
        %parallel_loop3A_624 = arith.mulf %parallel_loop3A_623, %get3A_26 : vector<16xf32>
        %parallel_loop3A_625 = arith.addf %parallel_loop3A_624, %get3A_42 : vector<16xf32>
        %parallel_loop3A_626 = arith.constant 0 : i32
        %parallel_loop3A_627 = arith.index_cast %parallel_loop3A_626 : i32 to index
        %parallel_loop3A_628 = arith.index_cast %parallel_loop3A_331 : i32 to index
        %parallel_loop3A_629 = arith.constant 112 : index
        %parallel_loop3A_630 = tpu.vector_load %arg9[%parallel_loop3A_627, %parallel_loop3A_628, %parallel_loop3A_629] {strides = array<i32>} : memref<2x32x128xf32, #tpu.memory_space<vmem>>, vector<16xf32>,
        tpu.vector_store %arg9[%parallel_loop3A_627, %parallel_loop3A_628, %parallel_loop3A_629], %parallel_loop3A_625 {strides = array<i32>} : memref<2x32x128xf32, #tpu.memory_space<vmem>>, vector<16xf32>,
      } {sc.loop_unroll_factor = 2 : i64, sc.parallel_access}
      %mul3A_245 = arith.constant 6400 : i32
      %mul3A_246 = arith.muli %add3A, %mul3A_245 : i32
      %mul3A_247 = arith.constant 32 : i32
      %mul3A_248 = arith.muli %add3A_198, %mul3A_247 : i32
      %add3A_249 = arith.addi %mul3A_246, %mul3A_248 : i32
      %dma_start3A_250 = arith.constant 0 : i32
      %dma_start3A_251 = arith.constant 0 : i32
      %dma_start3A_252 = arith.constant 0 : i32
      %dma_start3A_253 = tpu.memref_slice %arg9[%dma_start3A_250, %dma_start3A_251, %dma_start3A_252] : memref<2x32x128xf32, #tpu.memory_space<vmem>> -> memref<1x32x128xf32, #tpu.memory_space<vmem>>
      %dma_start3A_254 = tpu.memref_squeeze %dma_start3A_253 : memref<1x32x128xf32, #tpu.memory_space<vmem>> -> memref<32x128xf32, #tpu.memory_space<vmem>>
      %dma_start3A_255 = arith.constant 0 : i32
      %dma_start3A_256 = tpu.memref_slice %arg7[%add3A_249, %dma_start3A_255] : memref<204800x128xf32, #tpu.memory_space<hbm>> -> memref<32x128xf32, #tpu.memory_space<hbm>>
      %dma_start3A_257 = arith.constant 0 : i32
      %dma_start3A_258 = tpu.memref_slice %arg7[%add3A_249, %dma_start3A_257] : memref<204800x128xf32, #tpu.memory_space<hbm>> -> memref<32x128xf32, #tpu.memory_space<hbm>>
      %dma_start3A_259 = arith.constant 0 : i32
      %dma_start3A_260 = arith.constant 0 : i32
      %dma_start3A_261 = tpu.memref_slice %arg9[%dma_start3A_250, %dma_start3A_259, %dma_start3A_260] : memref<2x32x128xf32, #tpu.memory_space<vmem>> -> memref<1x32x128xf32, #tpu.memory_space<vmem>>
      %dma_start3A_262 = tpu.memref_squeeze %dma_start3A_261 : memref<1x32x128xf32, #tpu.memory_space<vmem>> -> memref<32x128xf32, #tpu.memory_space<vmem>>
      tpu.enqueue_dma source(%dma_start3A_262 : memref<32x128xf32, #tpu.memory_space<vmem>>) target(%dma_start3A_258 : memref<32x128xf32, #tpu.memory_space<hbm>>) target_semaphore(%arg15 : memref<!tpu.dma_semaphore, #tpu.memory_space<semaphore_mem>>)
      %mul3A_263 = arith.constant 2 : i32
      %mul3A_264 = arith.muli %scan3A_194, %mul3A_263 : i32
      %add3A_265 = arith.constant 1 : i32
      %add3A_266 = arith.addi %mul3A_264, %add3A_265 : i32
      %dma_wait3A_267 = arith.constant 0 : i32
      %dma_wait3A_268 = arith.constant 0 : i32
      %dma_wait3A_269 = arith.constant 0 : i32
      %dma_wait3A_270 = tpu.memref_slice %arg9[%dma_wait3A_267, %dma_wait3A_268, %dma_wait3A_269] : memref<2x32x128xf32, #tpu.memory_space<vmem>> -> memref<1x32x128xf32, #tpu.memory_space<vmem>>
      %dma_wait3A_271 = tpu.memref_squeeze %dma_wait3A_270 : memref<1x32x128xf32, #tpu.memory_space<vmem>> -> memref<32x128xf32, #tpu.memory_space<vmem>>
      %dma_wait3A_272 = arith.constant 0 : i32
      %dma_wait3A_273 = arith.constant 0 : i32
      %dma_wait3A_274 = tpu.memref_slice %arg7[%dma_wait3A_272, %dma_wait3A_273] : memref<204800x128xf32, #tpu.memory_space<hbm>> -> memref<32x128xf32, #tpu.memory_space<hbm>>
      %dma_wait3A_275 = arith.constant 0 : i32
      %dma_wait3A_276 = arith.constant 0 : i32
      %dma_wait3A_277 = tpu.memref_slice %arg7[%dma_wait3A_275, %dma_wait3A_276] : memref<204800x128xf32, #tpu.memory_space<hbm>> -> memref<32x128xf32, #tpu.memory_space<hbm>>
      %dma_wait3A_278 = arith.constant 0 : i32
      %dma_wait3A_279 = arith.constant 0 : i32
      %dma_wait3A_280 = tpu.memref_slice %arg9[%dma_wait3A_267, %dma_wait3A_278, %dma_wait3A_279] : memref<2x32x128xf32, #tpu.memory_space<vmem>> -> memref<1x32x128xf32, #tpu.memory_space<vmem>>
      %dma_wait3A_281 = tpu.memref_squeeze %dma_wait3A_280 : memref<1x32x128xf32, #tpu.memory_space<vmem>> -> memref<32x128xf32, #tpu.memory_space<vmem>>
      tpu.wait_dma2 semaphore(%arg15 : memref<!tpu.dma_semaphore, #tpu.memory_space<semaphore_mem>>) src(%dma_wait3A_281 : memref<32x128xf32, #tpu.memory_space<vmem>>) dst(%dma_wait3A_277 : memref<32x128xf32, #tpu.memory_space<hbm>>)
      %add3A_282 = arith.constant 1 : i32
      %add3A_283 = arith.addi %add3A_266, %add3A_282 : i32
      %dma_start3A_284 = arith.constant 0 : i32
      %dma_start3A_285 = arith.constant 0 : i32
      %dma_start3A_286 = arith.constant 0 : i32
      %dma_start3A_287 = tpu.memref_slice %arg9[%dma_start3A_284, %dma_start3A_285, %dma_start3A_286] : memref<2x32x128xf32, #tpu.memory_space<vmem>> -> memref<1x32x128xf32, #tpu.memory_space<vmem>>
      %dma_start3A_288 = tpu.memref_squeeze %dma_start3A_287 : memref<1x32x128xf32, #tpu.memory_space<vmem>> -> memref<32x128xf32, #tpu.memory_space<vmem>>
      %dma_start3A_289 = arith.constant 0 : i32
      %dma_start3A_290 = tpu.memref_slice %arg8[%add3A_283, %dma_start3A_289] : memref<201x32xi32, #tpu.memory_space<vmem>> -> memref<1x32xi32, #tpu.memory_space<vmem>>
      %dma_start3A_291 = tpu.memref_squeeze %dma_start3A_290 : memref<1x32xi32, #tpu.memory_space<vmem>> -> memref<32xi32, #tpu.memory_space<vmem>>
      %dma_start3A_292 = arith.constant 0 : i32
      %dma_start3A_293 = arith.constant 0 : i32
      %dma_start3A_294 = tpu.memref_slice %arg3[%dma_start3A_292, %dma_start3A_293] : memref<100000x128xf32, #tpu.memory_space<hbm>> -> memref<100000x128xf32, #tpu.memory_space<hbm>>
      tpu.enqueue_indirect_dma source(%dma_start3A_294 : memref<100000x128xf32, #tpu.memory_space<hbm>>) target(%dma_start3A_288 : memref<32x128xf32, #tpu.memory_space<vmem>>) offsets(%dma_start3A_291 : memref<32xi32, #tpu.memory_space<vmem>>) semaphore(%arg13 : memref<!tpu.dma_semaphore, #tpu.memory_space<semaphore_mem>>)
      %dma_wait3A_295 = arith.constant 1 : i32
      %dma_wait3A_296 = arith.constant 0 : i32
      %dma_wait3A_297 = arith.constant 0 : i32
      %dma_wait3A_298 = tpu.memref_slice %arg9[%dma_wait3A_295, %dma_wait3A_296, %dma_wait3A_297] : memref<2x32x128xf32, #tpu.memory_space<vmem>> -> memref<1x32x128xf32, #tpu.memory_space<vmem>>
      %dma_wait3A_299 = tpu.memref_squeeze %dma_wait3A_298 : memref<1x32x128xf32, #tpu.memory_space<vmem>> -> memref<32x128xf32, #tpu.memory_space<vmem>>
      %dma_wait3A_300 = arith.constant 0 : i32
      %dma_wait3A_301 = tpu.memref_slice %arg8[%add3A_266, %dma_wait3A_300] : memref<201x32xi32, #tpu.memory_space<vmem>> -> memref<1x32xi32, #tpu.memory_space<vmem>>
      %dma_wait3A_302 = tpu.memref_squeeze %dma_wait3A_301 : memref<1x32xi32, #tpu.memory_space<vmem>> -> memref<32xi32, #tpu.memory_space<vmem>>
      %dma_wait3A_303 = arith.constant 0 : i32
      %dma_wait3A_304 = arith.constant 0 : i32
      %dma_wait3A_305 = tpu.memref_slice %arg3[%dma_wait3A_303, %dma_wait3A_304] : memref<100000x128xf32, #tpu.memory_space<hbm>> -> memref<100000x128xf32, #tpu.memory_space<hbm>>
      tpu.wait_indirect_dma semaphore(%arg14 : memref<!tpu.dma_semaphore, #tpu.memory_space<semaphore_mem>>) src(%dma_wait3A_305 : memref<100000x128xf32, #tpu.memory_space<hbm>>) dst(%dma_wait3A_299 : memref<32x128xf32, #tpu.memory_space<vmem>>)
      %mul3A_306 = arith.constant 32 : i32
      %mul3A_307 = arith.muli %add3A_266, %mul3A_306 : i32
      %rem3A_308 = arith.constant 200 : i32
      %rem3A_309 = arith.remsi %mul3A_307, %rem3A_308 : i32
      %parallel_loop3A_310 = arith.constant 0 : i32
      %parallel_loop3A_311 = arith.constant 32 : i32
      %parallel_loop3A_312 = arith.constant 1 : i32
      scf.for %parallel_loop3A_331 = %parallel_loop3A_310 to %parallel_loop3A_311 step %parallel_loop3A_312  : i32 {
        %parallel_loop3A_332 = arith.constant 1 : i32
        %parallel_loop3A_333 = arith.index_cast %parallel_loop3A_332 : i32 to index
        %parallel_loop3A_334 = arith.index_cast %parallel_loop3A_331 : i32 to index
        %parallel_loop3A_335 = arith.constant 0 : index
        %parallel_loop3A_336 = tpu.vector_load %arg9[%parallel_loop3A_333, %parallel_loop3A_334, %parallel_loop3A_335] {strides = array<i32>} : memref<2x32x128xf32, #tpu.memory_space<vmem>>, vector<16xf32>,
        %parallel_loop3A_337 = arith.addi %rem3A_309, %parallel_loop3A_331 : i32
        %parallel_loop3A_338 = arith.index_cast %parallel_loop3A_337 : i32 to index
        %parallel_loop3A_339 = arith.constant 0 : index
        %parallel_loop3A_340 = tpu.vector_load %arg10[%parallel_loop3A_338, %parallel_loop3A_339] {strides = array<i32>} : memref<224x128xf32, #tpu.memory_space<vmem>>, vector<16xf32>,
        %parallel_loop3A_341 = arith.addf %parallel_loop3A_336, %parallel_loop3A_340 : vector<16xf32>
        %parallel_loop3A_342 = arith.constant 1 : i32
        %parallel_loop3A_343 = arith.index_cast %parallel_loop3A_342 : i32 to index
        %parallel_loop3A_344 = arith.index_cast %parallel_loop3A_331 : i32 to index
        %parallel_loop3A_345 = arith.constant 16 : index
        %parallel_loop3A_346 = tpu.vector_load %arg9[%parallel_loop3A_343, %parallel_loop3A_344, %parallel_loop3A_345] {strides = array<i32>} : memref<2x32x128xf32, #tpu.memory_space<vmem>>, vector<16xf32>,
        %parallel_loop3A_347 = arith.addi %rem3A_309, %parallel_loop3A_331 : i32
        %parallel_loop3A_348 = arith.index_cast %parallel_loop3A_347 : i32 to index
        %parallel_loop3A_349 = arith.constant 16 : index
        %parallel_loop3A_350 = tpu.vector_load %arg10[%parallel_loop3A_348, %parallel_loop3A_349] {strides = array<i32>} : memref<224x128xf32, #tpu.memory_space<vmem>>, vector<16xf32>,
        %parallel_loop3A_351 = arith.addf %parallel_loop3A_346, %parallel_loop3A_350 : vector<16xf32>
        %parallel_loop3A_352 = arith.constant 1 : i32
        %parallel_loop3A_353 = arith.index_cast %parallel_loop3A_352 : i32 to index
        %parallel_loop3A_354 = arith.index_cast %parallel_loop3A_331 : i32 to index
        %parallel_loop3A_355 = arith.constant 32 : index
        %parallel_loop3A_356 = tpu.vector_load %arg9[%parallel_loop3A_353, %parallel_loop3A_354, %parallel_loop3A_355] {strides = array<i32>} : memref<2x32x128xf32, #tpu.memory_space<vmem>>, vector<16xf32>,
        %parallel_loop3A_357 = arith.addi %rem3A_309, %parallel_loop3A_331 : i32
        %parallel_loop3A_358 = arith.index_cast %parallel_loop3A_357 : i32 to index
        %parallel_loop3A_359 = arith.constant 32 : index
        %parallel_loop3A_360 = tpu.vector_load %arg10[%parallel_loop3A_358, %parallel_loop3A_359] {strides = array<i32>} : memref<224x128xf32, #tpu.memory_space<vmem>>, vector<16xf32>,
        %parallel_loop3A_361 = arith.addf %parallel_loop3A_356, %parallel_loop3A_360 : vector<16xf32>
        %parallel_loop3A_362 = arith.constant 1 : i32
        %parallel_loop3A_363 = arith.index_cast %parallel_loop3A_362 : i32 to index
        %parallel_loop3A_364 = arith.index_cast %parallel_loop3A_331 : i32 to index
        %parallel_loop3A_365 = arith.constant 48 : index
        %parallel_loop3A_366 = tpu.vector_load %arg9[%parallel_loop3A_363, %parallel_loop3A_364, %parallel_loop3A_365] {strides = array<i32>} : memref<2x32x128xf32, #tpu.memory_space<vmem>>, vector<16xf32>,
        %parallel_loop3A_367 = arith.addi %rem3A_309, %parallel_loop3A_331 : i32
        %parallel_loop3A_368 = arith.index_cast %parallel_loop3A_367 : i32 to index
        %parallel_loop3A_369 = arith.constant 48 : index
        %parallel_loop3A_370 = tpu.vector_load %arg10[%parallel_loop3A_368, %parallel_loop3A_369] {strides = array<i32>} : memref<224x128xf32, #tpu.memory_space<vmem>>, vector<16xf32>,
        %parallel_loop3A_371 = arith.addf %parallel_loop3A_366, %parallel_loop3A_370 : vector<16xf32>
        %parallel_loop3A_372 = arith.constant 1 : i32
        %parallel_loop3A_373 = arith.index_cast %parallel_loop3A_372 : i32 to index
        %parallel_loop3A_374 = arith.index_cast %parallel_loop3A_331 : i32 to index
        %parallel_loop3A_375 = arith.constant 64 : index
        %parallel_loop3A_376 = tpu.vector_load %arg9[%parallel_loop3A_373, %parallel_loop3A_374, %parallel_loop3A_375] {strides = array<i32>} : memref<2x32x128xf32, #tpu.memory_space<vmem>>, vector<16xf32>,
        %parallel_loop3A_377 = arith.addi %rem3A_309, %parallel_loop3A_331 : i32
        %parallel_loop3A_378 = arith.index_cast %parallel_loop3A_377 : i32 to index
        %parallel_loop3A_379 = arith.constant 64 : index
        %parallel_loop3A_380 = tpu.vector_load %arg10[%parallel_loop3A_378, %parallel_loop3A_379] {strides = array<i32>} : memref<224x128xf32, #tpu.memory_space<vmem>>, vector<16xf32>,
        %parallel_loop3A_381 = arith.addf %parallel_loop3A_376, %parallel_loop3A_380 : vector<16xf32>
        %parallel_loop3A_382 = arith.constant 1 : i32
        %parallel_loop3A_383 = arith.index_cast %parallel_loop3A_382 : i32 to index
        %parallel_loop3A_384 = arith.index_cast %parallel_loop3A_331 : i32 to index
        %parallel_loop3A_385 = arith.constant 80 : index
        %parallel_loop3A_386 = tpu.vector_load %arg9[%parallel_loop3A_383, %parallel_loop3A_384, %parallel_loop3A_385] {strides = array<i32>} : memref<2x32x128xf32, #tpu.memory_space<vmem>>, vector<16xf32>,
        %parallel_loop3A_387 = arith.addi %rem3A_309, %parallel_loop3A_331 : i32
        %parallel_loop3A_388 = arith.index_cast %parallel_loop3A_387 : i32 to index
        %parallel_loop3A_389 = arith.constant 80 : index
        %parallel_loop3A_390 = tpu.vector_load %arg10[%parallel_loop3A_388, %parallel_loop3A_389] {strides = array<i32>} : memref<224x128xf32, #tpu.memory_space<vmem>>, vector<16xf32>,
        %parallel_loop3A_391 = arith.addf %parallel_loop3A_386, %parallel_loop3A_390 : vector<16xf32>
        %parallel_loop3A_392 = arith.constant 1 : i32
        %parallel_loop3A_393 = arith.index_cast %parallel_loop3A_392 : i32 to index
        %parallel_loop3A_394 = arith.index_cast %parallel_loop3A_331 : i32 to index
        %parallel_loop3A_395 = arith.constant 96 : index
        %parallel_loop3A_396 = tpu.vector_load %arg9[%parallel_loop3A_393, %parallel_loop3A_394, %parallel_loop3A_395] {strides = array<i32>} : memref<2x32x128xf32, #tpu.memory_space<vmem>>, vector<16xf32>,
        %parallel_loop3A_397 = arith.addi %rem3A_309, %parallel_loop3A_331 : i32
        %parallel_loop3A_398 = arith.index_cast %parallel_loop3A_397 : i32 to index
        %parallel_loop3A_399 = arith.constant 96 : index
        %parallel_loop3A_400 = tpu.vector_load %arg10[%parallel_loop3A_398, %parallel_loop3A_399] {strides = array<i32>} : memref<224x128xf32, #tpu.memory_space<vmem>>, vector<16xf32>,
        %parallel_loop3A_401 = arith.addf %parallel_loop3A_396, %parallel_loop3A_400 : vector<16xf32>
        %parallel_loop3A_402 = arith.constant 1 : i32
        %parallel_loop3A_403 = arith.index_cast %parallel_loop3A_402 : i32 to index
        %parallel_loop3A_404 = arith.index_cast %parallel_loop3A_331 : i32 to index
        %parallel_loop3A_405 = arith.constant 112 : index
        %parallel_loop3A_406 = tpu.vector_load %arg9[%parallel_loop3A_403, %parallel_loop3A_404, %parallel_loop3A_405] {strides = array<i32>} : memref<2x32x128xf32, #tpu.memory_space<vmem>>, vector<16xf32>,
        %parallel_loop3A_407 = arith.addi %rem3A_309, %parallel_loop3A_331 : i32
        %parallel_loop3A_408 = arith.index_cast %parallel_loop3A_407 : i32 to index
        %parallel_loop3A_409 = arith.constant 112 : index
        %parallel_loop3A_410 = tpu.vector_load %arg10[%parallel_loop3A_408, %parallel_loop3A_409] {strides = array<i32>} : memref<224x128xf32, #tpu.memory_space<vmem>>, vector<16xf32>,
        %parallel_loop3A_411 = arith.addf %parallel_loop3A_406, %parallel_loop3A_410 : vector<16xf32>
        %parallel_loop3A_412 = arith.addf %parallel_loop3A_341, %parallel_loop3A_351 : vector<16xf32>
        %parallel_loop3A_413 = arith.addf %parallel_loop3A_361, %parallel_loop3A_371 : vector<16xf32>
        %parallel_loop3A_414 = arith.addf %parallel_loop3A_412, %parallel_loop3A_413 : vector<16xf32>
        %parallel_loop3A_415 = arith.addf %parallel_loop3A_381, %parallel_loop3A_391 : vector<16xf32>
        %parallel_loop3A_416 = arith.addf %parallel_loop3A_401, %parallel_loop3A_411 : vector<16xf32>
        %parallel_loop3A_417 = arith.addf %parallel_loop3A_415, %parallel_loop3A_416 : vector<16xf32>
        %parallel_loop3A_418 = arith.addf %parallel_loop3A_414, %parallel_loop3A_417 : vector<16xf32>
        %parallel_loop3A_419 = arith.mulf %parallel_loop3A_341, %parallel_loop3A_341 : vector<16xf32>
        %parallel_loop3A_420 = arith.mulf %parallel_loop3A_351, %parallel_loop3A_351 : vector<16xf32>
        %parallel_loop3A_421 = arith.addf %parallel_loop3A_419, %parallel_loop3A_420 : vector<16xf32>
        %parallel_loop3A_422 = arith.mulf %parallel_loop3A_361, %parallel_loop3A_361 : vector<16xf32>
        %parallel_loop3A_423 = arith.mulf %parallel_loop3A_371, %parallel_loop3A_371 : vector<16xf32>
        %parallel_loop3A_424 = arith.addf %parallel_loop3A_422, %parallel_loop3A_423 : vector<16xf32>
        %parallel_loop3A_425 = arith.addf %parallel_loop3A_421, %parallel_loop3A_424 : vector<16xf32>
        %parallel_loop3A_426 = arith.mulf %parallel_loop3A_381, %parallel_loop3A_381 : vector<16xf32>
        %parallel_loop3A_427 = arith.mulf %parallel_loop3A_391, %parallel_loop3A_391 : vector<16xf32>
        %parallel_loop3A_428 = arith.addf %parallel_loop3A_426, %parallel_loop3A_427 : vector<16xf32>
        %parallel_loop3A_429 = arith.mulf %parallel_loop3A_401, %parallel_loop3A_401 : vector<16xf32>
        %parallel_loop3A_430 = arith.mulf %parallel_loop3A_411, %parallel_loop3A_411 : vector<16xf32>
        %parallel_loop3A_431 = arith.addf %parallel_loop3A_429, %parallel_loop3A_430 : vector<16xf32>
        %parallel_loop3A_432 = arith.addf %parallel_loop3A_428, %parallel_loop3A_431 : vector<16xf32>
        %parallel_loop3A_433 = arith.addf %parallel_loop3A_425, %parallel_loop3A_432 : vector<16xf32>
        %parallel_loop3A_434 = arith.constant 0 : i32
        %parallel_loop3A_435 = vector.broadcast %parallel_loop3A_434 : i32 to vector<16xi32>
        %parallel_loop3A_436 = arith.cmpi slt, %xor3A_2, %parallel_loop3A_435 : vector<16xi32>
        %parallel_loop3A_437 = arith.constant 16 : i32
        %parallel_loop3A_438 = vector.broadcast %parallel_loop3A_437 : i32 to vector<16xi32>
        %parallel_loop3A_439 = arith.addi %xor3A_2, %parallel_loop3A_438 : vector<16xi32>
        %parallel_loop3A_440 = arith.select %parallel_loop3A_436, %parallel_loop3A_439, %xor3A_2 : vector<16xi1>, vector<16xi32>
        %parallel_loop3A_441 = vector.shape_cast %parallel_loop3A_440 : vector<16xi32> to vector<16x1xi32>
        %parallel_loop3A_442 = vector.shape_cast %parallel_loop3A_441 : vector<16x1xi32> to vector<16xi32>
        %parallel_loop3A_443 = tpu.dynamic_gather %parallel_loop3A_418[%parallel_loop3A_442] in [0] : vector<16xf32>, vector<16xi32> -> vector<16xf32>
        %parallel_loop3A_444 = arith.addf %parallel_loop3A_418, %parallel_loop3A_443 : vector<16xf32>
        %parallel_loop3A_445 = arith.constant 0 : i32
        %parallel_loop3A_446 = vector.broadcast %parallel_loop3A_445 : i32 to vector<16xi32>
        %parallel_loop3A_447 = arith.cmpi slt, %xor3A_2, %parallel_loop3A_446 : vector<16xi32>
        %parallel_loop3A_448 = arith.constant 16 : i32
        %parallel_loop3A_449 = vector.broadcast %parallel_loop3A_448 : i32 to vector<16xi32>
        %parallel_loop3A_450 = arith.addi %xor3A_2, %parallel_loop3A_449 : vector<16xi32>
        %parallel_loop3A_451 = arith.select %parallel_loop3A_447, %parallel_loop3A_450, %xor3A_2 : vector<16xi1>, vector<16xi32>
        %parallel_loop3A_452 = vector.shape_cast %parallel_loop3A_451 : vector<16xi32> to vector<16x1xi32>
        %parallel_loop3A_453 = vector.shape_cast %parallel_loop3A_452 : vector<16x1xi32> to vector<16xi32>
        %parallel_loop3A_454 = tpu.dynamic_gather %parallel_loop3A_433[%parallel_loop3A_453] in [0] : vector<16xf32>, vector<16xi32> -> vector<16xf32>
        %parallel_loop3A_455 = arith.addf %parallel_loop3A_433, %parallel_loop3A_454 : vector<16xf32>
        %parallel_loop3A_456 = arith.constant 0 : i32
        %parallel_loop3A_457 = vector.broadcast %parallel_loop3A_456 : i32 to vector<16xi32>
        %parallel_loop3A_458 = arith.cmpi slt, %xor3A_5, %parallel_loop3A_457 : vector<16xi32>
        %parallel_loop3A_459 = arith.constant 16 : i32
        %parallel_loop3A_460 = vector.broadcast %parallel_loop3A_459 : i32 to vector<16xi32>
        %parallel_loop3A_461 = arith.addi %xor3A_5, %parallel_loop3A_460 : vector<16xi32>
        %parallel_loop3A_462 = arith.select %parallel_loop3A_458, %parallel_loop3A_461, %xor3A_5 : vector<16xi1>, vector<16xi32>
        %parallel_loop3A_463 = vector.shape_cast %parallel_loop3A_462 : vector<16xi32> to vector<16x1xi32>
        %parallel_loop3A_464 = vector.shape_cast %parallel_loop3A_463 : vector<16x1xi32> to vector<16xi32>
        %parallel_loop3A_465 = tpu.dynamic_gather %parallel_loop3A_444[%parallel_loop3A_464] in [0] : vector<16xf32>, vector<16xi32> -> vector<16xf32>
        %parallel_loop3A_466 = arith.addf %parallel_loop3A_444, %parallel_loop3A_465 : vector<16xf32>
        %parallel_loop3A_467 = arith.constant 0 : i32
        %parallel_loop3A_468 = vector.broadcast %parallel_loop3A_467 : i32 to vector<16xi32>
        %parallel_loop3A_469 = arith.cmpi slt, %xor3A_5, %parallel_loop3A_468 : vector<16xi32>
        %parallel_loop3A_470 = arith.constant 16 : i32
        %parallel_loop3A_471 = vector.broadcast %parallel_loop3A_470 : i32 to vector<16xi32>
        %parallel_loop3A_472 = arith.addi %xor3A_5, %parallel_loop3A_471 : vector<16xi32>
        %parallel_loop3A_473 = arith.select %parallel_loop3A_469, %parallel_loop3A_472, %xor3A_5 : vector<16xi1>, vector<16xi32>
        %parallel_loop3A_474 = vector.shape_cast %parallel_loop3A_473 : vector<16xi32> to vector<16x1xi32>
        %parallel_loop3A_475 = vector.shape_cast %parallel_loop3A_474 : vector<16x1xi32> to vector<16xi32>
        %parallel_loop3A_476 = tpu.dynamic_gather %parallel_loop3A_455[%parallel_loop3A_475] in [0] : vector<16xf32>, vector<16xi32> -> vector<16xf32>
        %parallel_loop3A_477 = arith.addf %parallel_loop3A_455, %parallel_loop3A_476 : vector<16xf32>
        %parallel_loop3A_478 = arith.constant 0 : i32
        %parallel_loop3A_479 = vector.broadcast %parallel_loop3A_478 : i32 to vector<16xi32>
        %parallel_loop3A_480 = arith.cmpi slt, %xor3A_8, %parallel_loop3A_479 : vector<16xi32>
        %parallel_loop3A_481 = arith.constant 16 : i32
        %parallel_loop3A_482 = vector.broadcast %parallel_loop3A_481 : i32 to vector<16xi32>
        %parallel_loop3A_483 = arith.addi %xor3A_8, %parallel_loop3A_482 : vector<16xi32>
        %parallel_loop3A_484 = arith.select %parallel_loop3A_480, %parallel_loop3A_483, %xor3A_8 : vector<16xi1>, vector<16xi32>
        %parallel_loop3A_485 = vector.shape_cast %parallel_loop3A_484 : vector<16xi32> to vector<16x1xi32>
        %parallel_loop3A_486 = vector.shape_cast %parallel_loop3A_485 : vector<16x1xi32> to vector<16xi32>
        %parallel_loop3A_487 = tpu.dynamic_gather %parallel_loop3A_466[%parallel_loop3A_486] in [0] : vector<16xf32>, vector<16xi32> -> vector<16xf32>
        %parallel_loop3A_488 = arith.addf %parallel_loop3A_466, %parallel_loop3A_487 : vector<16xf32>
        %parallel_loop3A_489 = arith.constant 0 : i32
        %parallel_loop3A_490 = vector.broadcast %parallel_loop3A_489 : i32 to vector<16xi32>
        %parallel_loop3A_491 = arith.cmpi slt, %xor3A_8, %parallel_loop3A_490 : vector<16xi32>
        %parallel_loop3A_492 = arith.constant 16 : i32
        %parallel_loop3A_493 = vector.broadcast %parallel_loop3A_492 : i32 to vector<16xi32>
        %parallel_loop3A_494 = arith.addi %xor3A_8, %parallel_loop3A_493 : vector<16xi32>
        %parallel_loop3A_495 = arith.select %parallel_loop3A_491, %parallel_loop3A_494, %xor3A_8 : vector<16xi1>, vector<16xi32>
        %parallel_loop3A_496 = vector.shape_cast %parallel_loop3A_495 : vector<16xi32> to vector<16x1xi32>
        %parallel_loop3A_497 = vector.shape_cast %parallel_loop3A_496 : vector<16x1xi32> to vector<16xi32>
        %parallel_loop3A_498 = tpu.dynamic_gather %parallel_loop3A_477[%parallel_loop3A_497] in [0] : vector<16xf32>, vector<16xi32> -> vector<16xf32>
        %parallel_loop3A_499 = arith.addf %parallel_loop3A_477, %parallel_loop3A_498 : vector<16xf32>
        %parallel_loop3A_500 = arith.constant 0 : i32
        %parallel_loop3A_501 = vector.broadcast %parallel_loop3A_500 : i32 to vector<16xi32>
        %parallel_loop3A_502 = arith.cmpi slt, %xor3A_11, %parallel_loop3A_501 : vector<16xi32>
        %parallel_loop3A_503 = arith.constant 16 : i32
        %parallel_loop3A_504 = vector.broadcast %parallel_loop3A_503 : i32 to vector<16xi32>
        %parallel_loop3A_505 = arith.addi %xor3A_11, %parallel_loop3A_504 : vector<16xi32>
        %parallel_loop3A_506 = arith.select %parallel_loop3A_502, %parallel_loop3A_505, %xor3A_11 : vector<16xi1>, vector<16xi32>
        %parallel_loop3A_507 = vector.shape_cast %parallel_loop3A_506 : vector<16xi32> to vector<16x1xi32>
        %parallel_loop3A_508 = vector.shape_cast %parallel_loop3A_507 : vector<16x1xi32> to vector<16xi32>
        %parallel_loop3A_509 = tpu.dynamic_gather %parallel_loop3A_488[%parallel_loop3A_508] in [0] : vector<16xf32>, vector<16xi32> -> vector<16xf32>
        %parallel_loop3A_510 = arith.addf %parallel_loop3A_488, %parallel_loop3A_509 : vector<16xf32>
        %parallel_loop3A_511 = arith.constant 0 : i32
        %parallel_loop3A_512 = vector.broadcast %parallel_loop3A_511 : i32 to vector<16xi32>
        %parallel_loop3A_513 = arith.cmpi slt, %xor3A_11, %parallel_loop3A_512 : vector<16xi32>
        %parallel_loop3A_514 = arith.constant 16 : i32
        %parallel_loop3A_515 = vector.broadcast %parallel_loop3A_514 : i32 to vector<16xi32>
        %parallel_loop3A_516 = arith.addi %xor3A_11, %parallel_loop3A_515 : vector<16xi32>
        %parallel_loop3A_517 = arith.select %parallel_loop3A_513, %parallel_loop3A_516, %xor3A_11 : vector<16xi1>, vector<16xi32>
        %parallel_loop3A_518 = vector.shape_cast %parallel_loop3A_517 : vector<16xi32> to vector<16x1xi32>
        %parallel_loop3A_519 = vector.shape_cast %parallel_loop3A_518 : vector<16x1xi32> to vector<16xi32>
        %parallel_loop3A_520 = tpu.dynamic_gather %parallel_loop3A_499[%parallel_loop3A_519] in [0] : vector<16xf32>, vector<16xi32> -> vector<16xf32>
        %parallel_loop3A_521 = arith.addf %parallel_loop3A_499, %parallel_loop3A_520 : vector<16xf32>
        %parallel_loop3A_522 = arith.constant 7.812500e-03 : f32
        %parallel_loop3A_523 = vector.broadcast %parallel_loop3A_522 : f32 to vector<16xf32>
        %parallel_loop3A_524 = arith.mulf %parallel_loop3A_510, %parallel_loop3A_523 : vector<16xf32>
        %parallel_loop3A_525 = arith.constant 7.812500e-03 : f32
        %parallel_loop3A_526 = vector.broadcast %parallel_loop3A_525 : f32 to vector<16xf32>
        %parallel_loop3A_527 = arith.mulf %parallel_loop3A_521, %parallel_loop3A_526 : vector<16xf32>
        %parallel_loop3A_528 = arith.mulf %parallel_loop3A_524, %parallel_loop3A_524 : vector<16xf32>
        %parallel_loop3A_529 = arith.subf %parallel_loop3A_527, %parallel_loop3A_528 : vector<16xf32>
        %parallel_loop3A_530 = arith.constant 9.99999996E-13 : f32
        %parallel_loop3A_531 = vector.broadcast %parallel_loop3A_530 : f32 to vector<16xf32>
        %parallel_loop3A_532 = arith.addf %parallel_loop3A_529, %parallel_loop3A_531 : vector<16xf32>
        %parallel_loop3A_533 = vector.bitcast %parallel_loop3A_532 : vector<16xf32> to vector<16xi32>
        %parallel_loop3A_534 = arith.constant 1 : i32
        %parallel_loop3A_535 = vector.broadcast %parallel_loop3A_534 : i32 to vector<16xi32>
        %parallel_loop3A_536 = arith.shrui %parallel_loop3A_533, %parallel_loop3A_535 : vector<16xi32>
        %parallel_loop3A_537 = arith.constant 1597463007 : i32
        %parallel_loop3A_538 = vector.broadcast %parallel_loop3A_537 : i32 to vector<16xi32>
        %parallel_loop3A_539 = arith.subi %parallel_loop3A_538, %parallel_loop3A_536 : vector<16xi32>
        %parallel_loop3A_540 = vector.bitcast %parallel_loop3A_539 : vector<16xi32> to vector<16xf32>
        %parallel_loop3A_541 = arith.constant 5.000000e-01 : f32
        %parallel_loop3A_542 = vector.broadcast %parallel_loop3A_541 : f32 to vector<16xf32>
        %parallel_loop3A_543 = arith.mulf %parallel_loop3A_542, %parallel_loop3A_532 : vector<16xf32>
        %parallel_loop3A_544 = arith.mulf %parallel_loop3A_543, %parallel_loop3A_540 : vector<16xf32>
        %parallel_loop3A_545 = arith.mulf %parallel_loop3A_544, %parallel_loop3A_540 : vector<16xf32>
        %parallel_loop3A_546 = arith.constant 1.500000e+00 : f32
        %parallel_loop3A_547 = vector.broadcast %parallel_loop3A_546 : f32 to vector<16xf32>
        %parallel_loop3A_548 = arith.subf %parallel_loop3A_547, %parallel_loop3A_545 : vector<16xf32>
        %parallel_loop3A_549 = arith.mulf %parallel_loop3A_540, %parallel_loop3A_548 : vector<16xf32>
        %parallel_loop3A_550 = arith.constant 5.000000e-01 : f32
        %parallel_loop3A_551 = vector.broadcast %parallel_loop3A_550 : f32 to vector<16xf32>
        %parallel_loop3A_552 = arith.mulf %parallel_loop3A_551, %parallel_loop3A_532 : vector<16xf32>
        %parallel_loop3A_553 = arith.mulf %parallel_loop3A_552, %parallel_loop3A_549 : vector<16xf32>
        %parallel_loop3A_554 = arith.mulf %parallel_loop3A_553, %parallel_loop3A_549 : vector<16xf32>
        %parallel_loop3A_555 = arith.constant 1.500000e+00 : f32
        %parallel_loop3A_556 = vector.broadcast %parallel_loop3A_555 : f32 to vector<16xf32>
        %parallel_loop3A_557 = arith.subf %parallel_loop3A_556, %parallel_loop3A_554 : vector<16xf32>
        %parallel_loop3A_558 = arith.mulf %parallel_loop3A_549, %parallel_loop3A_557 : vector<16xf32>
        %parallel_loop3A_559 = arith.subf %parallel_loop3A_341, %parallel_loop3A_524 : vector<16xf32>
        %parallel_loop3A_560 = arith.mulf %parallel_loop3A_559, %parallel_loop3A_558 : vector<16xf32>
        %parallel_loop3A_561 = arith.mulf %parallel_loop3A_560, %get3A_12 : vector<16xf32>
        %parallel_loop3A_562 = arith.addf %parallel_loop3A_561, %get3A_28 : vector<16xf32>
        %parallel_loop3A_563 = arith.constant 1 : i32
        %parallel_loop3A_564 = arith.index_cast %parallel_loop3A_563 : i32 to index
        %parallel_loop3A_565 = arith.index_cast %parallel_loop3A_331 : i32 to index
        %parallel_loop3A_566 = arith.constant 0 : index
        %parallel_loop3A_567 = tpu.vector_load %arg9[%parallel_loop3A_564, %parallel_loop3A_565, %parallel_loop3A_566] {strides = array<i32>} : memref<2x32x128xf32, #tpu.memory_space<vmem>>, vector<16xf32>,
        tpu.vector_store %arg9[%parallel_loop3A_564, %parallel_loop3A_565, %parallel_loop3A_566], %parallel_loop3A_562 {strides = array<i32>} : memref<2x32x128xf32, #tpu.memory_space<vmem>>, vector<16xf32>,
        %parallel_loop3A_568 = arith.subf %parallel_loop3A_351, %parallel_loop3A_524 : vector<16xf32>
        %parallel_loop3A_569 = arith.mulf %parallel_loop3A_568, %parallel_loop3A_558 : vector<16xf32>
        %parallel_loop3A_570 = arith.mulf %parallel_loop3A_569, %get3A_14 : vector<16xf32>
        %parallel_loop3A_571 = arith.addf %parallel_loop3A_570, %get3A_30 : vector<16xf32>
        %parallel_loop3A_572 = arith.constant 1 : i32
        %parallel_loop3A_573 = arith.index_cast %parallel_loop3A_572 : i32 to index
        %parallel_loop3A_574 = arith.index_cast %parallel_loop3A_331 : i32 to index
        %parallel_loop3A_575 = arith.constant 16 : index
        %parallel_loop3A_576 = tpu.vector_load %arg9[%parallel_loop3A_573, %parallel_loop3A_574, %parallel_loop3A_575] {strides = array<i32>} : memref<2x32x128xf32, #tpu.memory_space<vmem>>, vector<16xf32>,
        tpu.vector_store %arg9[%parallel_loop3A_573, %parallel_loop3A_574, %parallel_loop3A_575], %parallel_loop3A_571 {strides = array<i32>} : memref<2x32x128xf32, #tpu.memory_space<vmem>>, vector<16xf32>,
        %parallel_loop3A_577 = arith.subf %parallel_loop3A_361, %parallel_loop3A_524 : vector<16xf32>
        %parallel_loop3A_578 = arith.mulf %parallel_loop3A_577, %parallel_loop3A_558 : vector<16xf32>
        %parallel_loop3A_579 = arith.mulf %parallel_loop3A_578, %get3A_16 : vector<16xf32>
        %parallel_loop3A_580 = arith.addf %parallel_loop3A_579, %get3A_32 : vector<16xf32>
        %parallel_loop3A_581 = arith.constant 1 : i32
        %parallel_loop3A_582 = arith.index_cast %parallel_loop3A_581 : i32 to index
        %parallel_loop3A_583 = arith.index_cast %parallel_loop3A_331 : i32 to index
        %parallel_loop3A_584 = arith.constant 32 : index
        %parallel_loop3A_585 = tpu.vector_load %arg9[%parallel_loop3A_582, %parallel_loop3A_583, %parallel_loop3A_584] {strides = array<i32>} : memref<2x32x128xf32, #tpu.memory_space<vmem>>, vector<16xf32>,
        tpu.vector_store %arg9[%parallel_loop3A_582, %parallel_loop3A_583, %parallel_loop3A_584], %parallel_loop3A_580 {strides = array<i32>} : memref<2x32x128xf32, #tpu.memory_space<vmem>>, vector<16xf32>,
        %parallel_loop3A_586 = arith.subf %parallel_loop3A_371, %parallel_loop3A_524 : vector<16xf32>
        %parallel_loop3A_587 = arith.mulf %parallel_loop3A_586, %parallel_loop3A_558 : vector<16xf32>
        %parallel_loop3A_588 = arith.mulf %parallel_loop3A_587, %get3A_18 : vector<16xf32>
        %parallel_loop3A_589 = arith.addf %parallel_loop3A_588, %get3A_34 : vector<16xf32>
        %parallel_loop3A_590 = arith.constant 1 : i32
        %parallel_loop3A_591 = arith.index_cast %parallel_loop3A_590 : i32 to index
        %parallel_loop3A_592 = arith.index_cast %parallel_loop3A_331 : i32 to index
        %parallel_loop3A_593 = arith.constant 48 : index
        %parallel_loop3A_594 = tpu.vector_load %arg9[%parallel_loop3A_591, %parallel_loop3A_592, %parallel_loop3A_593] {strides = array<i32>} : memref<2x32x128xf32, #tpu.memory_space<vmem>>, vector<16xf32>,
        tpu.vector_store %arg9[%parallel_loop3A_591, %parallel_loop3A_592, %parallel_loop3A_593], %parallel_loop3A_589 {strides = array<i32>} : memref<2x32x128xf32, #tpu.memory_space<vmem>>, vector<16xf32>,
        %parallel_loop3A_595 = arith.subf %parallel_loop3A_381, %parallel_loop3A_524 : vector<16xf32>
        %parallel_loop3A_596 = arith.mulf %parallel_loop3A_595, %parallel_loop3A_558 : vector<16xf32>
        %parallel_loop3A_597 = arith.mulf %parallel_loop3A_596, %get3A_20 : vector<16xf32>
        %parallel_loop3A_598 = arith.addf %parallel_loop3A_597, %get3A_36 : vector<16xf32>
        %parallel_loop3A_599 = arith.constant 1 : i32
        %parallel_loop3A_600 = arith.index_cast %parallel_loop3A_599 : i32 to index
        %parallel_loop3A_601 = arith.index_cast %parallel_loop3A_331 : i32 to index
        %parallel_loop3A_602 = arith.constant 64 : index
        %parallel_loop3A_603 = tpu.vector_load %arg9[%parallel_loop3A_600, %parallel_loop3A_601, %parallel_loop3A_602] {strides = array<i32>} : memref<2x32x128xf32, #tpu.memory_space<vmem>>, vector<16xf32>,
        tpu.vector_store %arg9[%parallel_loop3A_600, %parallel_loop3A_601, %parallel_loop3A_602], %parallel_loop3A_598 {strides = array<i32>} : memref<2x32x128xf32, #tpu.memory_space<vmem>>, vector<16xf32>,
        %parallel_loop3A_604 = arith.subf %parallel_loop3A_391, %parallel_loop3A_524 : vector<16xf32>
        %parallel_loop3A_605 = arith.mulf %parallel_loop3A_604, %parallel_loop3A_558 : vector<16xf32>
        %parallel_loop3A_606 = arith.mulf %parallel_loop3A_605, %get3A_22 : vector<16xf32>
        %parallel_loop3A_607 = arith.addf %parallel_loop3A_606, %get3A_38 : vector<16xf32>
        %parallel_loop3A_608 = arith.constant 1 : i32
        %parallel_loop3A_609 = arith.index_cast %parallel_loop3A_608 : i32 to index
        %parallel_loop3A_610 = arith.index_cast %parallel_loop3A_331 : i32 to index
        %parallel_loop3A_611 = arith.constant 80 : index
        %parallel_loop3A_612 = tpu.vector_load %arg9[%parallel_loop3A_609, %parallel_loop3A_610, %parallel_loop3A_611] {strides = array<i32>} : memref<2x32x128xf32, #tpu.memory_space<vmem>>, vector<16xf32>,
        tpu.vector_store %arg9[%parallel_loop3A_609, %parallel_loop3A_610, %parallel_loop3A_611], %parallel_loop3A_607 {strides = array<i32>} : memref<2x32x128xf32, #tpu.memory_space<vmem>>, vector<16xf32>,
        %parallel_loop3A_613 = arith.subf %parallel_loop3A_401, %parallel_loop3A_524 : vector<16xf32>
        %parallel_loop3A_614 = arith.mulf %parallel_loop3A_613, %parallel_loop3A_558 : vector<16xf32>
        %parallel_loop3A_615 = arith.mulf %parallel_loop3A_614, %get3A_24 : vector<16xf32>
        %parallel_loop3A_616 = arith.addf %parallel_loop3A_615, %get3A_40 : vector<16xf32>
        %parallel_loop3A_617 = arith.constant 1 : i32
        %parallel_loop3A_618 = arith.index_cast %parallel_loop3A_617 : i32 to index
        %parallel_loop3A_619 = arith.index_cast %parallel_loop3A_331 : i32 to index
        %parallel_loop3A_620 = arith.constant 96 : index
        %parallel_loop3A_621 = tpu.vector_load %arg9[%parallel_loop3A_618, %parallel_loop3A_619, %parallel_loop3A_620] {strides = array<i32>} : memref<2x32x128xf32, #tpu.memory_space<vmem>>, vector<16xf32>,
        tpu.vector_store %arg9[%parallel_loop3A_618, %parallel_loop3A_619, %parallel_loop3A_620], %parallel_loop3A_616 {strides = array<i32>} : memref<2x32x128xf32, #tpu.memory_space<vmem>>, vector<16xf32>,
        %parallel_loop3A_622 = arith.subf %parallel_loop3A_411, %parallel_loop3A_524 : vector<16xf32>
        %parallel_loop3A_623 = arith.mulf %parallel_loop3A_622, %parallel_loop3A_558 : vector<16xf32>
        %parallel_loop3A_624 = arith.mulf %parallel_loop3A_623, %get3A_26 : vector<16xf32>
        %parallel_loop3A_625 = arith.addf %parallel_loop3A_624, %get3A_42 : vector<16xf32>
        %parallel_loop3A_626 = arith.constant 1 : i32
        %parallel_loop3A_627 = arith.index_cast %parallel_loop3A_626 : i32 to index
        %parallel_loop3A_628 = arith.index_cast %parallel_loop3A_331 : i32 to index
        %parallel_loop3A_629 = arith.constant 112 : index
        %parallel_loop3A_630 = tpu.vector_load %arg9[%parallel_loop3A_627, %parallel_loop3A_628, %parallel_loop3A_629] {strides = array<i32>} : memref<2x32x128xf32, #tpu.memory_space<vmem>>, vector<16xf32>,
        tpu.vector_store %arg9[%parallel_loop3A_627, %parallel_loop3A_628, %parallel_loop3A_629], %parallel_loop3A_625 {strides = array<i32>} : memref<2x32x128xf32, #tpu.memory_space<vmem>>, vector<16xf32>,
      } {sc.loop_unroll_factor = 2 : i64, sc.parallel_access}
      %mul3A_313 = arith.constant 6400 : i32
      %mul3A_314 = arith.muli %add3A, %mul3A_313 : i32
      %mul3A_315 = arith.constant 32 : i32
      %mul3A_316 = arith.muli %add3A_266, %mul3A_315 : i32
      %add3A_317 = arith.addi %mul3A_314, %mul3A_316 : i32
      %dma_start3A_318 = arith.constant 1 : i32
      %dma_start3A_319 = arith.constant 0 : i32
      %dma_start3A_320 = arith.constant 0 : i32
      %dma_start3A_321 = tpu.memref_slice %arg9[%dma_start3A_318, %dma_start3A_319, %dma_start3A_320] : memref<2x32x128xf32, #tpu.memory_space<vmem>> -> memref<1x32x128xf32, #tpu.memory_space<vmem>>
      %dma_start3A_322 = tpu.memref_squeeze %dma_start3A_321 : memref<1x32x128xf32, #tpu.memory_space<vmem>> -> memref<32x128xf32, #tpu.memory_space<vmem>>
      %dma_start3A_323 = arith.constant 0 : i32
      %dma_start3A_324 = tpu.memref_slice %arg7[%add3A_317, %dma_start3A_323] : memref<204800x128xf32, #tpu.memory_space<hbm>> -> memref<32x128xf32, #tpu.memory_space<hbm>>
      %dma_start3A_325 = arith.constant 0 : i32
      %dma_start3A_326 = tpu.memref_slice %arg7[%add3A_317, %dma_start3A_325] : memref<204800x128xf32, #tpu.memory_space<hbm>> -> memref<32x128xf32, #tpu.memory_space<hbm>>
      %dma_start3A_327 = arith.constant 0 : i32
      %dma_start3A_328 = arith.constant 0 : i32
      %dma_start3A_329 = tpu.memref_slice %arg9[%dma_start3A_318, %dma_start3A_327, %dma_start3A_328] : memref<2x32x128xf32, #tpu.memory_space<vmem>> -> memref<1x32x128xf32, #tpu.memory_space<vmem>>
      %dma_start3A_330 = tpu.memref_squeeze %dma_start3A_329 : memref<1x32x128xf32, #tpu.memory_space<vmem>> -> memref<32x128xf32, #tpu.memory_space<vmem>>
      tpu.enqueue_dma source(%dma_start3A_330 : memref<32x128xf32, #tpu.memory_space<vmem>>) target(%dma_start3A_326 : memref<32x128xf32, #tpu.memory_space<hbm>>) target_semaphore(%arg16 : memref<!tpu.dma_semaphore, #tpu.memory_space<semaphore_mem>>)
    }
    %scan3A_164 = arith.constant 99 : i32
    %dma_wait3A_165 = arith.constant 200 : i32
    %dma_wait3A_166 = arith.constant 0 : i32
    %dma_wait3A_167 = arith.constant 0 : i32
    %dma_wait3A_168 = arith.constant 0 : i32
    %dma_wait3A_169 = tpu.memref_slice %arg9[%dma_wait3A_166, %dma_wait3A_167, %dma_wait3A_168] : memref<2x32x128xf32, #tpu.memory_space<vmem>> -> memref<1x32x128xf32, #tpu.memory_space<vmem>>
    %dma_wait3A_170 = tpu.memref_squeeze %dma_wait3A_169 : memref<1x32x128xf32, #tpu.memory_space<vmem>> -> memref<32x128xf32, #tpu.memory_space<vmem>>
    %dma_wait3A_171 = arith.constant 0 : i32
    %dma_wait3A_172 = tpu.memref_slice %arg8[%dma_wait3A_165, %dma_wait3A_171] : memref<201x32xi32, #tpu.memory_space<vmem>> -> memref<1x32xi32, #tpu.memory_space<vmem>>
    %dma_wait3A_173 = tpu.memref_squeeze %dma_wait3A_172 : memref<1x32xi32, #tpu.memory_space<vmem>> -> memref<32xi32, #tpu.memory_space<vmem>>
    %dma_wait3A_174 = arith.constant 0 : i32
    %dma_wait3A_175 = arith.constant 0 : i32
    %dma_wait3A_176 = tpu.memref_slice %arg3[%dma_wait3A_174, %dma_wait3A_175] : memref<100000x128xf32, #tpu.memory_space<hbm>> -> memref<100000x128xf32, #tpu.memory_space<hbm>>
    tpu.wait_indirect_dma semaphore(%arg13 : memref<!tpu.dma_semaphore, #tpu.memory_space<semaphore_mem>>) src(%dma_wait3A_176 : memref<100000x128xf32, #tpu.memory_space<hbm>>) dst(%dma_wait3A_170 : memref<32x128xf32, #tpu.memory_space<vmem>>)
    %mul3A_177 = arith.constant 6400 : i32
    %mul3A_178 = arith.muli %add3A, %mul3A_177 : i32
    %add3A_179 = arith.constant 6368 : i32
    %add3A_180 = arith.addi %mul3A_178, %add3A_179 : i32
    %dma_wait3A_181 = arith.constant 1 : i32
    %dma_wait3A_182 = arith.constant 0 : i32
    %dma_wait3A_183 = arith.constant 0 : i32
    %dma_wait3A_184 = tpu.memref_slice %arg9[%dma_wait3A_181, %dma_wait3A_182, %dma_wait3A_183] : memref<2x32x128xf32, #tpu.memory_space<vmem>> -> memref<1x32x128xf32, #tpu.memory_space<vmem>>
    %dma_wait3A_185 = tpu.memref_squeeze %dma_wait3A_184 : memref<1x32x128xf32, #tpu.memory_space<vmem>> -> memref<32x128xf32, #tpu.memory_space<vmem>>
    %dma_wait3A_186 = arith.constant 0 : i32
    %dma_wait3A_187 = tpu.memref_slice %arg7[%add3A_180, %dma_wait3A_186] : memref<204800x128xf32, #tpu.memory_space<hbm>> -> memref<32x128xf32, #tpu.memory_space<hbm>>
    %dma_wait3A_188 = arith.constant 0 : i32
    %dma_wait3A_189 = tpu.memref_slice %arg7[%add3A_180, %dma_wait3A_188] : memref<204800x128xf32, #tpu.memory_space<hbm>> -> memref<32x128xf32, #tpu.memory_space<hbm>>
    %dma_wait3A_190 = arith.constant 0 : i32
    %dma_wait3A_191 = arith.constant 0 : i32
    %dma_wait3A_192 = tpu.memref_slice %arg9[%dma_wait3A_181, %dma_wait3A_190, %dma_wait3A_191] : memref<2x32x128xf32, #tpu.memory_space<vmem>> -> memref<1x32x128xf32, #tpu.memory_space<vmem>>
    %dma_wait3A_193 = tpu.memref_squeeze %dma_wait3A_192 : memref<1x32x128xf32, #tpu.memory_space<vmem>> -> memref<32x128xf32, #tpu.memory_space<vmem>>
    tpu.wait_dma2 semaphore(%arg16 : memref<!tpu.dma_semaphore, #tpu.memory_space<semaphore_mem>>) src(%dma_wait3A_193 : memref<32x128xf32, #tpu.memory_space<vmem>>) dst(%dma_wait3A_189 : memref<32x128xf32, #tpu.memory_space<hbm>>)
    return
  }
}

</mosaic_0001>

<sc_bundles>
// kernel: kernel.3.cloned.1.call-start
scs
__scs_entry_jumppad:
0x0: {  	(pc) =	sbr.rel $0x88, $3  }
0x1: {  	(tag) =	ssettag $0x0;
	lr =	simm.s32 $0x1  }
0x2: {  	[smem:$0x3F9C] =	sst lr;
	_ =	strace $0xD0000000  }
0x3: {  	_ = 	snop  }
0x4: {  	_ = 	snop  }
0x5: {  	_ = 	snop  }
0x6: {  	_ = 	snop  }
0x7: {  	_ = 	snop  }
__scs_overlays_trampoline_lowered:
0x8: {  	[smem:$0x3FAB] =	sst s0  }
0x9: {  	[smem:$0x3FAC] =	sst s1  }
0xa: {  	[smem:$0x3FAD] =	sst s2  }
0xb: {  	[smem:$0x3FAE] =	sst s3  }
0xc: {  	[smem:$0x3FAF] =	sst s4  }
0xd: {  	[smem:$0x3FB0] =	sst s5  }
0xe: {  	[smem:$0x3FB1] =	sst s6  }
0xf: {  	[smem:$0x3FB2] =	sst s7  }
0x10: {  	[smem:$0x3FB3] =	sst s8  }
0x11: {  	[smem:$0x3FB4] =	sst s9;
	s0 =	simm.s32 @!p0 $0x0  }
0x12: {  	s1 =	sld [smem:$0x3F9A];
	s0 =	simm.s32 @p0 $0x1  }
0x13: {  	[smem:$0x3FB5] =	sst s0;
	s0 =	simm.s32 @!p1 $0x0  }
0x14: {  	s2 =	sld [smem:$0x3F99];
	s0 =	simm.s32 @p1 $0x1  }
0x15: {  	[smem:$0x3FB6] =	sst s0;
	s0 =	simm.s32 @!p2 $0x0  }
0x16: {  	s3 =	sld [smem:$0x3FDB];
	s0 =	simm.s32 @p2 $0x1  }
0x17: {  	s4 =	simm.s32 $0x1BF5;
	[smem:$0x3FB8] =	sst s0  }
0x18: {  	s0 =	sld [smem:$0x3F9B];
	_ =	swait.ge [sflag:s4], $0x0  }
0x19: {  	s7 =	sld [smem:$0x3F9C]  }
0x1a: {  	s8 =	sadd.s32 $0xFFFFE003, lr  }
0x1b: {  	s9 =	sadd.s32 $0xFFFFFEF7, lr;
	s5 =	simm.s32 $0xFFFFFFFF;
	p2 =	slt.u32 s8, $0xFFFFF086  }
0x1c: {  	p1 =	slt.u32 s9, $0xF7A;
	s5 =	simm.s32 @!p2 $0x0  }
0x1d: {  	s5 =	simm.s32 @p1 $0x1;
	p0 =	seq.s32 s7, s2  }
0x1e: {  	s7 =	smul.u32 @!p0 $0xF7A, s2;
	p2 =	seq.s32 @!p0 s5, $0x0  }
0x1f: {  	s9 =	smul.u32 $0xF7A, s1;
	s8 =	simm.s32 @!p0 $0x1BF5;
	p2 =	por !p2, p0  }
0x20: {  	[sflag:s8] =	ssyncset.s32 @!p0 $0xFFFFF086;
	s6 =	sadd.s32 @!p0 s3, s7;
	s7 =	simm.s32 @!p0 $0x108  }
0x21: {  	s3 =	sadd.s32 s3, s9;
	s6 =	sadd.s32 @!p0 $0x88, s6;
	s7 =	simm.s32 @p2 $0x1082  }
0x22: {  	[simem:s7], [sflag:s8] =	dma.local @!p0 [hbm:s6], $0xF7A  }
0x23: {  	s9 =	sor.u32 $0xD0000000, s2;
	s6 =	simm.s32 $0x108;
	_ =	swait.ge @!p0 [sflag:s8], $0x0  }
0x24: {  	s3 =	sadd.s32 $0x88, s3;
	s6 =	simm.s32 @!p1 $0x1082;
	[sflag:s4] =	ssyncset.s32 $0xFFFFF086  }
0x25: {  	[simem:s6], [sflag:s4] =	dma.local [hbm:s3], $0xF7A  }
0x26: {  	[smem:$0x3F9C] =	sst s1;
	(tag) =	ssettag s2;
	_ =	strace s9  }
0x27: {  	s1 =	sld [smem:$0x3FAC]  }
0x28: {  	s2 =	sld [smem:$0x3FAD]  }
0x29: {  	s4 =	sld [smem:$0x3FAF]  }
0x2a: {  	p0 =	seq.s32 s5, $0x0;
	s5 =	sld [smem:$0x3FB0]  }
0x2b: {  	s6 =	sld [smem:$0x3FB1]  }
0x2c: {  	s7 =	sld [smem:$0x3FB2]  }
0x2d: {  	s3 =	simm.s32 $0x108;
	s8 =	sld [smem:$0x3FB3]  }
0x2e: {  	s3 =	simm.s32 @!p0 $0x1082;
	s9 =	sld [smem:$0x3FB4]  }
0x2f: {  	lr =	sadd.s32 s0, s3;
	s0 =	sld [smem:$0x3FAB]  }
0x30: {  	s3 =	sld [smem:$0x3FAE]  }
0x31: {  	[smem:$0x3FB7] =	sst s10  }
0x32: {  	s10 =	sld [smem:$0x3FB5];
	_ =	sdelay $0x3  }
0x33: {  	p0 =	seq.s32 s10, $0x1;
	s10 =	sld [smem:$0x3FB7];
	_ =	sdelay $0x3  }
0x34: {  	[smem:$0x3FB7] =	sst s10  }
0x35: {  	s10 =	sld [smem:$0x3FB6];
	_ =	sdelay $0x3  }
0x36: {  	p1 =	seq.s32 s10, $0x1;
	s10 =	sld [smem:$0x3FB7];
	_ =	sdelay $0x3  }
0x37: {  	[smem:$0x3FB7] =	sst s10  }
0x38: {  	s10 =	sld [smem:$0x3FB8]  }
0x39: {  	_ = 	snop;
	(pc) =	sbr.ind lr, $3  }
0x3a: {  	_ = 	snop  }
0x3b: {  	_ = 	snop  }
0x3c: {  	p2 =	seq.s32 s10, $0x1;
	s10 =	sld [smem:$0x3FB7]  }
0x3d: {  	_ =	shalt  }
0x3e: {  	_ =	shalt  }
0x3f: {  	_ =	shalt  }
0x40: {  	_ =	shalt  }
0x41: {  	_ =	shalt  }
0x42: {  	_ =	shalt  }
0x43: {  	_ =	shalt  }
0x44: {  	_ =	shalt  }
0x45: {  	_ =	shalt  }
0x46: {  	_ =	shalt  }
0x47: {  	_ =	shalt  }
0x48: {  	_ =	shalt  }
0x49: {  	_ =	shalt  }
0x4a: {  	_ =	shalt  }
0x4b: {  	_ =	shalt  }
0x4c: {  	_ =	shalt  }
0x4d: {  	_ =	shalt  }
0x4e: {  	_ =	shalt  }
0x4f: {  	_ =	shalt  }
0x50: {  	_ =	shalt  }
0x51: {  	_ =	shalt  }
0x52: {  	_ =	shalt  }
0x53: {  	_ =	shalt  }
0x54: {  	_ =	shalt  }
0x55: {  	_ =	shalt  }
0x56: {  	_ =	shalt  }
0x57: {  	_ =	shalt  }
0x58: {  	_ =	shalt  }
0x59: {  	_ =	shalt  }
0x5a: {  	_ =	shalt  }
0x5b: {  	_ =	shalt  }
0x5c: {  	_ =	shalt  }
0x5d: {  	_ =	shalt  }
0x5e: {  	_ =	shalt  }
0x5f: {  	_ =	shalt  }
0x60: {  	_ =	shalt  }
0x61: {  	_ =	shalt  }
0x62: {  	_ =	shalt  }
0x63: {  	_ =	shalt  }
0x64: {  	_ =	shalt  }
0x65: {  	_ =	shalt  }
0x66: {  	_ =	shalt  }
0x67: {  	_ =	shalt  }
0x68: {  	_ =	shalt  }
0x69: {  	_ =	shalt  }
0x6a: {  	_ =	shalt  }
0x6b: {  	_ =	shalt  }
0x6c: {  	_ =	shalt  }
0x6d: {  	_ =	shalt  }
0x6e: {  	_ =	shalt  }
0x6f: {  	_ =	shalt  }
0x70: {  	_ =	shalt  }
0x71: {  	_ =	shalt  }
0x72: {  	_ =	shalt  }
0x73: {  	_ =	shalt  }
0x74: {  	_ =	shalt  }
0x75: {  	_ =	shalt  }
0x76: {  	_ =	shalt  }
0x77: {  	_ =	shalt  }
0x78: {  	_ =	shalt  }
0x79: {  	_ =	shalt  }
0x7a: {  	_ =	shalt  }
0x7b: {  	_ =	shalt  }
0x7c: {  	_ =	shalt  }
0x7d: {  	_ =	shalt  }
0x7e: {  	_ =	shalt  }
0x7f: {  	_ =	shalt  }
0x80: {  	_ =	shalt  }
0x81: {  	_ =	shalt  }
0x82: {  	_ =	shalt  }
0x83: {  	_ =	shalt  }
0x84: {  	_ =	shalt  }
0x85: {  	_ =	shalt  }
0x86: {  	_ =	shalt  }
0x87: {  	_ =	shalt  }
.Lfunc_end0:
.L_simem_size_0:
called_computation_lowered:
.L_overlay_start_0:
0x88: {  	s2 =	sld [smem:$0x3FD9]  }
0x89: {  	s3 =	sld [smem:$0x3FFE];
	_ =	sdelay $0x1  }
0x8a: {  	s1 =	srdreg.scid  }
0x8b: {  	s0 =	sand.u32 $0x1, s1  }
0x8c: {  	s17 =	sshll.u32 s0, $0xA;
	s2 =	sadd.s32 s3, s2  }
0x8d: {  	s2 =	sadd.s32 s2, s17  }
0x8e: {  	[smem:$0x3FC3] =	sst s2  }
0x8f: {  	_ = 	snop  }
0x90: {  	s2 =	sld [smem:$0x3FC8]  }
0x91: {  	s18 =	sld [smem:$0x3FC7]  }
0x92: {  	s4 =	sld [smem:$0x3FC6]  }
0x93: {  	s5 =	sld [smem:$0x3FC5]  }
0x94: {  	s6 =	sld [smem:$0x3FD0];
	(tm) =	ssettm $0x1  }
0x95: {  	s7 =	sld [smem:$0x3FFB];
	_ =	sdelay $0x3  }
0x96: {  	_ =	strace s7  }
0x97: {  	s7 =	sld [smem:$0x3FFC];
	_ =	sdelay $0x3  }
0x98: {  	_ =	strace s7  }
0x99: {  	s7 =	sld [smem:$0x3FFD];
	_ =	sdelay $0x3  }
0x9a: {  	_ =	strace s7  }
0x9b: {  	_ =	strace $0x8FFFFFFF  }
0x9c: {  	s19 =	sld [smem:$0x3FDB];
	_ =	sdelay $0x1  }
0x9d: {  	s8 =	simm.s32 $_scs_section_size  }
0x9e: {  	s9 =	simm.s32 $_size__tile_overlayer_lowered;
	s10 =	simm.s32 $_tile_overlayer_lowered  }
0x9f: {  	s22 =	simm.s32 $0x1BFF;
	s21 =	sshll.u32 s10, $0x1;
	s7 =	sadd.s32 s8, s19  }
0xa0: {  	s11 =	simm.s32 $0x0;
	s20 =	sshll.u32 s9, $0x1;
	s9 =	sadd.s32 s21, s7  }
0xa1: {  	[timem:s11], [sflag:s22] =	dma.local [hbm:s9], s20  }
0xa2: {  	_ =	swait.ge [sflag:s22], s20  }
0xa3: {  	s8 =	ssub.s32 $0x0, s20;
	[sflag:s22] =	ssyncset.done $0x0  }
0xa4: {  	[sflag:s22] =	ssyncadd.s32 s8;
	_ =	sdelay $0x1  }
0xa5: {  	s23 =	simm.s32 $0x1B8B  }
0xa6: {  	_ =	swait.ge [sflag:s23], $0x1  }
0xa7: {  	[sflag:s23] =	ssyncset.done $0x0  }
0xa8: {  	s25 =	simm.s32 $0x1B8E;
	s24 =	sld [smem:$0x3FFE];
	[sflag:s23] =	ssyncadd.s32 $0xFFFFFFFF  }
0xa9: {  	s26 =	simm.s32 $execute0_lowered;
	[smem:$0x3FD2] =	sst s25  }
0xaa: {  	s9 =	sshll.u32 s26, $0x1;
	_ =	strace $0x80000046;
	[dreg:$0x1] =	wrdreg $0xFFFFFFFF  }
0xab: {  	s28 =	simm.s32 $_size_execute0_lowered;
	s7 =	sadd.s32 s7, s9;
	[dreg:$0x0] =	wrdreg $0x0  }
0xac: {  	s9 =	sshll.u32 s28, $0x1;
	[dreg:$0x2] =	wrdreg s7  }
0xad: {  	[dreg:$0x3] =	wrdreg s9  }
0xae: {  	[dreg:$0x4] =	wrdreg $0xC0  }
0xaf: {  	_ =	task [dreg:s11], $0x5FFFF  }
0xb0: {  	[dreg:$0x1] =	wrdreg $0xFFFFFFFF  }
0xb1: {  	[dreg:$0x0] =	wrdreg $0x60  }
0xb2: {  	[dreg:$0x2] =	wrdreg s24  }
0xb3: {  	[dreg:$0x3] =	wrdreg s2  }
0xb4: {  	[dreg:$0x4] =	wrdreg s18  }
0xb5: {  	[dreg:$0x5] =	wrdreg s4  }
0xb6: {  	[dreg:$0x6] =	wrdreg s5  }
0xb7: {  	[dreg:$0x7] =	wrdreg s6  }
0xb8: {  	[dreg:$0x8] =	wrdreg $0x9  }
0xb9: {  	_ =	task.clear_ibuf [dreg:s11], $0x9FFFF;
	_ =	strace $0x90000046  }
0xba: {  	s29 =	simm.s32 $0x9;
	_ =	strace $0x80000048  }
0xbb: {  	_ =	swait.ge [sflag:s29], $0x1  }
0xbc: {  	[sflag:s29] =	ssyncadd.s32 $0xFFFFFFFF  }
0xbd: {  	_ =	strace $0x90000048  }
0xbe: {  	_ =	sfence  }
0xbf: {  	s30 =	sld [smem:$0x0];
	_ =	sdelay $0x2  }
0xc0: {  	s31 =	sshll.u32 s1, $0xD;
	s1 =	sshrl.u32 s1, $0x2  }
0xc1: {  	s3 =	sand.u32 $0x4000, s31;
	s1 =	sadd.s32 s1, s30  }
0xc2: {  	s0 =	sor.u32 s3, s0;
	s1 =	sshll.u32 s1, $0x11  }
0xc3: {  	s0 =	sor.u32 s1, s0  }
0xc4: {  	s0 =	sadd.s32 $0x8F2B, s0  }
0xc5: {  	[sflag:s0] =	ssyncadd.remote.s32 $0x1  }
0xc6: {  	_ =	sfence.sel $0xFFFF  }
0xc7: {  	[dreg:$0x0] =	wrdreg $0xFFFFFFFF;
	(pc) =	sbr.abs _section_cstart, $3  }
0xc8: {  	[dreg:$0x1] =	wrdreg $0xFFFFFFFF  }
0xc9: {  	_ =	task.clear_ibuf [dreg:s11], $0x2FFFF;
	_ =	strace $0x9FFFFFFF  }
0xca: {  	(tm) =	ssettm $0x7FFFFFFF  }
0xcb: {  	_ =	shalt  }
tec
execute0_lowered:
.L_overlay_start_1:
0x0: {  	(tag) =	ssettag $0x1  }
0x1: {  	s0 =	rddreg [dreg:$0x0]  }
0x2: {  	s1 =	rddreg [dreg:$0x1];
	v0 =	vimm.s32 $0xEFCDAB89  }
0x3: {  	s2 =	rddreg [dreg:$0x2];
	v1 =	vimm.s32 $0x67452301;
	v2 =	vimm.s32 $0xDCFE98BA;
	v3 =	vimm.s32 $0x54761032  }
0x4: {  	s3 =	srdreg.scid;
	s4 =	stileid.u32;
	v4 =	vimm.s32 $0xBA98FEDC;
	v5 =	vimm.s32 $0x32107654;
	v6 =	vimm.s32 $0xFEDCBA98  }
0x5: {  	s6 =	rddreg [dreg:$0x5];
	s7 =	simm.s32 $0x0;
	v7 =	vimm.s32 $0x76543210;
	s13 =	simm.s32 $0x5;
	v0 =	vunpack.c.l.s4.s8 v0;
	v1 =	vunpack.c.l.s4.s8 v1  }
0x6: {  	s18 =	simm.s32 $0x20;
	s19 =	simm.s32 $0x6800;
	s21 =	simm.s32 $0x7800;
	v2 =	vunpack.c.l.s4.s8 v2;
	v3 =	vunpack.c.l.s4.s8 v3;
	v4 =	vunpack.c.l.s4.s8 v4  }
0x7: {  	s22 =	simm.s32 $0x1;
	s3 =	sand.u32 $0x1, s3;
	s4 =	sshll.u32 s4, $0x1;
	v5 =	vunpack.c.l.s4.s8 v5;
	v6 =	vunpack.c.l.s4.s8 v6;
	v7 =	vunpack.c.l.s4.s8 v7  }
0x8: {  	s23 =	simm.s32 $0x3;
	s25 =	simm.s32 $0x2;
	s4 =	sor.u32 s3, s4;
	v0 =	vunpack.c.0.s8.s32 v0;
	v1 =	vunpack.c.0.s8.s32 v1;
	v2 =	vunpack.c.0.s8.s32 v2  }
0x9: {  	s26 =	simm.s32 $0x4;
	s28 =	simm.s32 $0x0;
	s5 =	smul.u32 $0xD00, s4;
	v3 =	vunpack.c.0.s8.s32 v3;
	v4 =	vunpack.c.0.s8.s32 v4;
	v5 =	vunpack.c.0.s8.s32 v5  }
0xa: {  	[smem:$0x7FF] =	sst s7;
	s3 =	ssub.s32 $0x2, s3;
	s9 =	smul.u32 $0x19000, s4;
	v0 =	vcombine.low v1, v0;
	v1 =	vunpack.c.0.s8.s32 v6  }
0xb: {  	_ =	strace $0x80000047;
	s31 =	sshrl.u32 s3, $0x1;
	s10 =	smul.u32 $0x1900, s4;
	v2 =	vcombine.low v3, v2;
	v3 =	vcombine.low v5, v4;
	v4 =	vunpack.c.0.s8.s32 v7  }
0xc: {  	s3 =	ssub.s32 s3, s31;
	s0 =	sadd.s32 s5, s0;
	s9 =	sadd.s32 s6, s9;
	v0 =	vand.u32 $0xF, v0;
	v5 =	vand.u32 $0xF, v1  }
0xd: {  	s12 =	smax.u32 s3, $0x1;
	s8 =	sadd.s32 $0x400, s0;
	s11 =	sadd.s32 $0x200, s9;
	v1 =	vand.u32 $0xF, v2;
	v2 =	vand.u32 $0xF, v3;
	v3 =	vcombine.low v5, v4  }
.LBB2_1:
0xe: {  	[tilespmem:s7], [sflag:$0x5] =	stream.linear.gather [hbm4b:s8+s7], $0x6480, $0x38;
	[tilespmem:$0xF900] =	vst v63  }
0xf: {  	_ =	swait.ge [sflag:s13], $0x6480  }
0x10: {  	[sflag:s13] =	ssyncset.done $0x0  }
0x11: {  	s0 =	simm.s32 $0x8800;
	[sflag:s13] =	ssyncadd.s32 $0xFFFF9B80  }
0x12: {  	[tilespmem:s0], [sflag:$0x5] =	stream.linear.gather [hbm4b:s2+s7], $0x6400, $0x38;
	[tilespmem:$0xF900] =	vst v63  }
0x13: {  	_ =	swait.ge [sflag:s13], $0x6400  }
0x14: {  	[sflag:s13] =	ssyncset.done $0x0  }
0x15: {  	s17 =	simm.s32 $0xEC00;
	[sflag:s13] =	ssyncadd.s32 $0xFFFF9C00  }
0x16: {  	[tilespmem:s17], [sflag:$0x5] =	stream.linear.gather [hbm4b:s2+s7], $0xC00, $0x38;
	[tilespmem:$0xF900] =	vst v63  }
0x17: {  	_ =	swait.ge [sflag:s13], $0xC00  }
0x18: {  	[sflag:s13] =	ssyncset.done $0x0  }
0x19: {  	[sflag:s13] =	ssyncadd.s32 $0xFFFFF400  }
0x1a: {  	s3 =	simm.s32 $0xF800;
	s20 =	rddreg [dreg:$0x3]  }
0x1b: {  	[tilespmem:s3], [sflag:$0x5] =	stream.linear.gather [hbm4b:s20+s7], $0x80, $0x38;
	[tilespmem:$0xF900] =	vst v63  }
0x1c: {  	_ =	swait.ge [sflag:s13], $0x80  }
0x1d: {  	[sflag:s13] =	ssyncset.done $0x0  }
0x1e: {  	[sflag:s13] =	ssyncadd.s32 $0xFFFFFF80  }
0x1f: {  	s29 =	simm.s32 $0xF880;
	s24 =	rddreg [dreg:$0x4]  }
0x20: {  	[tilespmem:s29], [sflag:$0x5] =	stream.linear.gather [hbm4b:s24+s7], $0x80, $0x38;
	[tilespmem:$0xF900] =	vst v63  }
0x21: {  	_ =	swait.ge [sflag:s13], $0x80  }
0x22: {  	[sflag:s13] =	ssyncset.done $0x0  }
0x23: {  	[sflag:s13] =	ssyncadd.s32 $0xFFFFFF80  }
0x24: {  	v4 =	vld [tilespmem:$0xF800]  }
0x25: {  	v5 =	vld [tilespmem:$0xF810]  }
0x26: {  	v6 =	vld [tilespmem:$0xF820]  }
0x27: {  	v7 =	vld [tilespmem:$0xF830]  }
0x28: {  	v8 =	vld [tilespmem:$0xF840]  }
0x29: {  	v9 =	vld [tilespmem:$0xF850]  }
0x2a: {  	v10 =	vld [tilespmem:$0xF860]  }
0x2b: {  	v11 =	vld [tilespmem:$0xF870]  }
0x2c: {  	v12 =	vld [tilespmem:$0xF880]  }
0x2d: {  	v13 =	vld [tilespmem:$0xF890]  }
0x2e: {  	v14 =	vld [tilespmem:$0xF8A0]  }
0x2f: {  	v15 =	vld [tilespmem:$0xF8B0]  }
0x30: {  	v16 =	vld [tilespmem:$0xF8C0]  }
0x31: {  	v17 =	vld [tilespmem:$0xF8D0]  }
0x32: {  	v18 =	vld [tilespmem:$0xF8E0]  }
0x33: {  	v19 =	vld [tilespmem:$0xF8F0];
	[tilespmem:s19], [sflag:$0x1] =	stream.indirect.gather [hbm4b:s1+s18], $0x80, s7, s18, $0xb8  }
0x34: {  	s30 =	simm.s32 $0x80  }
0x35: {  	[tilespmem:s21], [sflag:$0x2] =	stream.indirect.gather [hbm4b:s1+s18], $0x80, s30, s18, $0xb8;
	[tilespmem:$0xF900] =	vst v63  }
0x36: {  	_ =	swait.ge [sflag:s22], $0x1000  }
0x37: {  	[sflag:s22] =	ssyncset.done $0x0  }
0x38: {  	s0 =	simm.s32 $0x6880;
	[sflag:s22] =	ssyncadd.s32 $0xFFFFF000  }
0x39: {  	s31 =	simm.s32 $0x8880;
	v20 =	vld [tilespmem:s0+$0x0]  }
0x3a: {  	v21 =	vld [tilespmem:s31+$0x0]  }
0x3b: {  	v22 =	vld [tilespmem:s0+$0x10]  }
0x3c: {  	v23 =	vld [tilespmem:s31+$0x10]  }
0x3d: {  	v24 =	vld [tilespmem:s0+$0x20]  }
0x3e: {  	v25 =	vld [tilespmem:s31+$0x20]  }
0x3f: {  	v27 =	vld [tilespmem:s0+$0x30]  }
0x40: {  	v28 =	vld [tilespmem:s31+$0x30]  }
0x41: {  	v29 =	vld [tilespmem:s0+$0x40]  }
0x42: {  	v30 =	vld [tilespmem:s31+$0x40]  }
0x43: {  	v31 =	vld [tilespmem:s0+$0x50]  }
0x44: {  	v32 =	vld [tilespmem:s31+$0x50]  }
0x45: {  	v33 =	vld [tilespmem:s0+$0x60]  }
0x46: {  	v34 =	vld [tilespmem:s31+$0x60]  }
0x47: {  	v35 =	vld [tilespmem:s0+$0x70]  }
0x48: {  	v36 =	vld [tilespmem:s31+$0x70]  }
0x49: {  	v37 =	vld [tilespmem:s31+$0xFFFFFF80]  }
0x4a: {  	v49 =	vld [tilespmem:s0+$0xFFFFFFB0]  }
0x4b: {  	v40 =	vld [tilespmem:s31+$0xFFFFFFB0]  }
0x4c: {  	v54 =	vld [tilespmem:s0+$0xFFFFFFD0]  }
0x4d: {  	v56 =	vld [tilespmem:s31+$0xFFFFFFD0]  }
0x4e: {  	v62 =	vld [tilespmem:s0+$0xFFFFFF80];
	v38 =	vadd.f32 v21, v20  }
0x4f: {  	v26 =	vadd.f32 v23, v22;
	v24 =	vadd.f32 v25, v24  }
0x50: {  	v25 =	vadd.f32 v28, v27;
	v23 =	vadd.f32 v30, v29  }
0x51: {  	v39 =	vld [tilespmem:s0+$0xFFFFFF90];
	v22 =	vadd.f32 v32, v31;
	v21 =	vadd.f32 v34, v33  }
0x52: {  	v44 =	vld [tilespmem:s0+$0xFFFFFFC0];
	v20 =	vadd.f32 v36, v35;
	v33 =	vadd.f32 v40, v49  }
0x53: {  	v47 =	vld [tilespmem:s31+$0xFFFFFFC0];
	v36 =	vadd.f32 v56, v54;
	v37 =	vadd.f32 v37, v62  }
0x54: {  	v27 =	vld [tilespmem:s31+$0xFFFFFF90];
	v30 =	vadd.f32 v26, v38;
	v31 =	vadd.f32 v25, v24;
	v48 =	vmul.f32 v38, v38  }
0x55: {  	v28 =	vld [tilespmem:s0+$0xFFFFFFA0];
	v50 =	vadd.f32 v22, v23;
	v51 =	vmul.f32 v26, v26;
	v52 =	vmul.f32 v24, v24  }
0x56: {  	v29 =	vld [tilespmem:s31+$0xFFFFFFA0];
	v41 =	vadd.f32 v20, v21;
	v42 =	vmul.f32 v25, v25;
	v43 =	vmul.f32 v23, v23  }
0x57: {  	v45 =	vmul.f32 v22, v22;
	v46 =	vmul.f32 v21, v21;
	v30 =	vadd.f32 v31, v30  }
0x58: {  	v53 =	vmul.f32 v20, v20;
	v31 =	vadd.f32 v41, v50;
	v32 =	vadd.f32 v51, v48  }
0x59: {  	v55 =	vadd.f32 v42, v52;
	v57 =	vadd.f32 v45, v43  }
0x5a: {  	v58 =	vld [tilespmem:s0+$0xFFFFFFE0];
	v34 =	vadd.f32 v53, v46;
	v42 =	vadd.f32 v47, v44  }
0x5b: {  	v59 =	vld [tilespmem:s31+$0xFFFFFFF0];
	v62 =	vmul.f32 v37, v37;
	v27 =	vadd.f32 v27, v39;
	v28 =	vadd.f32 v29, v28  }
0x5c: {  	v51 =	vmul.f32 v33, v33;
	v29 =	vld [tilespmem:s0+$0xFFFFFFF0];
	v30 =	vadd.f32 v31, v30;
	v32 =	vadd.f32 v55, v32  }
0x5d: {  	v31 =	vld [tilespmem:s31+$0xFFFFFFE0];
	v34 =	vadd.f32 v34, v57;
	v52 =	vmul.f32 v42, v42;
	v55 =	vmul.f32 v36, v36  }
0x5e: {  	v53 =	vadd.f32 v36, v42;
	v35 =	vmul.f32 v27, v27;
	v61 =	vmul.f32 v28, v28  }
0x5f: {  	v63 =	vadd.f32 v33, v28;
	v32 =	vadd.f32 v34, v32;
	v60 =	vperm.xlane v30, v0  }
0x60: {  	v57 =	vadd.f32 v55, v52;
	v43 =	vadd.f32 v51, v61  }
0x61: {  	v35 =	vadd.f32 v35, v62;
	v30 =	vadd.f32 v30, v60;
	v50 =	vperm.xlane v32, v0  }
0x62: {  	v29 =	vadd.f32 v59, v29;
	v31 =	vadd.f32 v31, v58  }
0x63: {  	v60 =	vadd.f32 v27, v37;
	v32 =	vadd.f32 v32, v50;
	v54 =	vperm.xlane v30, v1  }
0x64: {  	v48 =	vmul.f32 v29, v29;
	v58 =	vmul.f32 v31, v31;
	v59 =	vadd.f32 v29, v31  }
0x65: {  	v41 =	vadd.f32 v63, v60;
	v30 =	vadd.f32 v30, v54;
	v56 =	vperm.xlane v32, v1  }
0x66: {  	v39 =	vadd.f32 v59, v53;
	v44 =	vadd.f32 v48, v58  }
0x67: {  	v35 =	vadd.f32 v43, v35;
	v32 =	vadd.f32 v32, v56;
	v61 =	vperm.xlane v30, v2  }
0x68: {  	v39 =	vadd.f32 v39, v41;
	v40 =	vadd.f32 v44, v57  }
0x69: {  	v30 =	vadd.f32 v30, v61;
	v63 =	vperm.xlane v32, v2  }
0x6a: {  	v41 =	vperm.xlane v39, v0;
	v35 =	vadd.f32 v40, v35  }
0x6b: {  	v32 =	vadd.f32 v32, v63;
	v48 =	vperm.xlane v30, v3  }
0x6c: {  	v50 =	vadd.f32 v39, v41;
	v51 =	vperm.xlane v35, v0  }
0x6d: {  	v30 =	vadd.f32 v48, v30;
	v49 =	vperm.xlane v32, v3  }
0x6e: {  	v41 =	vperm.xlane v50, v1;
	v35 =	vadd.f32 v35, v51  }
0x6f: {  	v32 =	vadd.f32 v49, v32;
	v30 =	vmul.f32 $7.812500000e-03, v30  }
0x70: {  	v34 =	vadd.f32 v50, v41;
	v39 =	vperm.xlane v35, v1  }
0x71: {  	v32 =	vmul.f32 $7.812500000e-03, v32;
	v52 =	vmul.f32 v30, v30  }
0x72: {  	v53 =	vperm.xlane v34, v2;
	v35 =	vadd.f32 v35, v39  }
0x73: {  	v32 =	vsub.f32 v32, v52  }
0x74: {  	v34 =	vadd.f32 v34, v53;
	v55 =	vperm.xlane v35, v2  }
0x75: {  	v32 =	vadd.f32 $9.999999960e-13, v32  }
0x76: {  	v57 =	vperm.xlane v34, v3;
	v35 =	vadd.f32 v35, v55  }
0x77: {  	v54 =	vshrl.u32 v32, $0x1;
	v32 =	vmul.f32 $5.000000000e-01, v32  }
0x78: {  	s4 =	simm.s32 $0x8980;
	v39 =	vsub.s32 $0x5F3759DF, v54;
	v34 =	vadd.f32 v57, v34;
	v59 =	vperm.xlane v35, v3  }
0x79: {  	s3 =	simm.s32 $0x6980;
	v45 =	vld [tilespmem:s4+$0x10];
	v56 =	vmul.f32 v39, v32  }
0x7a: {  	v46 =	vld [tilespmem:s3+$0x20];
	v34 =	vmul.f32 $7.812500000e-03, v34;
	v35 =	vadd.f32 v59, v35  }
0x7b: {  	v43 =	vld [tilespmem:s3+$0x0];
	v38 =	vsub.f32 v38, v30;
	v58 =	vmul.f32 v39, v56  }
0x7c: {  	v41 =	vld [tilespmem:s4+$0x0];
	v61 =	vsub.f32 v26, v30;
	v60 =	vmul.f32 v34, v34;
	v35 =	vmul.f32 $7.812500000e-03, v35  }
0x7d: {  	v62 =	vld [tilespmem:s3+$0x60];
	v44 =	vsub.f32 v24, v30;
	v48 =	vsub.f32 v25, v30  }
0x7e: {  	v63 =	vld [tilespmem:s4+$0x60];
	v40 =	vsub.f32 $1.500000000e+00, v58;
	v26 =	vsub.f32 v35, v60  }
0x7f: {  	v51 =	vld [tilespmem:s4+$0x30];
	v50 =	vsub.f32 v23, v30;
	v20 =	vsub.f32 v20, v30  }
0x80: {  	v49 =	vld [tilespmem:s3+$0x30];
	v52 =	vsub.f32 v22, v30;
	v39 =	vmul.f32 v39, v40;
	v23 =	vadd.f32 $9.999999960e-13, v26  }
0x81: {  	v53 =	vld [tilespmem:s3+$0x40];
	v41 =	vadd.f32 v41, v43;
	v54 =	vsub.f32 v21, v30  }
0x82: {  	v40 =	vld [tilespmem:s3+$0x10];
	v32 =	vmul.f32 v39, v32;
	v21 =	vshrl.u32 v23, $0x1;
	v55 =	vmul.f32 $5.000000000e-01, v23  }
0x83: {  	v56 =	vld [tilespmem:s4+$0x40];
	v27 =	vsub.f32 v27, v34;
	v25 =	vsub.f32 v33, v34;
	v57 =	vsub.s32 $0x5F3759DF, v21  }
0x84: {  	v33 =	vadd.f32 v63, v62;
	v35 =	vld [tilespmem:s4+$0x20];
	v24 =	vmul.f32 v32, v39;
	v21 =	vmul.f32 v57, v55  }
0x85: {  	v26 =	vsub.f32 v28, v34;
	v23 =	vsub.f32 v42, v34  }
0x86: {  	v22 =	vsub.f32 $1.500000000e+00, v24;
	v28 =	vmul.f32 v57, v21;
	v21 =	vsub.f32 v29, v34  }
0x87: {  	v30 =	vld [tilespmem:s3+$0x50];
	v32 =	vsub.f32 v37, v34;
	v43 =	vadd.f32 v45, v40  }
0x88: {  	v37 =	vld [tilespmem:s4+$0x50];
	v45 =	vadd.f32 v51, v49;
	v51 =	vadd.f32 v56, v53;
	v58 =	vmul.f32 v22, v39;
	[tilespmem:$0x1FFF0] =	vst v21  }
0x89: {  	v35 =	vadd.f32 v35, v46;
	v24 =	vsub.f32 v36, v34;
	v56 =	vmul.f32 v43, v43;
	v29 =	vld [tilespmem:s3+$0x70]  }
0x8a: {  	v62 =	vmul.f32 v51, v51;
	v22 =	vsub.f32 v31, v34;
	v34 =	vmul.f32 v58, v61;
	v61 =	vld [tilespmem:s4+$0x70]  }
0x8b: {  	v20 =	vmul.f32 v58, v20;
	v47 =	vmul.f32 v58, v48;
	v48 =	vld [tilespmem:s4+$0xFFFFFF80]  }
0x8c: {  	v42 =	vadd.f32 v45, v35;
	v31 =	vmul.f32 v58, v38;
	v44 =	vmul.f32 v58, v44;
	v59 =	vld [tilespmem:s3+$0xFFFFFF90]  }
0x8d: {  	v39 =	vadd.f32 v37, v30;
	v50 =	vmul.f32 v58, v50;
	v40 =	vld [tilespmem:s4+$0xFFFFFF90];
	v46 =	vmul.f32 v58, v52  }
0x8e: {  	v37 =	vadd.f32 v43, v41;
	v49 =	vld [tilespmem:s3+$0xFFFFFFA0];
	v36 =	vmul.f32 v58, v54;
	v52 =	vmul.f32 v41, v41  }
0x8f: {  	v60 =	vsub.f32 $1.500000000e+00, v28;
	v53 =	vld [tilespmem:s4+$0xFFFFFFB0];
	v20 =	vmul.f32 v20, v11;
	v30 =	vmul.f32 v31, v4  }
0x90: {  	v58 =	vld [tilespmem:s3+$0xFFFFFFC0];
	v54 =	vadd.f32 v39, v51;
	v63 =	vmul.f32 v39, v39;
	v37 =	vadd.f32 v42, v37  }
0x91: {  	v38 =	vmul.f32 v57, v60;
	v31 =	vld [tilespmem:s4+$0xFFFFFFA0];
	v28 =	vadd.f32 v20, v19;
	v21 =	vadd.f32 v30, v12  }
0x92: {  	v57 =	vmul.f32 v35, v35;
	v30 =	vadd.f32 v63, v62;
	v62 =	vld [tilespmem:s3+$0xFFFFFFE0];
	v20 =	vadd.f32 v61, v29  }
0x93: {  	v42 =	vmul.f32 v33, v33;
	v52 =	vadd.f32 v56, v52;
	v29 =	vld [tilespmem:s3+$0xFFFFFFB0];
	v61 =	vmul.f32 v45, v45  }
0x94: {  	v40 =	vadd.f32 v40, v59;
	v59 =	vld [tilespmem:s4+$0xFFFFFFC0];
	v60 =	vadd.f32 v20, v33;
	v56 =	vmul.f32 v20, v20  }
0x95: {  	v57 =	vadd.f32 v61, v57;
	v61 =	vld [tilespmem:s4+$0xFFFFFFD0]  }
0x96: {  	v54 =	vadd.f32 v60, v54;
	v60 =	vld [tilespmem:s3+$0xFFFFFFD0];
	v42 =	vadd.f32 v56, v42  }
0x97: {  	v56 =	vadd.f32 v31, v49;
	v31 =	vld [tilespmem:s4+$0xFFFFFFE0];
	v52 =	vadd.f32 v57, v52  }
0x98: {  	v49 =	vld [tilespmem:s3+$0xFFFFFFF0];
	v37 =	vadd.f32 v54, v37;
	v30 =	vadd.f32 v42, v30  }
0x99: {  	v42 =	vadd.f32 v53, v29;
	v53 =	vld [tilespmem:s4+$0xFFFFFFF0];
	v54 =	vadd.f32 v59, v58  }
0x9a: {  	v34 =	vmul.f32 v34, v5;
	v57 =	vmul.f32 v56, v56;
	v58 =	vld [tilespmem:s3+$0xFFFFFF80]  }
0x9b: {  	v52 =	vadd.f32 v30, v52;
	v59 =	vperm.xlane v37, v0;
	v63 =	vmul.f32 v54, v54  }
0x9c: {  	v29 =	vadd.f32 v61, v60;
	v60 =	vadd.f32 v42, v56;
	v61 =	vmul.f32 v42, v42  }
0x9d: {  	v30 =	vadd.f32 v31, v62;
	v37 =	vadd.f32 v37, v59;
	v59 =	vperm.xlane v52, v0  }
0x9e: {  	v62 =	vadd.f32 v29, v54;
	v57 =	vadd.f32 v61, v57;
	v61 =	vmul.f32 v29, v29  }
0x9f: {  	v55 =	vmul.f32 v38, v55;
	v31 =	vadd.f32 v53, v49;
	v58 =	vadd.f32 v48, v58  }
0xa0: {  	v49 =	vadd.f32 v52, v59;
	v52 =	vperm.xlane v37, v1;
	v53 =	vadd.f32 v61, v63  }
0xa1: {  	v48 =	vmul.f32 v55, v38;
	v55 =	vadd.f32 v31, v30;
	v59 =	vadd.f32 v40, v58  }
0xa2: {  	v61 =	vmul.f32 v40, v40;
	v37 =	vadd.f32 v37, v52;
	v52 =	vperm.xlane v49, v1  }
0xa3: {  	v55 =	vadd.f32 v55, v62;
	v62 =	vmul.f32 v58, v58;
	v59 =	vadd.f32 v60, v59  }
0xa4: {  	v60 =	vmul.f32 v31, v31;
	v49 =	vadd.f32 v49, v52;
	v52 =	vmul.f32 v30, v30  }
0xa5: {  	v63 =	vadd.f32 v34, v13;
	v61 =	vadd.f32 v61, v62;
	v62 =	vperm.xlane v37, v2  }
0xa6: {  	v34 =	vmul.f32 v50, v8;
	v50 =	vadd.f32 v60, v52;
	v52 =	vperm.xlane v49, v2  }
0xa7: {  	v60 =	vmul.f32 v36, v10;
	v36 =	vadd.f32 v55, v59;
	v37 =	vadd.f32 v37, v62  }
0xa8: {  	v44 =	vmul.f32 v44, v6;
	v55 =	vadd.f32 v57, v61;
	v50 =	vadd.f32 v50, v53  }
0xa9: {  	v47 =	vmul.f32 v47, v7;
	v49 =	vadd.f32 v49, v52;
	v62 =	vperm.xlane v37, v3  }
0xaa: {  	v57 =	vadd.f32 v44, v14;
	v61 =	vperm.xlane v36, v0;
	v44 =	vadd.f32 v50, v55  }
0xab: {  	v48 =	vsub.f32 $1.500000000e+00, v48;
	v37 =	vadd.f32 v62, v37;
	v62 =	vperm.xlane v49, v3  }
0xac: {  	v46 =	vmul.f32 v46, v9;
	v36 =	vadd.f32 v36, v61;
	v52 =	vperm.xlane v44, v0  }
0xad: {  	v55 =	vmul.f32 v48, v38;
	v49 =	vadd.f32 v62, v49;
	v38 =	vmul.f32 $7.812500000e-03, v37  }
0xae: {  	v47 =	vadd.f32 v47, v15;
	v53 =	vperm.xlane v36, v1;
	v44 =	vadd.f32 v44, v52  }
0xaf: {  	v61 =	vadd.f32 v34, v16;
	v62 =	vmul.f32 $7.812500000e-03, v49;
	v52 =	vmul.f32 v38, v38  }
0xb0: {  	v48 =	vmul.f32 v55, v27;
	v36 =	vadd.f32 v36, v53;
	v27 =	vperm.xlane v44, v1  }
0xb1: {  	v59 =	vmul.f32 v55, v32;
	v34 =	vsub.f32 v41, v38;
	v53 =	vsub.f32 v62, v52  }
0xb2: {  	v37 =	vsub.f32 v43, v38;
	v62 =	vperm.xlane v36, v2;
	v27 =	vadd.f32 v44, v27  }
0xb3: {  	v35 =	vsub.f32 v35, v38;
	v49 =	vmul.f32 v55, v26;
	v41 =	vadd.f32 $9.999999960e-13, v53  }
0xb4: {  	v44 =	vmul.f32 v55, v25;
	v26 =	vadd.f32 v36, v62;
	v25 =	vperm.xlane v27, v2  }
0xb5: {  	[tilespmem:s0+$0x70] =	vst v28;
	v32 =	vsub.f32 v45, v38;
	v39 =	vsub.f32 v39, v38;
	v50 =	vshrl.u32 v41, $0x1  }
0xb6: {  	[tilespmem:s0+$0x0] =	vst v21;
	v52 =	vmul.f32 $5.000000000e-01, v41;
	v53 =	vperm.xlane v26, v3;
	v25 =	vadd.f32 v27, v25  }
0xb7: {  	[tilespmem:s0+$0x30] =	vst v47;
	v33 =	vsub.f32 v33, v38;
	v62 =	vsub.s32 $0x5F3759DF, v50;
	v50 =	vmul.f32 v55, v23  }
0xb8: {  	[tilespmem:s0+$0x10] =	vst v63;
	v27 =	vmul.f32 v62, v52;
	v21 =	vadd.f32 v53, v26;
	v23 =	vperm.xlane v25, v3  }
0xb9: {  	[tilespmem:s0+$0x20] =	vst v57;
	v43 =	vmul.f32 v55, v24;
	v36 =	vsub.f32 v51, v38;
	v51 =	vmul.f32 v55, v22  }
0xba: {  	v24 =	vmul.f32 v62, v27;
	v53 =	vmul.f32 $7.812500000e-03, v21;
	v22 =	vadd.f32 v23, v25;
	v23 =	vld [tilespmem:$0x1FFF0]  }
0xbb: {  	v27 =	vadd.f32 v46, v17;
	v21 =	vadd.f32 v60, v18  }
0xbc: {  	v28 =	vsub.f32 $1.500000000e+00, v24;
	v25 =	vsub.f32 v58, v53  }
0xbd: {  	v26 =	vmul.f32 v53, v53;
	v24 =	vsub.f32 v40, v53;
	[tilespmem:s0+$0x60] =	vst v21;
	v21 =	vsub.f32 v54, v53  }
0xbe: {  	[tilespmem:s0+$0x50] =	vst v27;
	v27 =	vmul.f32 $7.812500000e-03, v22;
	v22 =	vsub.f32 v42, v53;
	v40 =	vmul.f32 v62, v28  }
0xbf: {  	s5 =	simm.s32 $0x2;
	s14 =	simm.s32 $0x6A80;
	[tilespmem:s0+$0x40] =	vst v61;
	v42 =	vmul.f32 v59, v4;
	v41 =	vmul.f32 v55, v23;
	v23 =	vsub.f32 v56, v53  }
.LBB2_2:
0xc0: {  	v45 =	vld [tilespmem:s14+$0x0];
	v46 =	vsub.f32 v27, v26;
	v28 =	vsub.f32 v29, v53;
	v29 =	vmul.f32 v40, v52;
	s4 =	sadd.s32 $0x100, s4  }
0xc1: {  	v27 =	vsub.f32 v30, v53;
	v26 =	vsub.f32 v31, v53;
	v30 =	vmul.f32 v48, v5;
	v47 =	vld [tilespmem:s4+$0x0]  }
0xc2: {  	v48 =	vmul.f32 v49, v6;
	v31 =	vld [tilespmem:s14+$0x10];
	v46 =	vadd.f32 $9.999999960e-13, v46;
	v29 =	vmul.f32 v29, v40  }
0xc3: {  	v44 =	vmul.f32 v44, v7;
	v50 =	vmul.f32 v50, v8;
	v42 =	vadd.f32 v42, v12;
	v49 =	vld [tilespmem:s4+$0x10]  }
0xc4: {  	v52 =	vld [tilespmem:s14+$0x20];
	v53 =	vshrl.u32 v46, $0x1;
	v46 =	vmul.f32 $5.000000000e-01, v46;
	v29 =	vsub.f32 $1.500000000e+00, v29  }
0xc5: {  	v54 =	vld [tilespmem:s4+$0x20];
	v53 =	vsub.s32 $0x5F3759DF, v53;
	[tilespmem:s0+$0xFFFFFF80] =	vst v42;
	v42 =	vmul.f32 v43, v9;
	v43 =	vmul.f32 v51, v10  }
0xc6: {  	v20 =	vsub.f32 v20, v38;
	v51 =	vld [tilespmem:s14+$0x30];
	v55 =	vmul.f32 v53, v46;
	v29 =	vmul.f32 v29, v40  }
0xc7: {  	v30 =	vadd.f32 v30, v13;
	v38 =	vadd.f32 v48, v14;
	v40 =	vmul.f32 v41, v11;
	v56 =	vld [tilespmem:s4+$0x30]  }
0xc8: {  	v44 =	vadd.f32 v44, v15;
	v57 =	vld [tilespmem:s14+$0x40];
	v41 =	vmul.f32 v53, v55;
	v20 =	vmul.f32 v29, v20  }
0xc9: {  	v34 =	vmul.f32 v29, v34;
	v37 =	vmul.f32 v29, v37;
	v55 =	vld [tilespmem:s4+$0x40];
	[tilespmem:s0+$0xFFFFFF90] =	vst v30;
	v30 =	vadd.f32 v50, v16  }
0xca: {  	v35 =	vmul.f32 v29, v35;
	v50 =	vld [tilespmem:s14+$0x50];
	v41 =	vsub.f32 $1.500000000e+00, v41;
	v20 =	vmul.f32 v20, v11;
	[tilespmem:s0+$0xFFFFFFA0] =	vst v38  }
0xcb: {  	v42 =	vadd.f32 v42, v17;
	v36 =	vmul.f32 v29, v36;
	v38 =	vmul.f32 v29, v32;
	v58 =	vld [tilespmem:s4+$0x50];
	[tilespmem:s0+$0xFFFFFFB0] =	vst v44  }
0xcc: {  	v39 =	vmul.f32 v29, v39;
	v59 =	vld [tilespmem:s14+$0x60];
	v32 =	vmul.f32 v53, v41;
	v20 =	vadd.f32 v20, v19;
	[tilespmem:s0+$0xFFFFFFC0] =	vst v30  }
0xcd: {  	v34 =	vmul.f32 v34, v4;
	v29 =	vmul.f32 v29, v33;
	v33 =	vadd.f32 v43, v18;
	v30 =	vld [tilespmem:s4+$0x60];
	[tilespmem:s0+$0xFFFFFFD0] =	vst v42  }
0xce: {  	v37 =	vmul.f32 v37, v5;
	v42 =	vld [tilespmem:s14+$0x70];
	v41 =	vmul.f32 v32, v46;
	[tilespmem:s3+$0x70] =	vst v20;
	v20 =	vadd.f32 v40, v19  }
0xcf: {  	v48 =	vmul.f32 v35, v6;
	v38 =	vmul.f32 v38, v7;
	v40 =	vadd.f32 v34, v12;
	v46 =	vld [tilespmem:s4+$0x70];
	[tilespmem:s0+$0xFFFFFFE0] =	vst v33  }
0xd0: {  	v33 =	vadd.f32 v37, v13;
	v37 =	vmul.f32 v36, v8;
	v53 =	vld [tilespmem:s4+$0xFFFFFF80];
	v60 =	vmul.f32 v41, v32;
	[tilespmem:s0+$0xFFFFFFF0] =	vst v20;
	s0 =	smov.u32 s3;
	s3 =	smov.u32 s14  }
0xd1: {  	v35 =	vadd.f32 v49, v31;
	v34 =	vadd.f32 v47, v45;
	v61 =	vld [tilespmem:s14+$0xFFFFFF90];
	[tilespmem:s0+$0x0] =	vst v40;
	v40 =	vmul.f32 v39, v9  }
0xd2: {  	s5 =	sadd.s32 $0x2, s5;
	v44 =	vadd.f32 v56, v51;
	v41 =	vmul.f32 v29, v10;
	v39 =	vadd.f32 v54, v52;
	v31 =	vld [tilespmem:s4+$0xFFFFFF90];
	[tilespmem:s0+$0x10] =	vst v33  }
0xd3: {  	p0 =	slt.u32 s5, $0x1E;
	v36 =	vadd.f32 v55, v57;
	v33 =	vadd.f32 v58, v50;
	v29 =	vld [tilespmem:s14+$0xFFFFFFA0]  }
0xd4: {  	v43 =	vadd.f32 v30, v59;
	v45 =	vld [tilespmem:s4+$0xFFFFFFA0];
	v20 =	vadd.f32 v46, v42  }
0xd5: {  	v49 =	vmul.f32 v34, v34;
	v47 =	vadd.f32 v44, v39;
	v46 =	vadd.f32 v35, v34;
	v30 =	vld [tilespmem:s14+$0xFFFFFFB0]  }
0xd6: {  	v52 =	vmul.f32 v35, v35;
	v54 =	vmul.f32 v39, v39;
	v51 =	vadd.f32 v33, v36;
	v50 =	vld [tilespmem:s4+$0xFFFFFFB0]  }
0xd7: {  	v57 =	vmul.f32 v44, v44;
	v58 =	vmul.f32 v36, v36;
	v56 =	vadd.f32 v20, v43;
	v55 =	vld [tilespmem:s14+$0xFFFFFFC0]  }
0xd8: {  	v59 =	vmul.f32 v33, v33;
	v42 =	vadd.f32 v31, v61;
	v61 =	vmul.f32 v43, v43;
	v31 =	vld [tilespmem:s4+$0xFFFFFFC0]  }
0xd9: {  	v46 =	vadd.f32 v47, v46;
	v47 =	vadd.f32 v56, v51;
	v51 =	vmul.f32 v20, v20;
	v62 =	vld [tilespmem:s14+$0xFFFFFFD0]  }
0xda: {  	v49 =	vadd.f32 v52, v49;
	v52 =	vadd.f32 v57, v54;
	v63 =	vmul.f32 v42, v42;
	v56 =	vld [tilespmem:s4+$0xFFFFFFD0]  }
0xdb: {  	v57 =	vadd.f32 v59, v58;
	v51 =	vadd.f32 v51, v61;
	v54 =	vld [tilespmem:s14+$0xFFFFFFE0]  }
0xdc: {  	v45 =	vadd.f32 v45, v29;
	v59 =	vadd.f32 v47, v46;
	v58 =	vld [tilespmem:s4+$0xFFFFFFE0]  }
0xdd: {  	v49 =	vadd.f32 v52, v49;
	v51 =	vadd.f32 v51, v57;
	v61 =	vld [tilespmem:s14+$0xFFFFFFF0]  }
0xde: {  	v46 =	vadd.f32 v50, v30;
	v50 =	vmul.f32 v45, v45;
	v47 =	vadd.f32 v31, v55;
	v31 =	vld [tilespmem:s4+$0xFFFFFFF0]  }
0xdf: {  	v49 =	vadd.f32 v51, v49;
	v51 =	vperm.xlane v59, v0;
	v52 =	vld [tilespmem:s14+$0xFFFFFF80];
	v29 =	vadd.f32 v56, v62  }
0xe0: {  	v55 =	vadd.f32 v46, v45;
	v56 =	vmul.f32 v46, v46;
	v57 =	vmul.f32 v47, v47  }
0xe1: {  	v51 =	vadd.f32 v59, v51;
	v30 =	vadd.f32 v58, v54;
	v54 =	vperm.xlane v49, v0  }
0xe2: {  	v58 =	vadd.f32 v29, v47;
	v50 =	vadd.f32 v56, v50;
	v56 =	vmul.f32 v29, v29  }
0xe3: {  	v31 =	vadd.f32 v31, v61;
	v49 =	vadd.f32 v49, v54;
	v54 =	vperm.xlane v51, v1  }
0xe4: {  	v59 =	vadd.f32 v53, v52;
	v52 =	vadd.f32 v56, v57;
	v53 =	vmul.f32 v30, v30  }
0xe5: {  	v56 =	vadd.f32 v31, v30;
	v51 =	vadd.f32 v51, v54;
	v54 =	vperm.xlane v49, v1  }
0xe6: {  	v62 =	vmul.f32 v31, v31;
	v57 =	vadd.f32 v42, v59;
	v61 =	vmul.f32 v59, v59  }
0xe7: {  	v56 =	vadd.f32 v56, v58;
	v49 =	vadd.f32 v49, v54;
	v54 =	vperm.xlane v51, v2  }
0xe8: {  	v55 =	vadd.f32 v55, v57;
	v57 =	vadd.f32 v63, v61  }
0xe9: {  	v53 =	vadd.f32 v62, v53;
	v51 =	vadd.f32 v51, v54;
	v54 =	vperm.xlane v49, v2  }
0xea: {  	v55 =	vadd.f32 v56, v55;
	v50 =	vadd.f32 v50, v57  }
0xeb: {  	v52 =	vadd.f32 v53, v52;
	v49 =	vadd.f32 v49, v54;
	v53 =	vperm.xlane v51, v3  }
0xec: {  	v48 =	vadd.f32 v48, v14;
	v56 =	vsub.f32 $1.500000000e+00, v60;
	v54 =	vperm.xlane v55, v0  }
0xed: {  	v50 =	vadd.f32 v52, v50;
	v51 =	vadd.f32 v53, v51;
	v52 =	vperm.xlane v49, v3  }
0xee: {  	v53 =	vadd.f32 v55, v54;
	v54 =	vmul.f32 v56, v32;
	[tilespmem:s0+$0x20] =	vst v48;
	v32 =	vadd.f32 v38, v15  }
0xef: {  	v48 =	vperm.xlane v50, v0;
	v49 =	vadd.f32 v52, v49;
	v38 =	vmul.f32 $7.812500000e-03, v51  }
0xf0: {  	v51 =	vperm.xlane v53, v1;
	v55 =	vmul.f32 v54, v25;
	[tilespmem:s0+$0x30] =	vst v32;
	v25 =	vadd.f32 v37, v16  }
0xf1: {  	v50 =	vadd.f32 v50, v48;
	v32 =	vmul.f32 $7.812500000e-03, v49;
	v37 =	vmul.f32 v38, v38  }
0xf2: {  	v48 =	vmul.f32 v54, v24;
	v34 =	vsub.f32 v34, v38;
	v51 =	vadd.f32 v53, v51;
	[tilespmem:s0+$0x40] =	vst v25  }
0xf3: {  	v24 =	vperm.xlane v50, v1;
	v25 =	vsub.f32 v32, v37;
	v37 =	vsub.f32 v35, v38  }
0xf4: {  	v35 =	vsub.f32 v39, v38;
	v32 =	vsub.f32 v44, v38;
	v52 =	vperm.xlane v51, v2  }
0xf5: {  	v49 =	vmul.f32 v54, v23;
	v24 =	vadd.f32 v50, v24;
	v25 =	vadd.f32 $9.999999960e-13, v25  }
0xf6: {  	v36 =	vsub.f32 v36, v38;
	v44 =	vmul.f32 v54, v22;
	v23 =	vadd.f32 v51, v52  }
0xf7: {  	v22 =	vperm.xlane v24, v2;
	v39 =	vshrl.u32 v25, $0x1;
	v52 =	vmul.f32 $5.000000000e-01, v25  }
0xf8: {  	v25 =	vperm.xlane v23, v3;
	v56 =	vsub.s32 $0x5F3759DF, v39;
	v39 =	vsub.f32 v33, v38  }
0xf9: {  	v22 =	vadd.f32 v24, v22;
	v33 =	vsub.f32 v43, v38;
	v24 =	vmul.f32 v56, v52  }
0xfa: {  	v50 =	vmul.f32 v54, v21;
	v43 =	vmul.f32 v54, v28;
	v23 =	vadd.f32 v25, v23  }
0xfb: {  	v21 =	vperm.xlane v22, v3;
	v25 =	vadd.f32 v40, v17;
	v24 =	vmul.f32 v56, v24  }
.Ltmp0:
0xfc: {  	v51 =	vmul.f32 v54, v27;
	v53 =	vmul.f32 $7.812500000e-03, v23;
	v23 =	vadd.f32 v41, v18;
	(pc) =	sbr.rel @p0 .LBB2_2-.Ltmp0, $4  }
0xfd: {  	v21 =	vadd.f32 v21, v22;
	v41 =	vmul.f32 v54, v26;
	v22 =	vsub.f32 $1.500000000e+00, v24;
	[tilespmem:s0+$0x50] =	vst v25  }
0xfe: {  	v26 =	vmul.f32 v53, v53;
	v25 =	vsub.f32 v59, v53;
	v24 =	vsub.f32 v42, v53;
	[tilespmem:s0+$0x60] =	vst v23  }
0xff: {  	v27 =	vmul.f32 $7.812500000e-03, v21;
	v23 =	vsub.f32 v45, v53;
	v40 =	vmul.f32 v56, v22  }
0x100: {  	s14 =	sadd.s32 $0x100, s14;
	v21 =	vsub.f32 v47, v53;
	v42 =	vmul.f32 v55, v4;
	v22 =	vsub.f32 v46, v53  }
0x101: {  	v26 =	vsub.f32 v27, v26;
	_ =	sdelay $0x1  }
0x102: {  	v26 =	vadd.f32 $9.999999960e-13, v26;
	_ =	sdelay $0x1  }
0x103: {  	v27 =	vmul.f32 v40, v52;
	v28 =	vshrl.u32 v26, $0x1;
	v26 =	vmul.f32 $5.000000000e-01, v26  }
0x104: {  	v28 =	vsub.s32 $0x5F3759DF, v28  }
0x105: {  	v29 =	vsub.f32 v29, v53;
	v27 =	vmul.f32 v27, v40;
	v45 =	vmul.f32 v28, v26  }
0x106: {  	v30 =	vsub.f32 v30, v53;
	v31 =	vsub.f32 v31, v53;
	v46 =	vmul.f32 v48, v5  }
0x107: {  	v47 =	vmul.f32 v49, v6;
	v27 =	vsub.f32 $1.500000000e+00, v27;
	v45 =	vmul.f32 v28, v45  }
0x108: {  	v44 =	vmul.f32 v44, v7;
	v56 =	vmul.f32 v50, v8;
	v20 =	vsub.f32 v20, v38  }
0x109: {  	v42 =	vadd.f32 v42, v12;
	v27 =	vmul.f32 v27, v40;
	v57 =	vsub.f32 $1.500000000e+00, v45  }
0x10a: {  	v58 =	vmul.f32 v43, v9;
	v59 =	vmul.f32 v51, v10;
	v60 =	vadd.f32 v46, v13  }
0x10b: {  	v61 =	vadd.f32 v47, v14;
	[tilespmem:s0+$0xFFFFFF80] =	vst v42;
	v20 =	vmul.f32 v27, v20;
	v28 =	vmul.f32 v28, v57  }
0x10c: {  	v62 =	vmul.f32 v41, v11;
	v63 =	vadd.f32 v44, v15;
	[tilespmem:s0+$0xFFFFFF90] =	vst v60;
	v34 =	vmul.f32 v27, v34  }
0x10d: {  	v48 =	vadd.f32 v56, v16;
	[tilespmem:s0+$0xFFFFFFA0] =	vst v61;
	v20 =	vmul.f32 v20, v11;
	v26 =	vmul.f32 v28, v26  }
0x10e: {  	v49 =	vadd.f32 v59, v18;
	[tilespmem:s0+$0xFFFFFFB0] =	vst v63;
	v37 =	vmul.f32 v27, v37;
	v35 =	vmul.f32 v27, v35  }
0x10f: {  	[tilespmem:s0+$0xFFFFFFC0] =	vst v48;
	v32 =	vmul.f32 v27, v32;
	v20 =	vadd.f32 v20, v19;
	v26 =	vmul.f32 v26, v28  }
0x110: {  	[tilespmem:s0+$0xFFFFFFE0] =	vst v49;
	v40 =	vadd.f32 v58, v17;
	v36 =	vmul.f32 v27, v36;
	v34 =	vmul.f32 v34, v4  }
0x111: {  	v37 =	vmul.f32 v37, v5;
	[tilespmem:s3+$0x70] =	vst v20;
	v20 =	vadd.f32 v62, v19;
	v26 =	vsub.f32 $1.500000000e+00, v26  }
0x112: {  	[tilespmem:s0+$0xFFFFFFD0] =	vst v40;
	v50 =	vmul.f32 v27, v39;
	v32 =	vmul.f32 v32, v7;
	v34 =	vadd.f32 v34, v12  }
0x113: {  	v35 =	vmul.f32 v35, v6;
	v37 =	vadd.f32 v37, v13;
	[tilespmem:s0+$0xFFFFFFF0] =	vst v20;
	v20 =	vmul.f32 v26, v28  }
0x114: {  	v32 =	vadd.f32 v32, v15;
	[tilespmem:s3+$0x0] =	vst v34;
	v26 =	vmul.f32 v27, v33;
	v27 =	vmul.f32 v36, v8  }
0x115: {  	v51 =	vmul.f32 v50, v9;
	[tilespmem:s3+$0x10] =	vst v37;
	v28 =	vadd.f32 v35, v14;
	v25 =	vmul.f32 v20, v25  }
0x116: {  	[tilespmem:s3+$0x30] =	vst v32;
	v26 =	vmul.f32 v26, v10;
	v27 =	vadd.f32 v27, v16;
	v24 =	vmul.f32 v20, v24  }
0x117: {  	[tilespmem:s3+$0x20] =	vst v28;
	v23 =	vmul.f32 v20, v23;
	v28 =	vadd.f32 v51, v17;
	v25 =	vmul.f32 v25, v4  }
0x118: {  	v22 =	vmul.f32 v20, v22;
	[tilespmem:s3+$0x40] =	vst v27;
	v26 =	vadd.f32 v26, v18;
	v24 =	vmul.f32 v24, v5  }
0x119: {  	v21 =	vmul.f32 v20, v21;
	[tilespmem:s3+$0x50] =	vst v28;
	v23 =	vmul.f32 v23, v6;
	v25 =	vadd.f32 v25, v12  }
0x11a: {  	v27 =	vmul.f32 v20, v29;
	v22 =	vmul.f32 v22, v7;
	[tilespmem:s3+$0x60] =	vst v26;
	v24 =	vadd.f32 v24, v13  }
0x11b: {  	v21 =	vmul.f32 v21, v8;
	v26 =	vmul.f32 v20, v30;
	v23 =	vadd.f32 v23, v14;
	[tilespmem:s3+$0xFFFFFF80] =	vst v25  }
0x11c: {  	v20 =	vmul.f32 v20, v31;
	v22 =	vadd.f32 v22, v15;
	v25 =	vmul.f32 v27, v9;
	[tilespmem:s3+$0xFFFFFF90] =	vst v24  }
0x11d: {  	v21 =	vadd.f32 v21, v16;
	v24 =	vmul.f32 v26, v10;
	[tilespmem:s3+$0xFFFFFFA0] =	vst v23  }
0x11e: {  	v20 =	vmul.f32 v20, v11;
	[tilespmem:s3+$0xFFFFFFB0] =	vst v22;
	v22 =	vadd.f32 v25, v17  }
0x11f: {  	[tilespmem:s3+$0xFFFFFFC0] =	vst v21;
	v21 =	vadd.f32 v24, v18  }
0x120: {  	v20 =	vadd.f32 v20, v19;
	[tilespmem:s3+$0xFFFFFFD0] =	vst v22  }
0x121: {  	[tilespmem:s3+$0xFFFFFFE0] =	vst v21  }
0x122: {  	[tilespmem:s3+$0xFFFFFFF0] =	vst v20  }
0x123: {  	[hbm4b:s9+s7] =	stream.linear.scatter [tilespmem:s19], [sflag:$0x3], $0x1000, $0x38;
	[tilespmem:$0xF900] =	vst v63  }
0x124: {  	_ =	swait.ge [sflag:s23], $0x1000  }
0x125: {  	[sflag:s23] =	ssyncset.done $0x0  }
0x126: {  	s30 =	simm.s32 $0x100;
	[sflag:s23] =	ssyncadd.s32 $0xFFFFF000  }
0x127: {  	[tilespmem:s19], [sflag:$0x1] =	stream.indirect.gather [hbm4b:s1+s18], $0x80, s30, s18, $0xb8;
	[tilespmem:$0xF900] =	vst v63  }
0x128: {  	_ =	swait.ge [sflag:s25], $0x1000  }
0x129: {  	[sflag:s25] =	ssyncset.done $0x0  }
0x12a: {  	s0 =	simm.s32 $0x78F0;
	[sflag:s25] =	ssyncadd.s32 $0xFFFFF000  }
0x12b: {  	s31 =	simm.s32 $0x98F0;
	v20 =	vld [tilespmem:s0+$0xFFFFFF90]  }
0x12c: {  	v21 =	vld [tilespmem:s31+$0xFFFFFF90]  }
0x12d: {  	v22 =	vld [tilespmem:s0+$0xFFFFFFA0]  }
0x12e: {  	v23 =	vld [tilespmem:s31+$0xFFFFFFA0]  }
0x12f: {  	v24 =	vld [tilespmem:s0+$0xFFFFFFB0]  }
0x130: {  	v25 =	vld [tilespmem:s31+$0xFFFFFFB0]  }
0x131: {  	v27 =	vld [tilespmem:s0+$0xFFFFFFC0]  }
0x132: {  	v28 =	vld [tilespmem:s31+$0xFFFFFFC0]  }
0x133: {  	v29 =	vld [tilespmem:s0+$0xFFFFFFD0]  }
0x134: {  	v30 =	vld [tilespmem:s31+$0xFFFFFFD0]  }
0x135: {  	v31 =	vld [tilespmem:s0+$0xFFFFFFE0]  }
0x136: {  	v52 =	vld [tilespmem:s31+$0xFFFFFFE0]  }
0x137: {  	v53 =	vld [tilespmem:s0+$0xFFFFFFF0]  }
0x138: {  	v54 =	vld [tilespmem:s31+$0xFFFFFFF0]  }
0x139: {  	v55 =	vld [tilespmem:s0+$0x0]  }
0x13a: {  	v56 =	vld [tilespmem:s31+$0x0]  }
0x13b: {  	v39 =	vld [tilespmem:s0+$0xFFFFFF20]  }
0x13c: {  	v33 =	vld [tilespmem:s0+$0xFFFFFF40]  }
0x13d: {  	v61 =	vld [tilespmem:s31+$0xFFFFFF40];
	v38 =	vadd.f32 v21, v20;
	v26 =	vadd.f32 v23, v22  }
0x13e: {  	v49 =	vld [tilespmem:s0+$0xFFFFFF50];
	v24 =	vadd.f32 v25, v24;
	v25 =	vadd.f32 v28, v27  }
0x13f: {  	v27 =	vld [tilespmem:s31+$0xFFFFFF20];
	v23 =	vadd.f32 v30, v29;
	v22 =	vadd.f32 v52, v31  }
0x140: {  	v28 =	vld [tilespmem:s0+$0xFFFFFF30];
	v21 =	vadd.f32 v54, v53;
	v20 =	vadd.f32 v56, v55  }
0x141: {  	v29 =	vld [tilespmem:s31+$0xFFFFFF30];
	v30 =	vadd.f32 v26, v38;
	v31 =	vadd.f32 v25, v24;
	v57 =	vmul.f32 v38, v38  }
0x142: {  	v52 =	vld [tilespmem:s31+$0xFFFFFF50];
	v58 =	vadd.f32 v22, v23;
	v59 =	vmul.f32 v26, v26;
	v60 =	vmul.f32 v24, v24  }
0x143: {  	v54 =	vld [tilespmem:s0+$0xFFFFFF60];
	v62 =	vadd.f32 v20, v21;
	v63 =	vmul.f32 v25, v25;
	v48 =	vmul.f32 v23, v23  }
0x144: {  	v56 =	vld [tilespmem:s31+$0xFFFFFF60];
	v33 =	vadd.f32 v61, v33;
	v50 =	vmul.f32 v22, v22;
	v51 =	vmul.f32 v21, v21  }
0x145: {  	v53 =	vmul.f32 v20, v20;
	v30 =	vadd.f32 v31, v30;
	v31 =	vadd.f32 v62, v58  }
0x146: {  	v37 =	vld [tilespmem:s31+$0xFFFFFF10];
	v32 =	vadd.f32 v59, v57;
	v55 =	vadd.f32 v63, v60  }
0x147: {  	v57 =	vadd.f32 v50, v48;
	v34 =	vadd.f32 v53, v51;
	v58 =	vld [tilespmem:s0+$0xFFFFFF70]  }
0x148: {  	v59 =	vld [tilespmem:s31+$0xFFFFFF80];
	v27 =	vadd.f32 v27, v39;
	v28 =	vadd.f32 v29, v28  }
0x149: {  	v62 =	vld [tilespmem:s0+$0xFFFFFF10];
	v42 =	vadd.f32 v52, v49;
	v36 =	vadd.f32 v56, v54  }
0x14a: {  	v50 =	vmul.f32 v33, v33;
	v29 =	vld [tilespmem:s0+$0xFFFFFF80];
	v30 =	vadd.f32 v31, v30;
	v32 =	vadd.f32 v55, v32  }
0x14b: {  	v31 =	vld [tilespmem:s31+$0xFFFFFF70];
	v34 =	vadd.f32 v34, v57;
	v61 =	vmul.f32 v28, v28;
	v63 =	vadd.f32 v33, v28  }
0x14c: {  	v51 =	vmul.f32 v42, v42;
	v52 =	vadd.f32 v36, v42;
	v54 =	vmul.f32 v36, v36  }
0x14d: {  	v32 =	vadd.f32 v34, v32;
	v60 =	vperm.xlane v30, v0;
	v43 =	vadd.f32 v50, v61  }
0x14e: {  	v35 =	vmul.f32 v27, v27;
	v37 =	vadd.f32 v37, v62;
	v56 =	vadd.f32 v54, v51  }
0x14f: {  	v30 =	vadd.f32 v30, v60;
	v49 =	vperm.xlane v32, v0;
	v29 =	vadd.f32 v59, v29  }
0x150: {  	v31 =	vadd.f32 v31, v58;
	v59 =	vadd.f32 v27, v37;
	v61 =	vmul.f32 v37, v37  }
0x151: {  	v32 =	vadd.f32 v32, v49;
	v53 =	vperm.xlane v30, v1;
	v62 =	vmul.f32 v29, v29  }
0x152: {  	v57 =	vmul.f32 v31, v31;
	v58 =	vadd.f32 v29, v31;
	v41 =	vadd.f32 v63, v59  }
0x153: {  	v35 =	vadd.f32 v35, v61;
	v30 =	vadd.f32 v30, v53;
	v55 =	vperm.xlane v32, v1  }
0x154: {  	v39 =	vadd.f32 v58, v52;
	v44 =	vadd.f32 v62, v57  }
0x155: {  	v35 =	vadd.f32 v43, v35;
	v32 =	vadd.f32 v32, v55;
	v60 =	vperm.xlane v30, v2  }
0x156: {  	v39 =	vadd.f32 v39, v41;
	v40 =	vadd.f32 v44, v56  }
0x157: {  	v30 =	vadd.f32 v30, v60;
	v63 =	vperm.xlane v32, v2  }
0x158: {  	v41 =	vperm.xlane v39, v0;
	v35 =	vadd.f32 v40, v35  }
0x159: {  	v32 =	vadd.f32 v32, v63;
	v48 =	vperm.xlane v30, v3  }
0x15a: {  	v50 =	vadd.f32 v39, v41;
	v51 =	vperm.xlane v35, v0  }
0x15b: {  	v30 =	vadd.f32 v48, v30;
	v49 =	vperm.xlane v32, v3  }
0x15c: {  	v41 =	vperm.xlane v50, v1;
	v35 =	vadd.f32 v35, v51  }
0x15d: {  	v32 =	vadd.f32 v49, v32;
	v30 =	vmul.f32 $7.812500000e-03, v30  }
0x15e: {  	v34 =	vadd.f32 v50, v41;
	v39 =	vperm.xlane v35, v1  }
0x15f: {  	v32 =	vmul.f32 $7.812500000e-03, v32;
	v52 =	vmul.f32 v30, v30  }
0x160: {  	v53 =	vperm.xlane v34, v2;
	v35 =	vadd.f32 v35, v39  }
0x161: {  	v32 =	vsub.f32 v32, v52  }
0x162: {  	v34 =	vadd.f32 v34, v53;
	v55 =	vperm.xlane v35, v2  }
0x163: {  	v32 =	vadd.f32 $9.999999960e-13, v32  }
0x164: {  	v57 =	vperm.xlane v34, v3;
	v35 =	vadd.f32 v35, v55  }
0x165: {  	v54 =	vshrl.u32 v32, $0x1;
	v32 =	vmul.f32 $5.000000000e-01, v32  }
0x166: {  	s4 =	simm.s32 $0x99F0;
	v39 =	vsub.s32 $0x5F3759DF, v54;
	v34 =	vadd.f32 v57, v34;
	v59 =	vperm.xlane v35, v3  }
0x167: {  	s3 =	simm.s32 $0x79F0;
	v45 =	vld [tilespmem:s4+$0xFFFFFFA0];
	v56 =	vmul.f32 v39, v32  }
0x168: {  	v46 =	vld [tilespmem:s3+$0xFFFFFFB0];
	v34 =	vmul.f32 $7.812500000e-03, v34;
	v35 =	vadd.f32 v59, v35  }
0x169: {  	v43 =	vld [tilespmem:s3+$0xFFFFFF90];
	v38 =	vsub.f32 v38, v30;
	v58 =	vmul.f32 v39, v56  }
0x16a: {  	v41 =	vld [tilespmem:s4+$0xFFFFFF90];
	v61 =	vsub.f32 v26, v30;
	v60 =	vmul.f32 v34, v34;
	v35 =	vmul.f32 $7.812500000e-03, v35  }
0x16b: {  	v62 =	vld [tilespmem:s3+$0xFFFFFFF0];
	v44 =	vsub.f32 v24, v30;
	v48 =	vsub.f32 v25, v30  }
0x16c: {  	v63 =	vld [tilespmem:s4+$0xFFFFFFF0];
	v40 =	vsub.f32 $1.500000000e+00, v58;
	v26 =	vsub.f32 v35, v60  }
0x16d: {  	v51 =	vld [tilespmem:s4+$0xFFFFFFC0];
	v50 =	vsub.f32 v23, v30;
	v20 =	vsub.f32 v20, v30  }
0x16e: {  	v49 =	vld [tilespmem:s3+$0xFFFFFFC0];
	v52 =	vsub.f32 v22, v30;
	v39 =	vmul.f32 v39, v40;
	v23 =	vadd.f32 $9.999999960e-13, v26  }
0x16f: {  	v53 =	vld [tilespmem:s3+$0xFFFFFFD0];
	v41 =	vadd.f32 v41, v43;
	v54 =	vsub.f32 v21, v30  }
0x170: {  	v40 =	vld [tilespmem:s3+$0xFFFFFFA0];
	v32 =	vmul.f32 v39, v32;
	v21 =	vshrl.u32 v23, $0x1;
	v55 =	vmul.f32 $5.000000000e-01, v23  }
0x171: {  	v56 =	vld [tilespmem:s4+$0xFFFFFFD0];
	v27 =	vsub.f32 v27, v34;
	v25 =	vsub.f32 v33, v34;
	v57 =	vsub.s32 $0x5F3759DF, v21  }
0x172: {  	v33 =	vadd.f32 v63, v62;
	v35 =	vld [tilespmem:s4+$0xFFFFFFB0];
	v24 =	vmul.f32 v32, v39;
	v21 =	vmul.f32 v57, v55  }
0x173: {  	v26 =	vsub.f32 v28, v34;
	v23 =	vsub.f32 v42, v34  }
0x174: {  	v22 =	vsub.f32 $1.500000000e+00, v24;
	v28 =	vmul.f32 v57, v21;
	v21 =	vsub.f32 v29, v34  }
0x175: {  	v30 =	vld [tilespmem:s3+$0xFFFFFFE0];
	v32 =	vsub.f32 v37, v34;
	v43 =	vadd.f32 v45, v40  }
0x176: {  	v37 =	vld [tilespmem:s4+$0xFFFFFFE0];
	v45 =	vadd.f32 v51, v49;
	v51 =	vadd.f32 v56, v53;
	v58 =	vmul.f32 v22, v39;
	[tilespmem:$0x1FFE0] =	vst v21  }
0x177: {  	v35 =	vadd.f32 v35, v46;
	v24 =	vsub.f32 v36, v34;
	v56 =	vmul.f32 v43, v43;
	v29 =	vld [tilespmem:s3+$0x0]  }
0x178: {  	v62 =	vmul.f32 v51, v51;
	v22 =	vsub.f32 v31, v34;
	v34 =	vmul.f32 v58, v61;
	v61 =	vld [tilespmem:s4+$0x0]  }
0x179: {  	v20 =	vmul.f32 v58, v20;
	v47 =	vmul.f32 v58, v48;
	v48 =	vld [tilespmem:s4+$0xFFFFFF10]  }
0x17a: {  	v42 =	vadd.f32 v45, v35;
	v31 =	vmul.f32 v58, v38;
	v44 =	vmul.f32 v58, v44;
	v59 =	vld [tilespmem:s3+$0xFFFFFF20]  }
0x17b: {  	v39 =	vadd.f32 v37, v30;
	v50 =	vmul.f32 v58, v50;
	v40 =	vld [tilespmem:s4+$0xFFFFFF20];
	v46 =	vmul.f32 v58, v52  }
0x17c: {  	v37 =	vadd.f32 v43, v41;
	v49 =	vld [tilespmem:s3+$0xFFFFFF30];
	v36 =	vmul.f32 v58, v54;
	v52 =	vmul.f32 v41, v41  }
0x17d: {  	v60 =	vsub.f32 $1.500000000e+00, v28;
	v53 =	vld [tilespmem:s4+$0xFFFFFF40];
	v20 =	vmul.f32 v20, v11;
	v30 =	vmul.f32 v31, v4  }
0x17e: {  	v58 =	vld [tilespmem:s3+$0xFFFFFF50];
	v54 =	vadd.f32 v39, v51;
	v63 =	vmul.f32 v39, v39;
	v37 =	vadd.f32 v42, v37  }
0x17f: {  	v38 =	vmul.f32 v57, v60;
	v31 =	vld [tilespmem:s4+$0xFFFFFF30];
	v28 =	vadd.f32 v20, v19;
	v21 =	vadd.f32 v30, v12  }
0x180: {  	v57 =	vmul.f32 v35, v35;
	v30 =	vadd.f32 v63, v62;
	v62 =	vld [tilespmem:s3+$0xFFFFFF70];
	v20 =	vadd.f32 v61, v29  }
0x181: {  	v42 =	vmul.f32 v33, v33;
	v52 =	vadd.f32 v56, v52;
	v29 =	vld [tilespmem:s3+$0xFFFFFF40];
	v61 =	vmul.f32 v45, v45  }
0x182: {  	v40 =	vadd.f32 v40, v59;
	v59 =	vld [tilespmem:s4+$0xFFFFFF50];
	v60 =	vadd.f32 v20, v33;
	v56 =	vmul.f32 v20, v20  }
0x183: {  	v57 =	vadd.f32 v61, v57;
	v61 =	vld [tilespmem:s4+$0xFFFFFF60]  }
0x184: {  	v54 =	vadd.f32 v60, v54;
	v60 =	vld [tilespmem:s3+$0xFFFFFF60];
	v42 =	vadd.f32 v56, v42  }
0x185: {  	v56 =	vadd.f32 v31, v49;
	v31 =	vld [tilespmem:s4+$0xFFFFFF70];
	v52 =	vadd.f32 v57, v52  }
0x186: {  	v49 =	vld [tilespmem:s3+$0xFFFFFF80];
	v37 =	vadd.f32 v54, v37;
	v30 =	vadd.f32 v42, v30  }
0x187: {  	v42 =	vadd.f32 v53, v29;
	v53 =	vld [tilespmem:s4+$0xFFFFFF80];
	v54 =	vadd.f32 v59, v58  }
0x188: {  	v34 =	vmul.f32 v34, v5;
	v57 =	vmul.f32 v56, v56;
	v58 =	vld [tilespmem:s3+$0xFFFFFF10]  }
0x189: {  	v52 =	vadd.f32 v30, v52;
	v59 =	vperm.xlane v37, v0;
	v63 =	vmul.f32 v54, v54  }
0x18a: {  	v29 =	vadd.f32 v61, v60;
	v60 =	vadd.f32 v42, v56;
	v61 =	vmul.f32 v42, v42  }
0x18b: {  	v30 =	vadd.f32 v31, v62;
	v37 =	vadd.f32 v37, v59;
	v59 =	vperm.xlane v52, v0  }
0x18c: {  	v62 =	vadd.f32 v29, v54;
	v57 =	vadd.f32 v61, v57;
	v61 =	vmul.f32 v29, v29  }
0x18d: {  	v55 =	vmul.f32 v38, v55;
	v31 =	vadd.f32 v53, v49;
	v58 =	vadd.f32 v48, v58  }
0x18e: {  	v49 =	vadd.f32 v52, v59;
	v52 =	vperm.xlane v37, v1;
	v53 =	vadd.f32 v61, v63  }
0x18f: {  	v48 =	vmul.f32 v55, v38;
	v55 =	vadd.f32 v31, v30;
	v59 =	vadd.f32 v40, v58  }
0x190: {  	v61 =	vmul.f32 v40, v40;
	v37 =	vadd.f32 v37, v52;
	v52 =	vperm.xlane v49, v1  }
0x191: {  	v55 =	vadd.f32 v55, v62;
	v62 =	vmul.f32 v58, v58;
	v59 =	vadd.f32 v60, v59  }
0x192: {  	v60 =	vmul.f32 v31, v31;
	v49 =	vadd.f32 v49, v52;
	v52 =	vmul.f32 v30, v30  }
0x193: {  	v63 =	vadd.f32 v34, v13;
	v61 =	vadd.f32 v61, v62;
	v62 =	vperm.xlane v37, v2  }
0x194: {  	v34 =	vmul.f32 v50, v8;
	v50 =	vadd.f32 v60, v52;
	v52 =	vperm.xlane v49, v2  }
0x195: {  	v60 =	vmul.f32 v36, v10;
	v36 =	vadd.f32 v55, v59;
	v37 =	vadd.f32 v37, v62  }
0x196: {  	v44 =	vmul.f32 v44, v6;
	v55 =	vadd.f32 v57, v61;
	v50 =	vadd.f32 v50, v53  }
0x197: {  	v47 =	vmul.f32 v47, v7;
	v49 =	vadd.f32 v49, v52;
	v62 =	vperm.xlane v37, v3  }
0x198: {  	v57 =	vadd.f32 v44, v14;
	v61 =	vperm.xlane v36, v0;
	v44 =	vadd.f32 v50, v55  }
0x199: {  	v48 =	vsub.f32 $1.500000000e+00, v48;
	v37 =	vadd.f32 v62, v37;
	v62 =	vperm.xlane v49, v3  }
0x19a: {  	v46 =	vmul.f32 v46, v9;
	v36 =	vadd.f32 v36, v61;
	v52 =	vperm.xlane v44, v0  }
0x19b: {  	v55 =	vmul.f32 v48, v38;
	v49 =	vadd.f32 v62, v49;
	v38 =	vmul.f32 $7.812500000e-03, v37  }
0x19c: {  	v47 =	vadd.f32 v47, v15;
	v53 =	vperm.xlane v36, v1;
	v44 =	vadd.f32 v44, v52  }
0x19d: {  	v61 =	vadd.f32 v34, v16;
	v62 =	vmul.f32 $7.812500000e-03, v49;
	v52 =	vmul.f32 v38, v38  }
0x19e: {  	v48 =	vmul.f32 v55, v27;
	v36 =	vadd.f32 v36, v53;
	v27 =	vperm.xlane v44, v1  }
0x19f: {  	v59 =	vmul.f32 v55, v32;
	v34 =	vsub.f32 v41, v38;
	v53 =	vsub.f32 v62, v52  }
0x1a0: {  	v37 =	vsub.f32 v43, v38;
	v62 =	vperm.xlane v36, v2;
	v27 =	vadd.f32 v44, v27  }
0x1a1: {  	v35 =	vsub.f32 v35, v38;
	v49 =	vmul.f32 v55, v26;
	v41 =	vadd.f32 $9.999999960e-13, v53  }
0x1a2: {  	v44 =	vmul.f32 v55, v25;
	v26 =	vadd.f32 v36, v62;
	v25 =	vperm.xlane v27, v2  }
0x1a3: {  	[tilespmem:s0+$0x0] =	vst v28;
	v32 =	vsub.f32 v45, v38;
	v39 =	vsub.f32 v39, v38;
	v50 =	vshrl.u32 v41, $0x1  }
0x1a4: {  	[tilespmem:s0+$0xFFFFFF90] =	vst v21;
	v52 =	vmul.f32 $5.000000000e-01, v41;
	v53 =	vperm.xlane v26, v3;
	v25 =	vadd.f32 v27, v25  }
0x1a5: {  	[tilespmem:s0+$0xFFFFFFC0] =	vst v47;
	v33 =	vsub.f32 v33, v38;
	v62 =	vsub.s32 $0x5F3759DF, v50;
	v50 =	vmul.f32 v55, v23  }
0x1a6: {  	[tilespmem:s0+$0xFFFFFFA0] =	vst v63;
	v27 =	vmul.f32 v62, v52;
	v21 =	vadd.f32 v53, v26;
	v23 =	vperm.xlane v25, v3  }
0x1a7: {  	[tilespmem:s0+$0xFFFFFFB0] =	vst v57;
	v43 =	vmul.f32 v55, v24;
	v36 =	vsub.f32 v51, v38;
	v51 =	vmul.f32 v55, v22  }
0x1a8: {  	v24 =	vmul.f32 v62, v27;
	v53 =	vmul.f32 $7.812500000e-03, v21;
	v22 =	vadd.f32 v23, v25;
	v23 =	vld [tilespmem:$0x1FFE0]  }
0x1a9: {  	v27 =	vadd.f32 v46, v17;
	v21 =	vadd.f32 v60, v18  }
0x1aa: {  	v28 =	vsub.f32 $1.500000000e+00, v24;
	v25 =	vsub.f32 v58, v53  }
0x1ab: {  	v26 =	vmul.f32 v53, v53;
	v24 =	vsub.f32 v40, v53;
	[tilespmem:s0+$0xFFFFFFF0] =	vst v21;
	v21 =	vsub.f32 v54, v53  }
0x1ac: {  	[tilespmem:s0+$0xFFFFFFE0] =	vst v27;
	v27 =	vmul.f32 $7.812500000e-03, v22;
	v22 =	vsub.f32 v42, v53;
	v40 =	vmul.f32 v62, v28  }
0x1ad: {  	s5 =	simm.s32 $0x2;
	s14 =	simm.s32 $0x7AF0;
	[tilespmem:s0+$0xFFFFFFD0] =	vst v61;
	v42 =	vmul.f32 v59, v4;
	v41 =	vmul.f32 v55, v23;
	v23 =	vsub.f32 v56, v53  }
.LBB2_4:
0x1ae: {  	v45 =	vld [tilespmem:s14+$0xFFFFFF90];
	v46 =	vsub.f32 v27, v26;
	v28 =	vsub.f32 v29, v53;
	v29 =	vmul.f32 v40, v52;
	s4 =	sadd.s32 $0x100, s4  }
0x1af: {  	v27 =	vsub.f32 v30, v53;
	v26 =	vsub.f32 v31, v53;
	v30 =	vmul.f32 v48, v5;
	v47 =	vld [tilespmem:s4+$0xFFFFFF90]  }
0x1b0: {  	v48 =	vmul.f32 v49, v6;
	v31 =	vld [tilespmem:s14+$0xFFFFFFA0];
	v46 =	vadd.f32 $9.999999960e-13, v46;
	v29 =	vmul.f32 v29, v40  }
0x1b1: {  	v44 =	vmul.f32 v44, v7;
	v50 =	vmul.f32 v50, v8;
	v42 =	vadd.f32 v42, v12;
	v49 =	vld [tilespmem:s4+$0xFFFFFFA0]  }
0x1b2: {  	v52 =	vld [tilespmem:s14+$0xFFFFFFB0];
	v53 =	vshrl.u32 v46, $0x1;
	v46 =	vmul.f32 $5.000000000e-01, v46;
	v29 =	vsub.f32 $1.500000000e+00, v29  }
0x1b3: {  	v54 =	vld [tilespmem:s4+$0xFFFFFFB0];
	v53 =	vsub.s32 $0x5F3759DF, v53;
	[tilespmem:s0+$0xFFFFFF10] =	vst v42;
	v42 =	vmul.f32 v43, v9;
	v43 =	vmul.f32 v51, v10  }
0x1b4: {  	v20 =	vsub.f32 v20, v38;
	v51 =	vld [tilespmem:s14+$0xFFFFFFC0];
	v55 =	vmul.f32 v53, v46;
	v29 =	vmul.f32 v29, v40  }
0x1b5: {  	v30 =	vadd.f32 v30, v13;
	v38 =	vadd.f32 v48, v14;
	v40 =	vmul.f32 v41, v11;
	v56 =	vld [tilespmem:s4+$0xFFFFFFC0]  }
0x1b6: {  	v44 =	vadd.f32 v44, v15;
	v57 =	vld [tilespmem:s14+$0xFFFFFFD0];
	v41 =	vmul.f32 v53, v55;
	v20 =	vmul.f32 v29, v20  }
0x1b7: {  	v34 =	vmul.f32 v29, v34;
	v37 =	vmul.f32 v29, v37;
	v55 =	vld [tilespmem:s4+$0xFFFFFFD0];
	[tilespmem:s0+$0xFFFFFF20] =	vst v30;
	v30 =	vadd.f32 v50, v16  }
0x1b8: {  	v35 =	vmul.f32 v29, v35;
	v50 =	vld [tilespmem:s14+$0xFFFFFFE0];
	v41 =	vsub.f32 $1.500000000e+00, v41;
	v20 =	vmul.f32 v20, v11;
	[tilespmem:s0+$0xFFFFFF30] =	vst v38  }
0x1b9: {  	v42 =	vadd.f32 v42, v17;
	v36 =	vmul.f32 v29, v36;
	v38 =	vmul.f32 v29, v32;
	v58 =	vld [tilespmem:s4+$0xFFFFFFE0];
	[tilespmem:s0+$0xFFFFFF40] =	vst v44  }
0x1ba: {  	v39 =	vmul.f32 v29, v39;
	v59 =	vld [tilespmem:s14+$0xFFFFFFF0];
	v32 =	vmul.f32 v53, v41;
	v20 =	vadd.f32 v20, v19;
	[tilespmem:s0+$0xFFFFFF50] =	vst v30  }
0x1bb: {  	v34 =	vmul.f32 v34, v4;
	v29 =	vmul.f32 v29, v33;
	v33 =	vadd.f32 v43, v18;
	v30 =	vld [tilespmem:s4+$0xFFFFFFF0];
	[tilespmem:s0+$0xFFFFFF60] =	vst v42  }
0x1bc: {  	v37 =	vmul.f32 v37, v5;
	v42 =	vld [tilespmem:s14+$0x0];
	v41 =	vmul.f32 v32, v46;
	[tilespmem:s3+$0x0] =	vst v20;
	v20 =	vadd.f32 v40, v19  }
0x1bd: {  	v48 =	vmul.f32 v35, v6;
	v38 =	vmul.f32 v38, v7;
	v40 =	vadd.f32 v34, v12;
	v46 =	vld [tilespmem:s4+$0x0];
	[tilespmem:s0+$0xFFFFFF70] =	vst v33  }
0x1be: {  	v33 =	vadd.f32 v37, v13;
	v37 =	vmul.f32 v36, v8;
	v53 =	vld [tilespmem:s4+$0xFFFFFF10];
	v60 =	vmul.f32 v41, v32;
	[tilespmem:s0+$0xFFFFFF80] =	vst v20;
	s0 =	smov.u32 s3;
	s3 =	smov.u32 s14  }
0x1bf: {  	v35 =	vadd.f32 v49, v31;
	v34 =	vadd.f32 v47, v45;
	v61 =	vld [tilespmem:s14+$0xFFFFFF20];
	[tilespmem:s0+$0xFFFFFF90] =	vst v40;
	v40 =	vmul.f32 v39, v9  }
0x1c0: {  	s5 =	sadd.s32 $0x2, s5;
	v44 =	vadd.f32 v56, v51;
	v41 =	vmul.f32 v29, v10;
	v39 =	vadd.f32 v54, v52;
	v31 =	vld [tilespmem:s4+$0xFFFFFF20];
	[tilespmem:s0+$0xFFFFFFA0] =	vst v33  }
0x1c1: {  	p0 =	slt.u32 s5, $0x1E;
	v36 =	vadd.f32 v55, v57;
	v33 =	vadd.f32 v58, v50;
	v29 =	vld [tilespmem:s14+$0xFFFFFF30]  }
0x1c2: {  	v43 =	vadd.f32 v30, v59;
	v45 =	vld [tilespmem:s4+$0xFFFFFF30];
	v20 =	vadd.f32 v46, v42  }
0x1c3: {  	v49 =	vmul.f32 v34, v34;
	v47 =	vadd.f32 v44, v39;
	v46 =	vadd.f32 v35, v34;
	v30 =	vld [tilespmem:s14+$0xFFFFFF40]  }
0x1c4: {  	v52 =	vmul.f32 v35, v35;
	v54 =	vmul.f32 v39, v39;
	v51 =	vadd.f32 v33, v36;
	v50 =	vld [tilespmem:s4+$0xFFFFFF40]  }
0x1c5: {  	v57 =	vmul.f32 v44, v44;
	v58 =	vmul.f32 v36, v36;
	v56 =	vadd.f32 v20, v43;
	v55 =	vld [tilespmem:s14+$0xFFFFFF50]  }
0x1c6: {  	v59 =	vmul.f32 v33, v33;
	v42 =	vadd.f32 v31, v61;
	v61 =	vmul.f32 v43, v43;
	v31 =	vld [tilespmem:s4+$0xFFFFFF50]  }
0x1c7: {  	v46 =	vadd.f32 v47, v46;
	v47 =	vadd.f32 v56, v51;
	v51 =	vmul.f32 v20, v20;
	v62 =	vld [tilespmem:s14+$0xFFFFFF60]  }
0x1c8: {  	v49 =	vadd.f32 v52, v49;
	v52 =	vadd.f32 v57, v54;
	v63 =	vmul.f32 v42, v42;
	v56 =	vld [tilespmem:s4+$0xFFFFFF60]  }
0x1c9: {  	v57 =	vadd.f32 v59, v58;
	v51 =	vadd.f32 v51, v61;
	v54 =	vld [tilespmem:s14+$0xFFFFFF70]  }
0x1ca: {  	v45 =	vadd.f32 v45, v29;
	v59 =	vadd.f32 v47, v46;
	v58 =	vld [tilespmem:s4+$0xFFFFFF70]  }
0x1cb: {  	v49 =	vadd.f32 v52, v49;
	v51 =	vadd.f32 v51, v57;
	v61 =	vld [tilespmem:s14+$0xFFFFFF80]  }
0x1cc: {  	v46 =	vadd.f32 v50, v30;
	v50 =	vmul.f32 v45, v45;
	v47 =	vadd.f32 v31, v55;
	v31 =	vld [tilespmem:s4+$0xFFFFFF80]  }
0x1cd: {  	v49 =	vadd.f32 v51, v49;
	v51 =	vperm.xlane v59, v0;
	v52 =	vld [tilespmem:s14+$0xFFFFFF10];
	v29 =	vadd.f32 v56, v62  }
0x1ce: {  	v55 =	vadd.f32 v46, v45;
	v56 =	vmul.f32 v46, v46;
	v57 =	vmul.f32 v47, v47  }
0x1cf: {  	v51 =	vadd.f32 v59, v51;
	v30 =	vadd.f32 v58, v54;
	v54 =	vperm.xlane v49, v0  }
0x1d0: {  	v58 =	vadd.f32 v29, v47;
	v50 =	vadd.f32 v56, v50;
	v56 =	vmul.f32 v29, v29  }
0x1d1: {  	v31 =	vadd.f32 v31, v61;
	v49 =	vadd.f32 v49, v54;
	v54 =	vperm.xlane v51, v1  }
0x1d2: {  	v59 =	vadd.f32 v53, v52;
	v52 =	vadd.f32 v56, v57;
	v53 =	vmul.f32 v30, v30  }
0x1d3: {  	v56 =	vadd.f32 v31, v30;
	v51 =	vadd.f32 v51, v54;
	v54 =	vperm.xlane v49, v1  }
0x1d4: {  	v62 =	vmul.f32 v31, v31;
	v57 =	vadd.f32 v42, v59;
	v61 =	vmul.f32 v59, v59  }
0x1d5: {  	v56 =	vadd.f32 v56, v58;
	v49 =	vadd.f32 v49, v54;
	v54 =	vperm.xlane v51, v2  }
0x1d6: {  	v55 =	vadd.f32 v55, v57;
	v57 =	vadd.f32 v63, v61  }
0x1d7: {  	v53 =	vadd.f32 v62, v53;
	v51 =	vadd.f32 v51, v54;
	v54 =	vperm.xlane v49, v2  }
0x1d8: {  	v55 =	vadd.f32 v56, v55;
	v50 =	vadd.f32 v50, v57  }
0x1d9: {  	v52 =	vadd.f32 v53, v52;
	v49 =	vadd.f32 v49, v54;
	v53 =	vperm.xlane v51, v3  }
0x1da: {  	v48 =	vadd.f32 v48, v14;
	v56 =	vsub.f32 $1.500000000e+00, v60;
	v54 =	vperm.xlane v55, v0  }
0x1db: {  	v50 =	vadd.f32 v52, v50;
	v51 =	vadd.f32 v53, v51;
	v52 =	vperm.xlane v49, v3  }
0x1dc: {  	v53 =	vadd.f32 v55, v54;
	v54 =	vmul.f32 v56, v32;
	[tilespmem:s0+$0xFFFFFFB0] =	vst v48;
	v32 =	vadd.f32 v38, v15  }
0x1dd: {  	v48 =	vperm.xlane v50, v0;
	v49 =	vadd.f32 v52, v49;
	v38 =	vmul.f32 $7.812500000e-03, v51  }
0x1de: {  	v51 =	vperm.xlane v53, v1;
	v55 =	vmul.f32 v54, v25;
	[tilespmem:s0+$0xFFFFFFC0] =	vst v32;
	v25 =	vadd.f32 v37, v16  }
0x1df: {  	v50 =	vadd.f32 v50, v48;
	v32 =	vmul.f32 $7.812500000e-03, v49;
	v37 =	vmul.f32 v38, v38  }
0x1e0: {  	v48 =	vmul.f32 v54, v24;
	v34 =	vsub.f32 v34, v38;
	v51 =	vadd.f32 v53, v51;
	[tilespmem:s0+$0xFFFFFFD0] =	vst v25  }
0x1e1: {  	v24 =	vperm.xlane v50, v1;
	v25 =	vsub.f32 v32, v37;
	v37 =	vsub.f32 v35, v38  }
0x1e2: {  	v35 =	vsub.f32 v39, v38;
	v32 =	vsub.f32 v44, v38;
	v52 =	vperm.xlane v51, v2  }
0x1e3: {  	v49 =	vmul.f32 v54, v23;
	v24 =	vadd.f32 v50, v24;
	v25 =	vadd.f32 $9.999999960e-13, v25  }
0x1e4: {  	v36 =	vsub.f32 v36, v38;
	v44 =	vmul.f32 v54, v22;
	v23 =	vadd.f32 v51, v52  }
0x1e5: {  	v22 =	vperm.xlane v24, v2;
	v39 =	vshrl.u32 v25, $0x1;
	v52 =	vmul.f32 $5.000000000e-01, v25  }
0x1e6: {  	v25 =	vperm.xlane v23, v3;
	v56 =	vsub.s32 $0x5F3759DF, v39;
	v39 =	vsub.f32 v33, v38  }
0x1e7: {  	v22 =	vadd.f32 v24, v22;
	v33 =	vsub.f32 v43, v38;
	v24 =	vmul.f32 v56, v52  }
0x1e8: {  	v50 =	vmul.f32 v54, v21;
	v43 =	vmul.f32 v54, v28;
	v23 =	vadd.f32 v25, v23  }
0x1e9: {  	v21 =	vperm.xlane v22, v3;
	v25 =	vadd.f32 v40, v17;
	v24 =	vmul.f32 v56, v24  }
.Ltmp1:
0x1ea: {  	v51 =	vmul.f32 v54, v27;
	v53 =	vmul.f32 $7.812500000e-03, v23;
	v23 =	vadd.f32 v41, v18;
	(pc) =	sbr.rel @p0 .LBB2_4-.Ltmp1, $4  }
0x1eb: {  	v21 =	vadd.f32 v21, v22;
	v41 =	vmul.f32 v54, v26;
	v22 =	vsub.f32 $1.500000000e+00, v24;
	[tilespmem:s0+$0xFFFFFFE0] =	vst v25  }
0x1ec: {  	v26 =	vmul.f32 v53, v53;
	v25 =	vsub.f32 v59, v53;
	v24 =	vsub.f32 v42, v53;
	[tilespmem:s0+$0xFFFFFFF0] =	vst v23  }
0x1ed: {  	v27 =	vmul.f32 $7.812500000e-03, v21;
	v23 =	vsub.f32 v45, v53;
	v40 =	vmul.f32 v56, v22  }
0x1ee: {  	s14 =	sadd.s32 $0x100, s14;
	v21 =	vsub.f32 v47, v53;
	v42 =	vmul.f32 v55, v4;
	v22 =	vsub.f32 v46, v53  }
0x1ef: {  	v26 =	vsub.f32 v27, v26;
	_ =	sdelay $0x1  }
0x1f0: {  	v26 =	vadd.f32 $9.999999960e-13, v26;
	_ =	sdelay $0x1  }
0x1f1: {  	v56 =	vmul.f32 v40, v52;
	v28 =	vshrl.u32 v26, $0x1;
	v26 =	vmul.f32 $5.000000000e-01, v26  }
0x1f2: {  	v28 =	vsub.s32 $0x5F3759DF, v28  }
0x1f3: {  	v29 =	vsub.f32 v29, v53;
	v27 =	vmul.f32 v56, v40;
	v45 =	vmul.f32 v28, v26  }
0x1f4: {  	v30 =	vsub.f32 v30, v53;
	v31 =	vsub.f32 v31, v53;
	v46 =	vmul.f32 v48, v5  }
0x1f5: {  	v47 =	vmul.f32 v49, v6;
	v27 =	vsub.f32 $1.500000000e+00, v27;
	v45 =	vmul.f32 v28, v45  }
0x1f6: {  	v44 =	vmul.f32 v44, v7;
	v57 =	vmul.f32 v50, v8;
	v20 =	vsub.f32 v20, v38  }
0x1f7: {  	v42 =	vadd.f32 v42, v12;
	v27 =	vmul.f32 v27, v40;
	v58 =	vsub.f32 $1.500000000e+00, v45  }
0x1f8: {  	v59 =	vmul.f32 v43, v9;
	v60 =	vmul.f32 v51, v10;
	v61 =	vadd.f32 v46, v13  }
0x1f9: {  	v62 =	vadd.f32 v47, v14;
	[tilespmem:s0+$0xFFFFFF10] =	vst v42;
	v20 =	vmul.f32 v27, v20;
	v28 =	vmul.f32 v28, v58  }
0x1fa: {  	v63 =	vmul.f32 v41, v11;
	v49 =	vadd.f32 v44, v15;
	[tilespmem:s0+$0xFFFFFF20] =	vst v61;
	v34 =	vmul.f32 v27, v34  }
0x1fb: {  	v50 =	vadd.f32 v57, v16;
	[tilespmem:s0+$0xFFFFFF30] =	vst v62;
	v20 =	vmul.f32 v20, v11;
	v26 =	vmul.f32 v28, v26  }
0x1fc: {  	v51 =	vadd.f32 v60, v18;
	[tilespmem:s0+$0xFFFFFF40] =	vst v49;
	v37 =	vmul.f32 v27, v37;
	v35 =	vmul.f32 v27, v35  }
0x1fd: {  	[tilespmem:s0+$0xFFFFFF50] =	vst v50;
	v32 =	vmul.f32 v27, v32;
	v20 =	vadd.f32 v20, v19;
	v26 =	vmul.f32 v26, v28  }
0x1fe: {  	[tilespmem:s0+$0xFFFFFF70] =	vst v51;
	v40 =	vadd.f32 v59, v17;
	v36 =	vmul.f32 v27, v36;
	v34 =	vmul.f32 v34, v4  }
0x1ff: {  	v37 =	vmul.f32 v37, v5;
	[tilespmem:s3+$0x0] =	vst v20;
	v20 =	vadd.f32 v63, v19;
	v26 =	vsub.f32 $1.500000000e+00, v26  }
0x200: {  	[tilespmem:s0+$0xFFFFFF60] =	vst v40;
	v52 =	vmul.f32 v27, v39;
	v35 =	vmul.f32 v35, v6;
	v34 =	vadd.f32 v34, v12  }
0x201: {  	v32 =	vmul.f32 v32, v7;
	v37 =	vadd.f32 v37, v13;
	[tilespmem:s0+$0xFFFFFF80] =	vst v20;
	v20 =	vmul.f32 v26, v28  }
0x202: {  	v53 =	vmul.f32 v27, v33;
	v54 =	vmul.f32 v36, v8;
	v55 =	vadd.f32 v35, v14;
	[tilespmem:s3+$0xFFFFFF90] =	vst v34  }
0x203: {  	v56 =	vmul.f32 v52, v9;
	v32 =	vadd.f32 v32, v15;
	[tilespmem:s3+$0xFFFFFFA0] =	vst v37;
	v25 =	vmul.f32 v20, v25  }
0x204: {  	v27 =	vadd.f32 v54, v16;
	[tilespmem:s3+$0xFFFFFFB0] =	vst v55;
	v26 =	vmul.f32 v53, v10;
	v24 =	vmul.f32 v20, v24  }
0x205: {  	v57 =	vadd.f32 v56, v17;
	[tilespmem:s3+$0xFFFFFFC0] =	vst v32;
	v23 =	vmul.f32 v20, v23;
	v25 =	vmul.f32 v25, v4  }
0x206: {  	[tilespmem:s3+$0xFFFFFFD0] =	vst v27;
	v22 =	vmul.f32 v20, v22;
	v26 =	vadd.f32 v26, v18;
	v24 =	vmul.f32 v24, v5  }
0x207: {  	[tilespmem:s3+$0xFFFFFFE0] =	vst v57;
	v21 =	vmul.f32 v20, v21;
	v23 =	vmul.f32 v23, v6;
	v25 =	vadd.f32 v25, v12  }
0x208: {  	v58 =	vmul.f32 v20, v29;
	[tilespmem:s3+$0xFFFFFFF0] =	vst v26;
	v22 =	vmul.f32 v22, v7;
	v24 =	vadd.f32 v24, v13  }
0x209: {  	v59 =	vmul.f32 v20, v30;
	v21 =	vmul.f32 v21, v8;
	v23 =	vadd.f32 v23, v14;
	[tilespmem:s3+$0xFFFFFF10] =	vst v25  }
0x20a: {  	v20 =	vmul.f32 v20, v31;
	v60 =	vmul.f32 v58, v9;
	v22 =	vadd.f32 v22, v15;
	[tilespmem:s3+$0xFFFFFF20] =	vst v24  }
0x20b: {  	v61 =	vmul.f32 v59, v10;
	v21 =	vadd.f32 v21, v16;
	[tilespmem:s3+$0xFFFFFF30] =	vst v23  }
0x20c: {  	v20 =	vmul.f32 v20, v11;
	v62 =	vadd.f32 v60, v17;
	[tilespmem:s3+$0xFFFFFF40] =	vst v22  }
0x20d: {  	v63 =	vadd.f32 v61, v18;
	[tilespmem:s3+$0xFFFFFF50] =	vst v21  }
0x20e: {  	v20 =	vadd.f32 v20, v19;
	[tilespmem:s3+$0xFFFFFF60] =	vst v62  }
0x20f: {  	s29 =	simm.s32 $0x1;
	s30 =	simm.s32 $0xA8F0;
	[tilespmem:s3+$0xFFFFFF70] =	vst v63  }
0x210: {  	s31 =	simm.s32 $0x40;
	s5 =	simm.s32 $0xB8F0;
	s0 =	simm.s32 $0x60;
	[tilespmem:s3+$0xFFFFFF80] =	vst v20  }
0x211: {  	[hbm4b:s11+s7] =	stream.linear.scatter [tilespmem:s21], [sflag:$0x4], $0x1000, $0x38;
	[tilespmem:$0xF900] =	vst v63  }
.LBB2_6:
0x212: {  	s4 =	smulhi.u32 $0x51EB851F, s31;
	_ =	swait.ge [sflag:s26], $0x1000;
	s3 =	sshllo.u32 s29, $0x1  }
0x213: {  	[sflag:s26] =	ssyncset.done $0x0;
	s14 =	sshll.u32 s3, $0x7  }
0x214: {  	s4 =	sshrl.u32 s4, $0x6;
	[sflag:s26] =	ssyncadd.s32 $0xFFFFF000;
	s14 =	sand.u32 $0x3FFFFF80, s14  }
0x215: {  	[tilespmem:s21], [sflag:$0x2] =	stream.indirect.gather [hbm4b:s1+s18], $0x80, s14, s18, $0xb8;
	[tilespmem:$0xF900] =	vst v63  }
0x216: {  	s4 =	smul.u32 $0xFFFE7000, s4;
	_ =	swait.ge [sflag:s22], $0x1000  }
0x217: {  	[sflag:s22] =	ssyncset.done $0x0  }
0x218: {  	s20 =	sshra.s32 s4, $0x2;
	s4 =	simm.s32 $0x6880;
	[sflag:s22] =	ssyncadd.s32 $0xFFFFF000  }
0x219: {  	s15 =	sadd.s32 s20, s30;
	v20 =	vld [tilespmem:s4+$0x0]  }
0x21a: {  	v21 =	vld [tilespmem:s15+$0xFFFFFF90]  }
0x21b: {  	v22 =	vld [tilespmem:s4+$0x10]  }
0x21c: {  	v23 =	vld [tilespmem:s15+$0xFFFFFFA0]  }
0x21d: {  	v24 =	vld [tilespmem:s4+$0x20]  }
0x21e: {  	v25 =	vld [tilespmem:s15+$0xFFFFFFB0]  }
0x21f: {  	v27 =	vld [tilespmem:s4+$0x30]  }
0x220: {  	v28 =	vld [tilespmem:s15+$0xFFFFFFC0]  }
0x221: {  	v29 =	vld [tilespmem:s4+$0x40]  }
0x222: {  	v30 =	vld [tilespmem:s15+$0xFFFFFFD0]  }
0x223: {  	v31 =	vld [tilespmem:s4+$0x50]  }
0x224: {  	v32 =	vld [tilespmem:s15+$0xFFFFFFE0]  }
0x225: {  	v33 =	vld [tilespmem:s4+$0x60]  }
0x226: {  	v34 =	vld [tilespmem:s15+$0xFFFFFFF0]  }
0x227: {  	v35 =	vld [tilespmem:s4+$0x70]  }
0x228: {  	v36 =	vld [tilespmem:s15+$0x0]  }
0x229: {  	v49 =	vld [tilespmem:s4+$0xFFFFFFB0]  }
0x22a: {  	v40 =	vld [tilespmem:s15+$0xFFFFFF40]  }
0x22b: {  	v54 =	vld [tilespmem:s4+$0xFFFFFFD0]  }
0x22c: {  	v56 =	vld [tilespmem:s15+$0xFFFFFF60]  }
0x22d: {  	v38 =	vadd.f32 v21, v20;
	v26 =	vadd.f32 v23, v22  }
0x22e: {  	v37 =	vld [tilespmem:s15+$0xFFFFFF10];
	v24 =	vadd.f32 v25, v24;
	v25 =	vadd.f32 v28, v27  }
0x22f: {  	v39 =	vld [tilespmem:s4+$0xFFFFFF90];
	v23 =	vadd.f32 v30, v29;
	v22 =	vadd.f32 v32, v31  }
0x230: {  	v62 =	vld [tilespmem:s4+$0xFFFFFF80];
	v21 =	vadd.f32 v34, v33;
	v20 =	vadd.f32 v36, v35  }
0x231: {  	v44 =	vld [tilespmem:s4+$0xFFFFFFC0];
	v33 =	vadd.f32 v40, v49;
	v36 =	vadd.f32 v56, v54  }
0x232: {  	v47 =	vld [tilespmem:s15+$0xFFFFFF50];
	v30 =	vadd.f32 v26, v38;
	v31 =	vadd.f32 v25, v24;
	v48 =	vmul.f32 v38, v38  }
0x233: {  	v27 =	vld [tilespmem:s15+$0xFFFFFF20];
	v50 =	vadd.f32 v22, v23;
	v51 =	vmul.f32 v26, v26;
	v52 =	vmul.f32 v24, v24  }
0x234: {  	v28 =	vld [tilespmem:s4+$0xFFFFFFA0];
	v41 =	vadd.f32 v20, v21;
	v42 =	vmul.f32 v25, v25;
	v43 =	vmul.f32 v23, v23  }
0x235: {  	v29 =	vld [tilespmem:s15+$0xFFFFFF30];
	v37 =	vadd.f32 v37, v62;
	v45 =	vmul.f32 v22, v22;
	v46 =	vmul.f32 v21, v21  }
0x236: {  	v53 =	vmul.f32 v20, v20;
	v30 =	vadd.f32 v31, v30;
	v31 =	vadd.f32 v41, v50  }
0x237: {  	v32 =	vadd.f32 v51, v48;
	v55 =	vadd.f32 v42, v52  }
0x238: {  	v58 =	vld [tilespmem:s4+$0xFFFFFFE0];
	v57 =	vadd.f32 v45, v43;
	v34 =	vadd.f32 v53, v46  }
0x239: {  	v59 =	vld [tilespmem:s15+$0xFFFFFF80];
	v42 =	vadd.f32 v47, v44;
	v27 =	vadd.f32 v27, v39  }
0x23a: {  	v62 =	vmul.f32 v37, v37;
	v28 =	vadd.f32 v29, v28;
	v29 =	vld [tilespmem:s4+$0xFFFFFFF0];
	v30 =	vadd.f32 v31, v30  }
0x23b: {  	v51 =	vmul.f32 v33, v33;
	v31 =	vld [tilespmem:s15+$0xFFFFFF70];
	v32 =	vadd.f32 v55, v32;
	v34 =	vadd.f32 v34, v57  }
0x23c: {  	v52 =	vmul.f32 v42, v42;
	v53 =	vadd.f32 v36, v42;
	v55 =	vmul.f32 v36, v36  }
0x23d: {  	v35 =	vmul.f32 v27, v27;
	v61 =	vmul.f32 v28, v28;
	v63 =	vadd.f32 v33, v28  }
0x23e: {  	v32 =	vadd.f32 v34, v32;
	v57 =	vadd.f32 v55, v52  }
0x23f: {  	v60 =	vperm.xlane v30, v0;
	v43 =	vadd.f32 v51, v61;
	v35 =	vadd.f32 v35, v62  }
0x240: {  	v29 =	vadd.f32 v59, v29;
	v31 =	vadd.f32 v31, v58  }
0x241: {  	v30 =	vadd.f32 v30, v60;
	v50 =	vperm.xlane v32, v0;
	v60 =	vadd.f32 v27, v37  }
0x242: {  	v48 =	vmul.f32 v29, v29;
	v58 =	vmul.f32 v31, v31;
	v59 =	vadd.f32 v29, v31  }
0x243: {  	v32 =	vadd.f32 v32, v50;
	v54 =	vperm.xlane v30, v1;
	v41 =	vadd.f32 v63, v60  }
0x244: {  	v39 =	vadd.f32 v59, v53;
	v44 =	vadd.f32 v48, v58  }
0x245: {  	v35 =	vadd.f32 v43, v35;
	v30 =	vadd.f32 v30, v54;
	v56 =	vperm.xlane v32, v1  }
0x246: {  	v39 =	vadd.f32 v39, v41;
	v40 =	vadd.f32 v44, v57  }
0x247: {  	v32 =	vadd.f32 v32, v56;
	v61 =	vperm.xlane v30, v2  }
0x248: {  	v41 =	vperm.xlane v39, v0;
	v35 =	vadd.f32 v40, v35  }
0x249: {  	v30 =	vadd.f32 v30, v61;
	v63 =	vperm.xlane v32, v2  }
0x24a: {  	v49 =	vadd.f32 v39, v41;
	v50 =	vperm.xlane v35, v0  }
0x24b: {  	v32 =	vadd.f32 v32, v63;
	v47 =	vperm.xlane v30, v3  }
0x24c: {  	v41 =	vperm.xlane v49, v1;
	v35 =	vadd.f32 v35, v50  }
0x24d: {  	v30 =	vadd.f32 v47, v30;
	v48 =	vperm.xlane v32, v3  }
0x24e: {  	v34 =	vadd.f32 v49, v41;
	v39 =	vperm.xlane v35, v1  }
0x24f: {  	v32 =	vadd.f32 v48, v32;
	v30 =	vmul.f32 $7.812500000e-03, v30  }
0x250: {  	v52 =	vperm.xlane v34, v2;
	v35 =	vadd.f32 v35, v39  }
0x251: {  	v32 =	vmul.f32 $7.812500000e-03, v32;
	v51 =	vmul.f32 v30, v30  }
0x252: {  	v34 =	vadd.f32 v34, v52;
	v54 =	vperm.xlane v35, v2  }
0x253: {  	v32 =	vsub.f32 v32, v51  }
0x254: {  	v56 =	vperm.xlane v34, v3;
	v35 =	vadd.f32 v35, v54  }
0x255: {  	v32 =	vadd.f32 $9.999999960e-13, v32  }
0x256: {  	v34 =	vadd.f32 v56, v34;
	v58 =	vperm.xlane v35, v3  }
0x257: {  	v53 =	vshrl.u32 v32, $0x1;
	v32 =	vmul.f32 $5.000000000e-01, v32  }
0x258: {  	s16 =	sadd.s32 $0x100, s15;
	v39 =	vsub.s32 $0x5F3759DF, v53;
	v34 =	vmul.f32 $7.812500000e-03, v34;
	v35 =	vadd.f32 v58, v35  }
0x259: {  	s14 =	simm.s32 $0x6980;
	v45 =	vld [tilespmem:s16+$0xFFFFFFA0];
	v55 =	vmul.f32 v39, v32  }
0x25a: {  	v46 =	vld [tilespmem:s14+$0x20];
	v59 =	vmul.f32 v34, v34;
	v35 =	vmul.f32 $7.812500000e-03, v35  }
0x25b: {  	v62 =	vld [tilespmem:s16+$0xFFFFFFF0];
	v38 =	vsub.f32 v38, v30  }
0x25c: {  	v43 =	vld [tilespmem:s14+$0x0];
	v60 =	vsub.f32 v26, v30;
	v57 =	vmul.f32 v39, v55;
	v26 =	vsub.f32 v35, v59  }
0x25d: {  	v61 =	vld [tilespmem:s14+$0x60];
	v44 =	vsub.f32 v24, v30;
	v50 =	vsub.f32 v23, v30  }
0x25e: {  	v41 =	vld [tilespmem:s16+$0xFFFFFF90];
	v40 =	vsub.f32 $1.500000000e+00, v57;
	v23 =	vadd.f32 $9.999999960e-13, v26  }
0x25f: {  	v49 =	vld [tilespmem:s14+$0x30];
	v48 =	vsub.f32 v25, v30;
	v54 =	vsub.f32 v21, v30  }
0x260: {  	v51 =	vld [tilespmem:s16+$0xFFFFFFC0];
	v39 =	vmul.f32 v39, v40;
	v21 =	vshrl.u32 v23, $0x1;
	v55 =	vmul.f32 $5.000000000e-01, v23  }
0x261: {  	v20 =	vsub.f32 v20, v30;
	v52 =	vsub.f32 v22, v30;
	v30 =	vld [tilespmem:s14+$0x50];
	v57 =	vsub.s32 $0x5F3759DF, v21  }
0x262: {  	v40 =	vld [tilespmem:s14+$0x10];
	v32 =	vmul.f32 v39, v32;
	v21 =	vmul.f32 v57, v55  }
0x263: {  	v41 =	vadd.f32 v41, v43;
	v53 =	vld [tilespmem:s14+$0x40];
	v26 =	vsub.f32 v28, v34  }
0x264: {  	v56 =	vld [tilespmem:s16+$0xFFFFFFD0];
	v24 =	vmul.f32 v32, v39;
	v28 =	vmul.f32 v57, v21;
	v21 =	vsub.f32 v31, v34  }
0x265: {  	v27 =	vsub.f32 v27, v34;
	v35 =	vld [tilespmem:s16+$0xFFFFFFB0];
	v32 =	vsub.f32 v37, v34  }
0x266: {  	v37 =	vld [tilespmem:s16+$0xFFFFFFE0];
	v22 =	vsub.f32 $1.500000000e+00, v24;
	[tilespmem:$0x1FFC0] =	vst v21;
	v21 =	vsub.f32 v29, v34  }
0x267: {  	v25 =	vsub.f32 v33, v34;
	v43 =	vadd.f32 v45, v40  }
0x268: {  	v33 =	vadd.f32 v62, v61;
	v45 =	vadd.f32 v51, v49;
	v58 =	vmul.f32 v22, v39;
	[tilespmem:$0x1FFD0] =	vst v21  }
0x269: {  	v23 =	vsub.f32 v42, v34;
	v51 =	vadd.f32 v56, v53;
	v56 =	vmul.f32 v43, v43;
	v29 =	vld [tilespmem:s14+$0x70]  }
0x26a: {  	v24 =	vsub.f32 v36, v34;
	v61 =	vmul.f32 v45, v45;
	v34 =	vmul.f32 v58, v60;
	v60 =	vld [tilespmem:s16+$0x0]  }
0x26b: {  	v35 =	vadd.f32 v35, v46;
	v62 =	vmul.f32 v51, v51;
	v47 =	vmul.f32 v58, v48;
	v48 =	vld [tilespmem:s16+$0xFFFFFF10]  }
0x26c: {  	v63 =	vsub.f32 $1.500000000e+00, v28;
	v20 =	vmul.f32 v58, v20;
	v31 =	vmul.f32 v58, v38;
	v59 =	vld [tilespmem:s14+$0xFFFFFF90]  }
0x26d: {  	v44 =	vmul.f32 v58, v44;
	v50 =	vmul.f32 v58, v50;
	v40 =	vld [tilespmem:s16+$0xFFFFFF20]  }
0x26e: {  	v42 =	vadd.f32 v45, v35;
	v46 =	vmul.f32 v58, v52;
	v38 =	vmul.f32 v57, v63;
	v49 =	vld [tilespmem:s14+$0xFFFFFFA0]  }
0x26f: {  	v39 =	vadd.f32 v37, v30;
	v57 =	vmul.f32 v35, v35;
	v30 =	vmul.f32 v31, v4;
	v31 =	vld [tilespmem:s16+$0xFFFFFF30]  }
0x270: {  	v37 =	vadd.f32 v43, v41;
	v36 =	vmul.f32 v58, v54;
	v20 =	vmul.f32 v20, v11;
	v53 =	vld [tilespmem:s16+$0xFFFFFF40]  }
0x271: {  	v52 =	vmul.f32 v41, v41;
	v54 =	vadd.f32 v39, v51;
	v58 =	vld [tilespmem:s14+$0xFFFFFFC0];
	v57 =	vadd.f32 v61, v57  }
0x272: {  	v63 =	vmul.f32 v39, v39;
	v61 =	vld [tilespmem:s16+$0xFFFFFF60];
	v28 =	vadd.f32 v20, v19;
	v20 =	vadd.f32 v60, v29  }
0x273: {  	v37 =	vadd.f32 v42, v37;
	v42 =	vmul.f32 v33, v33;
	v52 =	vadd.f32 v56, v52;
	v29 =	vld [tilespmem:s14+$0xFFFFFFB0]  }
0x274: {  	v40 =	vadd.f32 v40, v59;
	v59 =	vld [tilespmem:s16+$0xFFFFFF50];
	v60 =	vadd.f32 v20, v33;
	v56 =	vmul.f32 v20, v20  }
0x275: {  	v22 =	vadd.f32 v30, v12;
	v30 =	vadd.f32 v63, v62;
	v62 =	vld [tilespmem:s14+$0xFFFFFFE0]  }
0x276: {  	v54 =	vadd.f32 v60, v54;
	v60 =	vld [tilespmem:s14+$0xFFFFFFD0];
	v42 =	vadd.f32 v56, v42  }
0x277: {  	v52 =	vadd.f32 v57, v52;
	v56 =	vadd.f32 v31, v49;
	v31 =	vld [tilespmem:s16+$0xFFFFFF70]  }
0x278: {  	v49 =	vld [tilespmem:s14+$0xFFFFFFF0];
	v37 =	vadd.f32 v54, v37;
	v30 =	vadd.f32 v42, v30  }
0x279: {  	v42 =	vadd.f32 v53, v29;
	v53 =	vld [tilespmem:s16+$0xFFFFFF80];
	v54 =	vadd.f32 v59, v58  }
0x27a: {  	v55 =	vmul.f32 v38, v55;
	v57 =	vmul.f32 v56, v56;
	v58 =	vld [tilespmem:s14+$0xFFFFFF80]  }
0x27b: {  	v52 =	vadd.f32 v30, v52;
	v59 =	vperm.xlane v37, v0;
	v63 =	vmul.f32 v54, v54  }
0x27c: {  	v29 =	vadd.f32 v61, v60;
	v60 =	vadd.f32 v42, v56;
	v61 =	vmul.f32 v42, v42  }
0x27d: {  	v30 =	vadd.f32 v31, v62;
	v37 =	vadd.f32 v37, v59;
	v59 =	vperm.xlane v52, v0  }
0x27e: {  	v62 =	vadd.f32 v29, v54;
	v57 =	vadd.f32 v61, v57;
	v61 =	vmul.f32 v29, v29  }
0x27f: {  	v31 =	vadd.f32 v53, v49;
	v48 =	vadd.f32 v48, v58;
	v53 =	vmul.f32 v55, v38  }
0x280: {  	v49 =	vadd.f32 v52, v59;
	v52 =	vperm.xlane v37, v1;
	v55 =	vadd.f32 v61, v63  }
0x281: {  	v34 =	vmul.f32 v34, v5;
	v58 =	vadd.f32 v31, v30;
	v59 =	vadd.f32 v40, v48  }
0x282: {  	v61 =	vmul.f32 v40, v40;
	v37 =	vadd.f32 v37, v52;
	v52 =	vperm.xlane v49, v1  }
0x283: {  	v58 =	vadd.f32 v58, v62;
	v62 =	vmul.f32 v48, v48;
	v59 =	vadd.f32 v60, v59  }
0x284: {  	v60 =	vmul.f32 v31, v31;
	v49 =	vadd.f32 v49, v52;
	v52 =	vmul.f32 v30, v30  }
0x285: {  	v21 =	vmul.f32 v46, v9;
	v61 =	vadd.f32 v61, v62;
	v62 =	vperm.xlane v37, v2  }
0x286: {  	v46 =	vadd.f32 v60, v52;
	v60 =	vmul.f32 v36, v10;
	v36 =	vadd.f32 v58, v59  }
0x287: {  	v63 =	vadd.f32 v34, v13;
	v34 =	vmul.f32 v50, v8;
	v50 =	vperm.xlane v49, v2  }
0x288: {  	v37 =	vadd.f32 v37, v62;
	v62 =	vperm.xlane v36, v0  }
0x289: {  	v44 =	vmul.f32 v44, v6;
	v49 =	vadd.f32 v49, v50  }
0x28a: {  	v52 =	vadd.f32 v57, v61;
	v61 =	vperm.xlane v37, v3;
	v36 =	vadd.f32 v36, v62  }
0x28b: {  	v53 =	vsub.f32 $1.500000000e+00, v53;
	v46 =	vadd.f32 v46, v55;
	v59 =	vperm.xlane v49, v3  }
0x28c: {  	v57 =	vadd.f32 v44, v14;
	v37 =	vadd.f32 v61, v37;
	v62 =	vperm.xlane v36, v1  }
0x28d: {  	v44 =	vadd.f32 v46, v52;
	v46 =	vadd.f32 v59, v49  }
0x28e: {  	v55 =	vmul.f32 v53, v38;
	v38 =	vmul.f32 $7.812500000e-03, v37;
	v36 =	vadd.f32 v36, v62  }
0x28f: {  	v61 =	vperm.xlane v44, v0;
	v52 =	vmul.f32 $7.812500000e-03, v46  }
0x290: {  	v53 =	vmul.f32 v38, v38;
	v62 =	vperm.xlane v36, v2  }
0x291: {  	v44 =	vadd.f32 v44, v61  }
0x292: {  	v49 =	vmul.f32 v55, v26;
	v61 =	vsub.f32 v52, v53;
	v26 =	vadd.f32 v36, v62  }
0x293: {  	v59 =	vadd.f32 v34, v16;
	v46 =	vmul.f32 v55, v27;
	v27 =	vperm.xlane v44, v1  }
0x294: {  	[tilespmem:s4+$0x70] =	vst v28;
	v34 =	vsub.f32 v41, v38;
	v41 =	vadd.f32 $9.999999960e-13, v61;
	v61 =	vperm.xlane v26, v3  }
0x295: {  	[tilespmem:s4+$0x0] =	vst v22;
	v27 =	vadd.f32 v44, v27  }
0x296: {  	v47 =	vmul.f32 v47, v7;
	[tilespmem:s4+$0x10] =	vst v63;
	v44 =	vmul.f32 v55, v25;
	v22 =	vadd.f32 v61, v26  }
0x297: {  	[tilespmem:s4+$0x20] =	vst v57;
	v25 =	vperm.xlane v27, v2;
	v50 =	vshrl.u32 v41, $0x1;
	v52 =	vmul.f32 $5.000000000e-01, v41  }
0x298: {  	v62 =	vsub.s32 $0x5F3759DF, v50;
	v53 =	vmul.f32 $7.812500000e-03, v22;
	v22 =	vld [tilespmem:$0x1FFC0]  }
0x299: {  	v47 =	vadd.f32 v47, v15;
	v25 =	vadd.f32 v27, v25;
	v27 =	vmul.f32 v62, v52  }
0x29a: {  	v37 =	vsub.f32 v43, v38;
	v43 =	vmul.f32 v55, v24;
	v50 =	vmul.f32 v55, v23  }
0x29b: {  	v23 =	vperm.xlane v25, v3;
	v24 =	vmul.f32 v62, v27  }
0x29c: {  	v36 =	vsub.f32 v51, v38;
	[tilespmem:s4+$0x30] =	vst v47  }
0x29d: {  	s24 =	smulhi.u32 $0x51EB851F, s0;
	v51 =	vmul.f32 v55, v22;
	v22 =	vadd.f32 v23, v25;
	v23 =	vsub.f32 $1.500000000e+00, v24;
	v24 =	vld [tilespmem:$0x1FFD0]  }
0x29e: {  	v21 =	vadd.f32 v21, v17;
	v28 =	vadd.f32 v60, v18  }
0x29f: {  	s15 =	sshrl.u32 s24, $0x6;
	v58 =	vmul.f32 v55, v32;
	v35 =	vsub.f32 v35, v38;
	v32 =	vsub.f32 v45, v38  }
0x2a0: {  	s15 =	smul.u32 $0xFFFE7000, s15;
	v39 =	vsub.f32 v39, v38;
	v33 =	vsub.f32 v33, v38;
	v26 =	vmul.f32 v53, v53  }
0x2a1: {  	v25 =	vsub.f32 v48, v53;
	[tilespmem:s4+$0x50] =	vst v21;
	v21 =	vsub.f32 v54, v53;
	v27 =	vmul.f32 $7.812500000e-03, v22  }
0x2a2: {  	s17 =	sshll.u32 s29, $0x6;
	s15 =	sshra.s32 s15, $0x2;
	[tilespmem:s4+$0x40] =	vst v59;
	v41 =	vmul.f32 v55, v24;
	v24 =	vsub.f32 v40, v53;
	v40 =	vmul.f32 v62, v23  }
0x2a3: {  	s20 =	simm.s32 $0x2;
	s24 =	simm.s32 $0x6A80;
	s15 =	sadd.s32 s15, s5;
	[tilespmem:s4+$0x60] =	vst v28;
	v22 =	vsub.f32 v56, v53;
	v23 =	vsub.f32 v42, v53;
	v42 =	vmul.f32 v58, v4  }
.LBB2_7:
0x2a4: {  	v45 =	vld [tilespmem:s24+$0x0];
	v47 =	vsub.f32 v27, v26;
	v28 =	vsub.f32 v29, v53;
	v29 =	vmul.f32 v40, v52;
	s16 =	sadd.s32 $0x100, s16  }
0x2a5: {  	v27 =	vsub.f32 v30, v53;
	v26 =	vsub.f32 v31, v53;
	v30 =	vmul.f32 v46, v5;
	v48 =	vld [tilespmem:s16+$0xFFFFFF90]  }
0x2a6: {  	v31 =	vld [tilespmem:s24+$0x10];
	v46 =	vadd.f32 $9.999999960e-13, v47;
	v29 =	vmul.f32 v29, v40;
	v47 =	vmul.f32 v49, v6  }
0x2a7: {  	v44 =	vmul.f32 v44, v7;
	v50 =	vmul.f32 v50, v8;
	v42 =	vadd.f32 v42, v12;
	v49 =	vld [tilespmem:s16+$0xFFFFFFA0]  }
0x2a8: {  	v52 =	vld [tilespmem:s24+$0x20];
	v53 =	vshrl.u32 v46, $0x1;
	v46 =	vmul.f32 $5.000000000e-01, v46;
	v29 =	vsub.f32 $1.500000000e+00, v29  }
0x2a9: {  	v54 =	vld [tilespmem:s16+$0xFFFFFFB0];
	v53 =	vsub.s32 $0x5F3759DF, v53;
	[tilespmem:s4+$0xFFFFFF80] =	vst v42;
	v42 =	vmul.f32 v43, v9;
	v43 =	vmul.f32 v51, v10  }
0x2aa: {  	v20 =	vsub.f32 v20, v38;
	v51 =	vld [tilespmem:s24+$0x30];
	v55 =	vmul.f32 v53, v46;
	v29 =	vmul.f32 v29, v40  }
0x2ab: {  	v30 =	vadd.f32 v30, v13;
	v38 =	vadd.f32 v47, v14;
	v40 =	vmul.f32 v41, v11;
	v56 =	vld [tilespmem:s16+$0xFFFFFFC0]  }
0x2ac: {  	v44 =	vadd.f32 v44, v15;
	v47 =	vld [tilespmem:s24+$0x40];
	v41 =	vmul.f32 v53, v55;
	v20 =	vmul.f32 v29, v20  }
0x2ad: {  	v34 =	vmul.f32 v29, v34;
	v37 =	vmul.f32 v29, v37;
	v55 =	vld [tilespmem:s16+$0xFFFFFFD0];
	[tilespmem:s4+$0xFFFFFF90] =	vst v30;
	v30 =	vadd.f32 v50, v16  }
0x2ae: {  	v35 =	vmul.f32 v29, v35;
	v50 =	vld [tilespmem:s24+$0x50];
	v41 =	vsub.f32 $1.500000000e+00, v41;
	v20 =	vmul.f32 v20, v11;
	[tilespmem:s4+$0xFFFFFFA0] =	vst v38  }
0x2af: {  	v42 =	vadd.f32 v42, v17;
	v36 =	vmul.f32 v29, v36;
	v38 =	vmul.f32 v29, v32;
	v57 =	vld [tilespmem:s16+$0xFFFFFFE0];
	[tilespmem:s4+$0xFFFFFFB0] =	vst v44  }
0x2b0: {  	v39 =	vmul.f32 v29, v39;
	v58 =	vld [tilespmem:s24+$0x60];
	v32 =	vmul.f32 v53, v41;
	v20 =	vadd.f32 v20, v19;
	[tilespmem:s4+$0xFFFFFFC0] =	vst v30  }
0x2b1: {  	v34 =	vmul.f32 v34, v4;
	v29 =	vmul.f32 v29, v33;
	v33 =	vadd.f32 v43, v18;
	v30 =	vld [tilespmem:s16+$0xFFFFFFF0];
	[tilespmem:s4+$0xFFFFFFD0] =	vst v42  }
0x2b2: {  	v37 =	vmul.f32 v37, v5;
	v42 =	vld [tilespmem:s24+$0x70];
	v41 =	vmul.f32 v32, v46;
	[tilespmem:s14+$0x70] =	vst v20;
	v20 =	vadd.f32 v40, v19  }
0x2b3: {  	v38 =	vmul.f32 v38, v7;
	v40 =	vadd.f32 v34, v12;
	v46 =	vmul.f32 v35, v6;
	v53 =	vld [tilespmem:s16+$0x0];
	[tilespmem:s4+$0xFFFFFFE0] =	vst v33  }
0x2b4: {  	v33 =	vadd.f32 v37, v13;
	v37 =	vmul.f32 v36, v8;
	v59 =	vld [tilespmem:s16+$0xFFFFFF10];
	v60 =	vmul.f32 v41, v32;
	[tilespmem:s4+$0xFFFFFFF0] =	vst v20;
	s4 =	smov.u32 s14;
	s14 =	smov.u32 s24  }
0x2b5: {  	v34 =	vadd.f32 v48, v45;
	v35 =	vadd.f32 v49, v31;
	v61 =	vld [tilespmem:s24+$0xFFFFFF90];
	[tilespmem:s4+$0x0] =	vst v40;
	v40 =	vmul.f32 v39, v9  }
0x2b6: {  	s20 =	sadd.s32 $0x2, s20;
	v44 =	vadd.f32 v56, v51;
	v41 =	vmul.f32 v29, v10;
	v39 =	vadd.f32 v54, v52;
	v31 =	vld [tilespmem:s16+$0xFFFFFF20];
	[tilespmem:s4+$0x10] =	vst v33  }
0x2b7: {  	p0 =	slt.u32 s20, $0x1E;
	v36 =	vadd.f32 v55, v47;
	v33 =	vadd.f32 v57, v50;
	v29 =	vld [tilespmem:s24+$0xFFFFFFA0]  }
0x2b8: {  	v43 =	vadd.f32 v30, v58;
	v45 =	vld [tilespmem:s16+$0xFFFFFF30];
	v20 =	vadd.f32 v53, v42  }
0x2b9: {  	v47 =	vadd.f32 v35, v34;
	v49 =	vmul.f32 v34, v34;
	v48 =	vadd.f32 v44, v39;
	v30 =	vld [tilespmem:s24+$0xFFFFFFB0]  }
0x2ba: {  	v52 =	vmul.f32 v35, v35;
	v51 =	vadd.f32 v33, v36;
	v53 =	vmul.f32 v39, v39;
	v50 =	vld [tilespmem:s16+$0xFFFFFF40]  }
0x2bb: {  	v56 =	vmul.f32 v44, v44;
	v57 =	vmul.f32 v36, v36;
	v55 =	vadd.f32 v20, v43;
	v54 =	vld [tilespmem:s24+$0xFFFFFFC0]  }
0x2bc: {  	v58 =	vmul.f32 v33, v33;
	v42 =	vadd.f32 v31, v61;
	v61 =	vmul.f32 v43, v43;
	v31 =	vld [tilespmem:s16+$0xFFFFFF50]  }
0x2bd: {  	v47 =	vadd.f32 v48, v47;
	v48 =	vadd.f32 v55, v51;
	v51 =	vmul.f32 v20, v20;
	v62 =	vld [tilespmem:s24+$0xFFFFFFD0]  }
0x2be: {  	v49 =	vadd.f32 v52, v49;
	v52 =	vadd.f32 v56, v53;
	v63 =	vmul.f32 v42, v42;
	v55 =	vld [tilespmem:s16+$0xFFFFFF60]  }
0x2bf: {  	v56 =	vadd.f32 v58, v57;
	v51 =	vadd.f32 v51, v61;
	v53 =	vld [tilespmem:s24+$0xFFFFFFE0]  }
0x2c0: {  	v45 =	vadd.f32 v45, v29;
	v58 =	vadd.f32 v48, v47;
	v57 =	vld [tilespmem:s16+$0xFFFFFF70]  }
0x2c1: {  	v49 =	vadd.f32 v52, v49;
	v51 =	vadd.f32 v51, v56;
	v61 =	vld [tilespmem:s24+$0xFFFFFFF0]  }
0x2c2: {  	v47 =	vadd.f32 v50, v30;
	v50 =	vmul.f32 v45, v45;
	v48 =	vadd.f32 v31, v54;
	v31 =	vld [tilespmem:s16+$0xFFFFFF80]  }
0x2c3: {  	v49 =	vadd.f32 v51, v49;
	v51 =	vperm.xlane v58, v0;
	v52 =	vld [tilespmem:s24+$0xFFFFFF80];
	v29 =	vadd.f32 v55, v62  }
0x2c4: {  	v54 =	vadd.f32 v47, v45;
	v55 =	vmul.f32 v47, v47;
	v56 =	vmul.f32 v48, v48  }
0x2c5: {  	v51 =	vadd.f32 v58, v51;
	v30 =	vadd.f32 v57, v53;
	v53 =	vperm.xlane v49, v0  }
0x2c6: {  	v57 =	vadd.f32 v29, v48;
	v50 =	vadd.f32 v55, v50;
	v55 =	vmul.f32 v29, v29  }
0x2c7: {  	v31 =	vadd.f32 v31, v61;
	v49 =	vadd.f32 v49, v53;
	v53 =	vperm.xlane v51, v1  }
0x2c8: {  	v58 =	vadd.f32 v59, v52;
	v52 =	vadd.f32 v55, v56;
	v55 =	vmul.f32 v30, v30  }
0x2c9: {  	v56 =	vadd.f32 v31, v30;
	v51 =	vadd.f32 v51, v53;
	v53 =	vperm.xlane v49, v1  }
0x2ca: {  	v62 =	vmul.f32 v31, v31;
	v59 =	vadd.f32 v42, v58;
	v61 =	vmul.f32 v58, v58  }
0x2cb: {  	v56 =	vadd.f32 v56, v57;
	v49 =	vadd.f32 v49, v53;
	v53 =	vperm.xlane v51, v2  }
0x2cc: {  	v54 =	vadd.f32 v54, v59;
	v57 =	vadd.f32 v63, v61  }
0x2cd: {  	v55 =	vadd.f32 v62, v55;
	v51 =	vadd.f32 v51, v53;
	v53 =	vperm.xlane v49, v2  }
0x2ce: {  	v54 =	vadd.f32 v56, v54;
	v50 =	vadd.f32 v50, v57  }
0x2cf: {  	v52 =	vadd.f32 v55, v52;
	v49 =	vadd.f32 v49, v53;
	v53 =	vperm.xlane v51, v3  }
0x2d0: {  	v46 =	vadd.f32 v46, v14;
	v56 =	vsub.f32 $1.500000000e+00, v60;
	v55 =	vperm.xlane v54, v0  }
0x2d1: {  	v50 =	vadd.f32 v52, v50;
	v51 =	vadd.f32 v53, v51;
	v52 =	vperm.xlane v49, v3  }
0x2d2: {  	v53 =	vadd.f32 v54, v55;
	v54 =	vmul.f32 v56, v32;
	[tilespmem:s4+$0x20] =	vst v46;
	v32 =	vadd.f32 v38, v15  }
0x2d3: {  	v46 =	vperm.xlane v50, v0;
	v49 =	vadd.f32 v52, v49;
	v38 =	vmul.f32 $7.812500000e-03, v51  }
0x2d4: {  	v51 =	vperm.xlane v53, v1;
	v55 =	vmul.f32 v54, v25;
	[tilespmem:s4+$0x30] =	vst v32;
	v25 =	vadd.f32 v37, v16  }
0x2d5: {  	v50 =	vadd.f32 v50, v46;
	v32 =	vmul.f32 $7.812500000e-03, v49;
	v37 =	vmul.f32 v38, v38  }
0x2d6: {  	v46 =	vmul.f32 v54, v24;
	v34 =	vsub.f32 v34, v38;
	v51 =	vadd.f32 v53, v51;
	[tilespmem:s4+$0x40] =	vst v25  }
0x2d7: {  	v24 =	vperm.xlane v50, v1;
	v25 =	vsub.f32 v32, v37;
	v37 =	vsub.f32 v35, v38  }
0x2d8: {  	v35 =	vsub.f32 v39, v38;
	v32 =	vsub.f32 v44, v38;
	v52 =	vperm.xlane v51, v2  }
0x2d9: {  	v49 =	vmul.f32 v54, v22;
	v24 =	vadd.f32 v50, v24;
	v25 =	vadd.f32 $9.999999960e-13, v25  }
0x2da: {  	v36 =	vsub.f32 v36, v38;
	v44 =	vmul.f32 v54, v23;
	v22 =	vadd.f32 v51, v52  }
0x2db: {  	v23 =	vperm.xlane v24, v2;
	v39 =	vshrl.u32 v25, $0x1;
	v52 =	vmul.f32 $5.000000000e-01, v25  }
0x2dc: {  	v25 =	vperm.xlane v22, v3;
	v56 =	vsub.s32 $0x5F3759DF, v39;
	v39 =	vsub.f32 v33, v38  }
0x2dd: {  	v23 =	vadd.f32 v24, v23;
	v33 =	vsub.f32 v43, v38;
	v24 =	vmul.f32 v56, v52  }
0x2de: {  	v50 =	vmul.f32 v54, v21;
	v43 =	vmul.f32 v54, v28;
	v22 =	vadd.f32 v25, v22  }
0x2df: {  	v21 =	vperm.xlane v23, v3;
	v25 =	vadd.f32 v40, v17;
	v24 =	vmul.f32 v56, v24  }
.Ltmp2:
0x2e0: {  	v51 =	vmul.f32 v54, v27;
	v53 =	vmul.f32 $7.812500000e-03, v22;
	v22 =	vadd.f32 v41, v18;
	(pc) =	sbr.rel @p0 .LBB2_7-.Ltmp2, $4  }
0x2e1: {  	v21 =	vadd.f32 v21, v23;
	v41 =	vmul.f32 v54, v26;
	v23 =	vsub.f32 $1.500000000e+00, v24;
	[tilespmem:s4+$0x50] =	vst v25  }
0x2e2: {  	v26 =	vmul.f32 v53, v53;
	v25 =	vsub.f32 v58, v53;
	v24 =	vsub.f32 v42, v53;
	[tilespmem:s4+$0x60] =	vst v22  }
0x2e3: {  	v27 =	vmul.f32 $7.812500000e-03, v21;
	v22 =	vsub.f32 v45, v53;
	v40 =	vmul.f32 v56, v23  }
0x2e4: {  	s24 =	sadd.s32 $0x100, s24;
	v21 =	vsub.f32 v48, v53;
	v42 =	vmul.f32 v55, v4;
	v23 =	vsub.f32 v47, v53  }
0x2e5: {  	v26 =	vsub.f32 v27, v26;
	_ =	sdelay $0x1  }
0x2e6: {  	v26 =	vadd.f32 $9.999999960e-13, v26;
	_ =	sdelay $0x1  }
0x2e7: {  	v27 =	vmul.f32 v40, v52;
	v28 =	vshrl.u32 v26, $0x1;
	v26 =	vmul.f32 $5.000000000e-01, v26  }
0x2e8: {  	v28 =	vsub.s32 $0x5F3759DF, v28  }
0x2e9: {  	v29 =	vsub.f32 v29, v53;
	v27 =	vmul.f32 v27, v40;
	v45 =	vmul.f32 v28, v26  }
0x2ea: {  	v30 =	vsub.f32 v30, v53;
	v31 =	vsub.f32 v31, v53;
	v46 =	vmul.f32 v46, v5  }
0x2eb: {  	v47 =	vmul.f32 v49, v6;
	v27 =	vsub.f32 $1.500000000e+00, v27;
	v45 =	vmul.f32 v28, v45  }
0x2ec: {  	v44 =	vmul.f32 v44, v7;
	v48 =	vmul.f32 v50, v8;
	v20 =	vsub.f32 v20, v38  }
0x2ed: {  	v42 =	vadd.f32 v42, v12;
	v27 =	vmul.f32 v27, v40;
	v57 =	vsub.f32 $1.500000000e+00, v45  }
0x2ee: {  	v58 =	vmul.f32 v43, v9;
	v59 =	vmul.f32 v51, v10;
	v60 =	vadd.f32 v46, v13  }
0x2ef: {  	v61 =	vadd.f32 v47, v14;
	[tilespmem:s4+$0xFFFFFF80] =	vst v42;
	v20 =	vmul.f32 v27, v20;
	v28 =	vmul.f32 v28, v57  }
0x2f0: {  	v62 =	vmul.f32 v41, v11;
	v63 =	vadd.f32 v44, v15;
	[tilespmem:s4+$0xFFFFFF90] =	vst v60;
	v34 =	vmul.f32 v27, v34  }
0x2f1: {  	v48 =	vadd.f32 v48, v16;
	[tilespmem:s4+$0xFFFFFFA0] =	vst v61;
	v20 =	vmul.f32 v20, v11;
	v26 =	vmul.f32 v28, v26  }
0x2f2: {  	v49 =	vadd.f32 v59, v18;
	[tilespmem:s4+$0xFFFFFFB0] =	vst v63;
	v37 =	vmul.f32 v27, v37;
	v35 =	vmul.f32 v27, v35  }
0x2f3: {  	[tilespmem:s4+$0xFFFFFFC0] =	vst v48;
	v32 =	vmul.f32 v27, v32;
	v20 =	vadd.f32 v20, v19;
	v26 =	vmul.f32 v26, v28  }
0x2f4: {  	[tilespmem:s4+$0xFFFFFFE0] =	vst v49;
	v40 =	vadd.f32 v58, v17;
	v36 =	vmul.f32 v27, v36;
	v34 =	vmul.f32 v34, v4  }
0x2f5: {  	v37 =	vmul.f32 v37, v5;
	[tilespmem:s14+$0x70] =	vst v20;
	v20 =	vadd.f32 v62, v19;
	v26 =	vsub.f32 $1.500000000e+00, v26  }
0x2f6: {  	[tilespmem:s4+$0xFFFFFFD0] =	vst v40;
	v50 =	vmul.f32 v27, v39;
	v32 =	vmul.f32 v32, v7;
	v34 =	vadd.f32 v34, v12  }
0x2f7: {  	v35 =	vmul.f32 v35, v6;
	v37 =	vadd.f32 v37, v13;
	[tilespmem:s4+$0xFFFFFFF0] =	vst v20;
	v20 =	vmul.f32 v26, v28  }
0x2f8: {  	v32 =	vadd.f32 v32, v15;
	[tilespmem:s14+$0x0] =	vst v34;
	v26 =	vmul.f32 v27, v33;
	v27 =	vmul.f32 v36, v8  }
0x2f9: {  	v51 =	vmul.f32 v50, v9;
	[tilespmem:s14+$0x10] =	vst v37;
	v28 =	vadd.f32 v35, v14;
	v25 =	vmul.f32 v20, v25  }
0x2fa: {  	[tilespmem:s14+$0x30] =	vst v32;
	v26 =	vmul.f32 v26, v10;
	v27 =	vadd.f32 v27, v16;
	v24 =	vmul.f32 v20, v24  }
0x2fb: {  	[tilespmem:s14+$0x20] =	vst v28;
	v22 =	vmul.f32 v20, v22;
	v28 =	vadd.f32 v51, v17;
	v25 =	vmul.f32 v25, v4  }
0x2fc: {  	v23 =	vmul.f32 v20, v23;
	[tilespmem:s14+$0x40] =	vst v27;
	v26 =	vadd.f32 v26, v18;
	v24 =	vmul.f32 v24, v5  }
0x2fd: {  	v21 =	vmul.f32 v20, v21;
	[tilespmem:s14+$0x50] =	vst v28;
	v22 =	vmul.f32 v22, v6;
	v25 =	vadd.f32 v25, v12  }
0x2fe: {  	v27 =	vmul.f32 v20, v29;
	v23 =	vmul.f32 v23, v7;
	[tilespmem:s14+$0x60] =	vst v26;
	v24 =	vadd.f32 v24, v13  }
0x2ff: {  	v21 =	vmul.f32 v21, v8;
	v26 =	vmul.f32 v20, v30;
	v22 =	vadd.f32 v22, v14;
	[tilespmem:s14+$0xFFFFFF80] =	vst v25  }
0x300: {  	v20 =	vmul.f32 v20, v31;
	v23 =	vadd.f32 v23, v15;
	v25 =	vmul.f32 v27, v9;
	[tilespmem:s14+$0xFFFFFF90] =	vst v24  }
0x301: {  	v21 =	vadd.f32 v21, v16;
	v24 =	vmul.f32 v26, v10;
	[tilespmem:s14+$0xFFFFFFA0] =	vst v22  }
0x302: {  	v20 =	vmul.f32 v20, v11;
	[tilespmem:s14+$0xFFFFFFB0] =	vst v23;
	v22 =	vadd.f32 v25, v17  }
0x303: {  	[tilespmem:s14+$0xFFFFFFC0] =	vst v21;
	v21 =	vadd.f32 v24, v18  }
0x304: {  	s20 =	sadd.s32 s10, s17;
	v20 =	vadd.f32 v20, v19;
	[tilespmem:s14+$0xFFFFFFD0] =	vst v22  }
0x305: {  	s4 =	sshll.u32 s20, $0x4;
	[tilespmem:s14+$0xFFFFFFE0] =	vst v21  }
0x306: {  	s4 =	sadd.s32 s6, s4;
	[tilespmem:s14+$0xFFFFFFF0] =	vst v20  }
0x307: {  	[hbm4b:s4+s7] =	stream.linear.scatter [tilespmem:s19], [sflag:$0x3], $0x1000, $0x38;
	[tilespmem:$0xF900] =	vst v63  }
0x308: {  	s24 =	sshll.u32 s29, $0x8;
	_ =	swait.ge [sflag:s23], $0x1000  }
0x309: {  	s4 =	sand.u32 $0x3FFFFF00, s24;
	[sflag:s23] =	ssyncset.done $0x0  }
0x30a: {  	s4 =	sadd.s32 $0x100, s4;
	[sflag:s23] =	ssyncadd.s32 $0xFFFFF000  }
0x30b: {  	[tilespmem:s19], [sflag:$0x1] =	stream.indirect.gather [hbm4b:s1+s18], $0x80, s4, s18, $0xb8;
	[tilespmem:$0xF900] =	vst v63  }
0x30c: {  	_ =	swait.ge [sflag:s25], $0x1000  }
0x30d: {  	[sflag:s25] =	ssyncset.done $0x0  }
0x30e: {  	s4 =	simm.s32 $0x78F0;
	[sflag:s25] =	ssyncadd.s32 $0xFFFFF000  }
0x30f: {  	v20 =	vld [tilespmem:s4+$0xFFFFFF90]  }
0x310: {  	v21 =	vld [tilespmem:s15+$0xFFFFFF90]  }
0x311: {  	v22 =	vld [tilespmem:s4+$0xFFFFFFA0]  }
0x312: {  	v23 =	vld [tilespmem:s15+$0xFFFFFFA0]  }
0x313: {  	v24 =	vld [tilespmem:s4+$0xFFFFFFB0]  }
0x314: {  	v25 =	vld [tilespmem:s15+$0xFFFFFFB0]  }
0x315: {  	v27 =	vld [tilespmem:s4+$0xFFFFFFC0]  }
0x316: {  	v28 =	vld [tilespmem:s15+$0xFFFFFFC0]  }
0x317: {  	v29 =	vld [tilespmem:s4+$0xFFFFFFD0]  }
0x318: {  	v30 =	vld [tilespmem:s15+$0xFFFFFFD0]  }
0x319: {  	v31 =	vld [tilespmem:s4+$0xFFFFFFE0]  }
0x31a: {  	v52 =	vld [tilespmem:s15+$0xFFFFFFE0]  }
0x31b: {  	v53 =	vld [tilespmem:s4+$0xFFFFFFF0]  }
0x31c: {  	v54 =	vld [tilespmem:s15+$0xFFFFFFF0]  }
0x31d: {  	v55 =	vld [tilespmem:s4+$0x0]  }
0x31e: {  	v56 =	vld [tilespmem:s15+$0x0]  }
0x31f: {  	v39 =	vld [tilespmem:s4+$0xFFFFFF20]  }
0x320: {  	v33 =	vld [tilespmem:s4+$0xFFFFFF40]  }
0x321: {  	v61 =	vld [tilespmem:s15+$0xFFFFFF40];
	v38 =	vadd.f32 v21, v20;
	v26 =	vadd.f32 v23, v22  }
0x322: {  	v49 =	vld [tilespmem:s4+$0xFFFFFF50];
	v24 =	vadd.f32 v25, v24;
	v25 =	vadd.f32 v28, v27  }
0x323: {  	v27 =	vld [tilespmem:s15+$0xFFFFFF20];
	v23 =	vadd.f32 v30, v29;
	v22 =	vadd.f32 v52, v31  }
0x324: {  	v28 =	vld [tilespmem:s4+$0xFFFFFF30];
	v21 =	vadd.f32 v54, v53;
	v20 =	vadd.f32 v56, v55  }
0x325: {  	v29 =	vld [tilespmem:s15+$0xFFFFFF30];
	v30 =	vadd.f32 v26, v38;
	v31 =	vadd.f32 v25, v24;
	v57 =	vmul.f32 v38, v38  }
0x326: {  	v52 =	vld [tilespmem:s15+$0xFFFFFF50];
	v58 =	vadd.f32 v22, v23;
	v59 =	vmul.f32 v26, v26;
	v60 =	vmul.f32 v24, v24  }
0x327: {  	v54 =	vld [tilespmem:s4+$0xFFFFFF60];
	v62 =	vadd.f32 v20, v21;
	v63 =	vmul.f32 v25, v25;
	v48 =	vmul.f32 v23, v23  }
0x328: {  	v56 =	vld [tilespmem:s15+$0xFFFFFF60];
	v33 =	vadd.f32 v61, v33;
	v50 =	vmul.f32 v22, v22;
	v51 =	vmul.f32 v21, v21  }
0x329: {  	v53 =	vmul.f32 v20, v20;
	v30 =	vadd.f32 v31, v30;
	v31 =	vadd.f32 v62, v58  }
0x32a: {  	v37 =	vld [tilespmem:s15+$0xFFFFFF10];
	v32 =	vadd.f32 v59, v57;
	v55 =	vadd.f32 v63, v60  }
0x32b: {  	v57 =	vadd.f32 v50, v48;
	v34 =	vadd.f32 v53, v51;
	v58 =	vld [tilespmem:s4+$0xFFFFFF70]  }
0x32c: {  	v59 =	vld [tilespmem:s15+$0xFFFFFF80];
	v27 =	vadd.f32 v27, v39;
	v28 =	vadd.f32 v29, v28  }
0x32d: {  	v62 =	vld [tilespmem:s4+$0xFFFFFF10];
	v42 =	vadd.f32 v52, v49;
	v36 =	vadd.f32 v56, v54  }
0x32e: {  	v50 =	vmul.f32 v33, v33;
	v29 =	vld [tilespmem:s4+$0xFFFFFF80];
	v30 =	vadd.f32 v31, v30;
	v32 =	vadd.f32 v55, v32  }
0x32f: {  	v31 =	vld [tilespmem:s15+$0xFFFFFF70];
	v34 =	vadd.f32 v34, v57;
	v61 =	vmul.f32 v28, v28;
	v63 =	vadd.f32 v33, v28  }
0x330: {  	v51 =	vmul.f32 v42, v42;
	v52 =	vadd.f32 v36, v42;
	v54 =	vmul.f32 v36, v36  }
0x331: {  	v32 =	vadd.f32 v34, v32;
	v60 =	vperm.xlane v30, v0;
	v43 =	vadd.f32 v50, v61  }
0x332: {  	v35 =	vmul.f32 v27, v27;
	v37 =	vadd.f32 v37, v62;
	v56 =	vadd.f32 v54, v51  }
0x333: {  	v30 =	vadd.f32 v30, v60;
	v49 =	vperm.xlane v32, v0;
	v29 =	vadd.f32 v59, v29  }
0x334: {  	v31 =	vadd.f32 v31, v58;
	v59 =	vadd.f32 v27, v37;
	v61 =	vmul.f32 v37, v37  }
0x335: {  	v32 =	vadd.f32 v32, v49;
	v53 =	vperm.xlane v30, v1;
	v62 =	vmul.f32 v29, v29  }
0x336: {  	v57 =	vmul.f32 v31, v31;
	v58 =	vadd.f32 v29, v31;
	v41 =	vadd.f32 v63, v59  }
0x337: {  	v35 =	vadd.f32 v35, v61;
	v30 =	vadd.f32 v30, v53;
	v55 =	vperm.xlane v32, v1  }
0x338: {  	v39 =	vadd.f32 v58, v52;
	v44 =	vadd.f32 v62, v57  }
0x339: {  	v35 =	vadd.f32 v43, v35;
	v32 =	vadd.f32 v32, v55;
	v60 =	vperm.xlane v30, v2  }
0x33a: {  	v39 =	vadd.f32 v39, v41;
	v40 =	vadd.f32 v44, v56  }
0x33b: {  	v30 =	vadd.f32 v30, v60;
	v63 =	vperm.xlane v32, v2  }
0x33c: {  	v41 =	vperm.xlane v39, v0;
	v35 =	vadd.f32 v40, v35  }
0x33d: {  	v32 =	vadd.f32 v32, v63;
	v48 =	vperm.xlane v30, v3  }
0x33e: {  	v50 =	vadd.f32 v39, v41;
	v51 =	vperm.xlane v35, v0  }
0x33f: {  	v30 =	vadd.f32 v48, v30;
	v49 =	vperm.xlane v32, v3  }
0x340: {  	v41 =	vperm.xlane v50, v1;
	v35 =	vadd.f32 v35, v51  }
0x341: {  	v32 =	vadd.f32 v49, v32;
	v30 =	vmul.f32 $7.812500000e-03, v30  }
0x342: {  	v34 =	vadd.f32 v50, v41;
	v39 =	vperm.xlane v35, v1  }
0x343: {  	v32 =	vmul.f32 $7.812500000e-03, v32;
	v52 =	vmul.f32 v30, v30  }
0x344: {  	v53 =	vperm.xlane v34, v2;
	v35 =	vadd.f32 v35, v39  }
0x345: {  	v32 =	vsub.f32 v32, v52  }
0x346: {  	v34 =	vadd.f32 v34, v53;
	v55 =	vperm.xlane v35, v2  }
0x347: {  	v32 =	vadd.f32 $9.999999960e-13, v32  }
0x348: {  	v57 =	vperm.xlane v34, v3;
	v35 =	vadd.f32 v35, v55  }
0x349: {  	v54 =	vshrl.u32 v32, $0x1;
	v32 =	vmul.f32 $5.000000000e-01, v32  }
0x34a: {  	s14 =	simm.s32 $0x79F0;
	v39 =	vsub.s32 $0x5F3759DF, v54;
	v34 =	vadd.f32 v57, v34;
	v59 =	vperm.xlane v35, v3  }
0x34b: {  	v46 =	vld [tilespmem:s14+$0xFFFFFFB0];
	s15 =	sadd.s32 $0x100, s15;
	v56 =	vmul.f32 v39, v32  }
0x34c: {  	v45 =	vld [tilespmem:s15+$0xFFFFFFA0];
	v34 =	vmul.f32 $7.812500000e-03, v34;
	v35 =	vadd.f32 v59, v35  }
0x34d: {  	v43 =	vld [tilespmem:s14+$0xFFFFFF90];
	v38 =	vsub.f32 v38, v30;
	v58 =	vmul.f32 v39, v56  }
0x34e: {  	v41 =	vld [tilespmem:s15+$0xFFFFFF90];
	v61 =	vsub.f32 v26, v30;
	v60 =	vmul.f32 v34, v34;
	v35 =	vmul.f32 $7.812500000e-03, v35  }
0x34f: {  	v62 =	vld [tilespmem:s14+$0xFFFFFFF0];
	v44 =	vsub.f32 v24, v30;
	v48 =	vsub.f32 v25, v30  }
0x350: {  	v63 =	vld [tilespmem:s15+$0xFFFFFFF0];
	v40 =	vsub.f32 $1.500000000e+00, v58;
	v26 =	vsub.f32 v35, v60  }
0x351: {  	v51 =	vld [tilespmem:s15+$0xFFFFFFC0];
	v50 =	vsub.f32 v23, v30;
	v20 =	vsub.f32 v20, v30  }
0x352: {  	v49 =	vld [tilespmem:s14+$0xFFFFFFC0];
	v52 =	vsub.f32 v22, v30;
	v39 =	vmul.f32 v39, v40;
	v23 =	vadd.f32 $9.999999960e-13, v26  }
0x353: {  	v53 =	vld [tilespmem:s14+$0xFFFFFFD0];
	v41 =	vadd.f32 v41, v43;
	v54 =	vsub.f32 v21, v30  }
0x354: {  	v40 =	vld [tilespmem:s14+$0xFFFFFFA0];
	v32 =	vmul.f32 v39, v32;
	v21 =	vshrl.u32 v23, $0x1;
	v55 =	vmul.f32 $5.000000000e-01, v23  }
0x355: {  	v56 =	vld [tilespmem:s15+$0xFFFFFFD0];
	v27 =	vsub.f32 v27, v34;
	v25 =	vsub.f32 v33, v34;
	v57 =	vsub.s32 $0x5F3759DF, v21  }
0x356: {  	v33 =	vadd.f32 v63, v62;
	v35 =	vld [tilespmem:s15+$0xFFFFFFB0];
	v24 =	vmul.f32 v32, v39;
	v21 =	vmul.f32 v57, v55  }
0x357: {  	v26 =	vsub.f32 v28, v34;
	v23 =	vsub.f32 v42, v34  }
0x358: {  	v22 =	vsub.f32 $1.500000000e+00, v24;
	v28 =	vmul.f32 v57, v21;
	v21 =	vsub.f32 v29, v34  }
0x359: {  	v30 =	vld [tilespmem:s14+$0xFFFFFFE0];
	v32 =	vsub.f32 v37, v34;
	v43 =	vadd.f32 v45, v40  }
0x35a: {  	v37 =	vld [tilespmem:s15+$0xFFFFFFE0];
	v45 =	vadd.f32 v51, v49;
	v51 =	vadd.f32 v56, v53;
	v58 =	vmul.f32 v22, v39;
	[tilespmem:$0x1FFB0] =	vst v21  }
0x35b: {  	v35 =	vadd.f32 v35, v46;
	v24 =	vsub.f32 v36, v34;
	v56 =	vmul.f32 v43, v43;
	v29 =	vld [tilespmem:s14+$0x0]  }
0x35c: {  	v62 =	vmul.f32 v51, v51;
	v22 =	vsub.f32 v31, v34;
	v34 =	vmul.f32 v58, v61;
	v61 =	vld [tilespmem:s15+$0x0]  }
0x35d: {  	v20 =	vmul.f32 v58, v20;
	v47 =	vmul.f32 v58, v48;
	v48 =	vld [tilespmem:s15+$0xFFFFFF10]  }
0x35e: {  	v42 =	vadd.f32 v45, v35;
	v31 =	vmul.f32 v58, v38;
	v44 =	vmul.f32 v58, v44;
	v59 =	vld [tilespmem:s14+$0xFFFFFF20]  }
0x35f: {  	v39 =	vadd.f32 v37, v30;
	v50 =	vmul.f32 v58, v50;
	v40 =	vld [tilespmem:s15+$0xFFFFFF20];
	v46 =	vmul.f32 v58, v52  }
0x360: {  	v37 =	vadd.f32 v43, v41;
	v49 =	vld [tilespmem:s14+$0xFFFFFF30];
	v36 =	vmul.f32 v58, v54;
	v52 =	vmul.f32 v41, v41  }
0x361: {  	v60 =	vsub.f32 $1.500000000e+00, v28;
	v53 =	vld [tilespmem:s15+$0xFFFFFF40];
	v20 =	vmul.f32 v20, v11;
	v30 =	vmul.f32 v31, v4  }
0x362: {  	v58 =	vld [tilespmem:s14+$0xFFFFFF50];
	v54 =	vadd.f32 v39, v51;
	v63 =	vmul.f32 v39, v39;
	v37 =	vadd.f32 v42, v37  }
0x363: {  	v38 =	vmul.f32 v57, v60;
	v31 =	vld [tilespmem:s15+$0xFFFFFF30];
	v28 =	vadd.f32 v20, v19;
	v21 =	vadd.f32 v30, v12  }
0x364: {  	v57 =	vmul.f32 v35, v35;
	v30 =	vadd.f32 v63, v62;
	v62 =	vld [tilespmem:s14+$0xFFFFFF70];
	v20 =	vadd.f32 v61, v29  }
0x365: {  	v42 =	vmul.f32 v33, v33;
	v52 =	vadd.f32 v56, v52;
	v29 =	vld [tilespmem:s14+$0xFFFFFF40];
	v61 =	vmul.f32 v45, v45  }
0x366: {  	v40 =	vadd.f32 v40, v59;
	v59 =	vld [tilespmem:s15+$0xFFFFFF50];
	v60 =	vadd.f32 v20, v33;
	v56 =	vmul.f32 v20, v20  }
0x367: {  	v57 =	vadd.f32 v61, v57;
	v61 =	vld [tilespmem:s15+$0xFFFFFF60]  }
0x368: {  	v54 =	vadd.f32 v60, v54;
	v60 =	vld [tilespmem:s14+$0xFFFFFF60];
	v42 =	vadd.f32 v56, v42  }
0x369: {  	v56 =	vadd.f32 v31, v49;
	v31 =	vld [tilespmem:s15+$0xFFFFFF70];
	v52 =	vadd.f32 v57, v52  }
0x36a: {  	v49 =	vld [tilespmem:s14+$0xFFFFFF80];
	v37 =	vadd.f32 v54, v37;
	v30 =	vadd.f32 v42, v30  }
0x36b: {  	v34 =	vmul.f32 v34, v5;
	v42 =	vadd.f32 v53, v29;
	v53 =	vld [tilespmem:s15+$0xFFFFFF80];
	v54 =	vadd.f32 v59, v58  }
0x36c: {  	v55 =	vmul.f32 v38, v55;
	v57 =	vmul.f32 v56, v56;
	v58 =	vld [tilespmem:s14+$0xFFFFFF10];
	v52 =	vadd.f32 v30, v52  }
0x36d: {  	v59 =	vperm.xlane v37, v0;
	v63 =	vmul.f32 v54, v54;
	v29 =	vadd.f32 v61, v60  }
0x36e: {  	v60 =	vadd.f32 v42, v56;
	v61 =	vmul.f32 v42, v42;
	v30 =	vadd.f32 v31, v62  }
0x36f: {  	v37 =	vadd.f32 v37, v59;
	v59 =	vperm.xlane v52, v0;
	v62 =	vadd.f32 v29, v54  }
0x370: {  	v57 =	vadd.f32 v61, v57;
	v61 =	vmul.f32 v29, v29;
	v31 =	vadd.f32 v53, v49  }
0x371: {  	v58 =	vadd.f32 v48, v58;
	v49 =	vadd.f32 v52, v59;
	v52 =	vperm.xlane v37, v1  }
0x372: {  	v48 =	vmul.f32 v55, v38;
	v53 =	vadd.f32 v61, v63;
	v55 =	vadd.f32 v31, v30  }
0x373: {  	v59 =	vadd.f32 v40, v58;
	v37 =	vadd.f32 v37, v52;
	v52 =	vperm.xlane v49, v1  }
0x374: {  	v61 =	vmul.f32 v40, v40;
	v55 =	vadd.f32 v55, v62;
	v62 =	vmul.f32 v58, v58  }
0x375: {  	v59 =	vadd.f32 v60, v59;
	v60 =	vmul.f32 v31, v31;
	v49 =	vadd.f32 v49, v52  }
0x376: {  	v52 =	vmul.f32 v30, v30;
	v61 =	vadd.f32 v61, v62;
	v62 =	vperm.xlane v37, v2  }
0x377: {  	v44 =	vmul.f32 v44, v6;
	v63 =	vadd.f32 v34, v13;
	v34 =	vmul.f32 v50, v8  }
0x378: {  	v50 =	vadd.f32 v60, v52;
	v52 =	vperm.xlane v49, v2;
	v37 =	vadd.f32 v37, v62  }
0x379: {  	v60 =	vmul.f32 v36, v10;
	v36 =	vadd.f32 v55, v59;
	v55 =	vadd.f32 v57, v61  }
0x37a: {  	v50 =	vadd.f32 v50, v53;
	v49 =	vadd.f32 v49, v52;
	v62 =	vperm.xlane v37, v3  }
0x37b: {  	v48 =	vsub.f32 $1.500000000e+00, v48;
	v57 =	vadd.f32 v44, v14;
	v61 =	vperm.xlane v36, v0  }
0x37c: {  	v44 =	vadd.f32 v50, v55;
	v37 =	vadd.f32 v62, v37;
	v62 =	vperm.xlane v49, v3  }
0x37d: {  	v36 =	vadd.f32 v36, v61;
	v55 =	vmul.f32 v48, v38  }
0x37e: {  	v52 =	vperm.xlane v44, v0;
	v49 =	vadd.f32 v62, v49;
	v38 =	vmul.f32 $7.812500000e-03, v37  }
0x37f: {  	v47 =	vmul.f32 v47, v7;
	v53 =	vperm.xlane v36, v1  }
0x380: {  	v44 =	vadd.f32 v44, v52;
	v62 =	vmul.f32 $7.812500000e-03, v49;
	v52 =	vmul.f32 v38, v38  }
0x381: {  	v47 =	vadd.f32 v47, v15;
	v48 =	vmul.f32 v55, v27  }
0x382: {  	v36 =	vadd.f32 v36, v53;
	v27 =	vperm.xlane v44, v1;
	v53 =	vsub.f32 v62, v52  }
0x383: {  	v61 =	vadd.f32 v34, v16;
	v34 =	vsub.f32 v41, v38  }
0x384: {  	v27 =	vadd.f32 v44, v27;
	v41 =	vadd.f32 $9.999999960e-13, v53  }
0x385: {  	v37 =	vsub.f32 v43, v38;
	v62 =	vperm.xlane v36, v2;
	v44 =	vmul.f32 v55, v25  }
0x386: {  	v25 =	vperm.xlane v27, v2;
	v50 =	vshrl.u32 v41, $0x1;
	v52 =	vmul.f32 $5.000000000e-01, v41  }
0x387: {  	[tilespmem:s4+$0x0] =	vst v28;
	v49 =	vmul.f32 v55, v26;
	v26 =	vadd.f32 v36, v62;
	v62 =	vsub.s32 $0x5F3759DF, v50  }
0x388: {  	[tilespmem:s4+$0xFFFFFF90] =	vst v21;
	v43 =	vmul.f32 v55, v24;
	v25 =	vadd.f32 v27, v25;
	v27 =	vmul.f32 v62, v52  }
0x389: {  	[tilespmem:s4+$0xFFFFFFC0] =	vst v47;
	v53 =	vperm.xlane v26, v3;
	v50 =	vmul.f32 v55, v23  }
0x38a: {  	[tilespmem:s4+$0xFFFFFFA0] =	vst v63;
	v23 =	vperm.xlane v25, v3;
	v24 =	vmul.f32 v62, v27  }
0x38b: {  	v46 =	vmul.f32 v46, v9;
	[tilespmem:s4+$0xFFFFFFB0] =	vst v57;
	v36 =	vsub.f32 v51, v38;
	v21 =	vadd.f32 v53, v26  }
0x38c: {  	v51 =	vmul.f32 v55, v22;
	v22 =	vadd.f32 v23, v25;
	v23 =	vsub.f32 $1.500000000e+00, v24;
	v24 =	vld [tilespmem:$0x1FFB0]  }
0x38d: {  	v35 =	vsub.f32 v35, v38;
	v27 =	vadd.f32 v46, v17;
	v53 =	vmul.f32 $7.812500000e-03, v21  }
0x38e: {  	v59 =	vmul.f32 v55, v32;
	v32 =	vsub.f32 v45, v38;
	v21 =	vadd.f32 v60, v18  }
0x38f: {  	v39 =	vsub.f32 v39, v38;
	v33 =	vsub.f32 v33, v38;
	v26 =	vmul.f32 v53, v53;
	[tilespmem:s4+$0xFFFFFFE0] =	vst v27  }
0x390: {  	v25 =	vsub.f32 v58, v53;
	[tilespmem:s4+$0xFFFFFFF0] =	vst v21;
	v21 =	vsub.f32 v54, v53;
	v27 =	vmul.f32 $7.812500000e-03, v22  }
0x391: {  	v41 =	vmul.f32 v55, v24;
	v24 =	vsub.f32 v40, v53;
	v40 =	vmul.f32 v62, v23  }
0x392: {  	s3 =	sshll.u32 s3, $0x5;
	s16 =	simm.s32 $0x2;
	s17 =	simm.s32 $0x7AF0;
	[tilespmem:s4+$0xFFFFFFD0] =	vst v61;
	v22 =	vsub.f32 v56, v53;
	v23 =	vsub.f32 v42, v53;
	v42 =	vmul.f32 v59, v4  }
.LBB2_9:
0x393: {  	v45 =	vld [tilespmem:s17+$0xFFFFFF90];
	v46 =	vsub.f32 v27, v26;
	v28 =	vsub.f32 v29, v53;
	v29 =	vmul.f32 v40, v52;
	s15 =	sadd.s32 $0x100, s15  }
0x394: {  	v27 =	vsub.f32 v30, v53;
	v26 =	vsub.f32 v31, v53;
	v30 =	vmul.f32 v48, v5;
	v47 =	vld [tilespmem:s15+$0xFFFFFF90]  }
0x395: {  	v48 =	vmul.f32 v49, v6;
	v31 =	vld [tilespmem:s17+$0xFFFFFFA0];
	v46 =	vadd.f32 $9.999999960e-13, v46;
	v29 =	vmul.f32 v29, v40  }
0x396: {  	v44 =	vmul.f32 v44, v7;
	v50 =	vmul.f32 v50, v8;
	v42 =	vadd.f32 v42, v12;
	v49 =	vld [tilespmem:s15+$0xFFFFFFA0]  }
0x397: {  	v52 =	vld [tilespmem:s17+$0xFFFFFFB0];
	v53 =	vshrl.u32 v46, $0x1;
	v46 =	vmul.f32 $5.000000000e-01, v46;
	v29 =	vsub.f32 $1.500000000e+00, v29  }
0x398: {  	v54 =	vld [tilespmem:s15+$0xFFFFFFB0];
	v53 =	vsub.s32 $0x5F3759DF, v53;
	[tilespmem:s4+$0xFFFFFF10] =	vst v42;
	v42 =	vmul.f32 v43, v9;
	v43 =	vmul.f32 v51, v10  }
0x399: {  	v20 =	vsub.f32 v20, v38;
	v51 =	vld [tilespmem:s17+$0xFFFFFFC0];
	v55 =	vmul.f32 v53, v46;
	v29 =	vmul.f32 v29, v40  }
0x39a: {  	v30 =	vadd.f32 v30, v13;
	v38 =	vadd.f32 v48, v14;
	v40 =	vmul.f32 v41, v11;
	v56 =	vld [tilespmem:s15+$0xFFFFFFC0]  }
0x39b: {  	v44 =	vadd.f32 v44, v15;
	v57 =	vld [tilespmem:s17+$0xFFFFFFD0];
	v41 =	vmul.f32 v53, v55;
	v20 =	vmul.f32 v29, v20  }
0x39c: {  	v34 =	vmul.f32 v29, v34;
	v37 =	vmul.f32 v29, v37;
	v55 =	vld [tilespmem:s15+$0xFFFFFFD0];
	[tilespmem:s4+$0xFFFFFF20] =	vst v30;
	v30 =	vadd.f32 v50, v16  }
0x39d: {  	v35 =	vmul.f32 v29, v35;
	v50 =	vld [tilespmem:s17+$0xFFFFFFE0];
	v41 =	vsub.f32 $1.500000000e+00, v41;
	v20 =	vmul.f32 v20, v11;
	[tilespmem:s4+$0xFFFFFF30] =	vst v38  }
0x39e: {  	v42 =	vadd.f32 v42, v17;
	v36 =	vmul.f32 v29, v36;
	v38 =	vmul.f32 v29, v32;
	v58 =	vld [tilespmem:s15+$0xFFFFFFE0];
	[tilespmem:s4+$0xFFFFFF40] =	vst v44  }
0x39f: {  	v39 =	vmul.f32 v29, v39;
	v59 =	vld [tilespmem:s17+$0xFFFFFFF0];
	v32 =	vmul.f32 v53, v41;
	v20 =	vadd.f32 v20, v19;
	[tilespmem:s4+$0xFFFFFF50] =	vst v30  }
0x3a0: {  	v34 =	vmul.f32 v34, v4;
	v29 =	vmul.f32 v29, v33;
	v33 =	vadd.f32 v43, v18;
	v30 =	vld [tilespmem:s15+$0xFFFFFFF0];
	[tilespmem:s4+$0xFFFFFF60] =	vst v42  }
0x3a1: {  	v37 =	vmul.f32 v37, v5;
	v42 =	vld [tilespmem:s17+$0x0];
	v41 =	vmul.f32 v32, v46;
	[tilespmem:s14+$0x0] =	vst v20;
	v20 =	vadd.f32 v40, v19  }
0x3a2: {  	v48 =	vmul.f32 v35, v6;
	v38 =	vmul.f32 v38, v7;
	v40 =	vadd.f32 v34, v12;
	v46 =	vld [tilespmem:s15+$0x0];
	[tilespmem:s4+$0xFFFFFF70] =	vst v33  }
0x3a3: {  	v33 =	vadd.f32 v37, v13;
	v37 =	vmul.f32 v36, v8;
	v53 =	vld [tilespmem:s15+$0xFFFFFF10];
	v60 =	vmul.f32 v41, v32;
	[tilespmem:s4+$0xFFFFFF80] =	vst v20;
	s4 =	smov.u32 s14;
	s14 =	smov.u32 s17  }
0x3a4: {  	v35 =	vadd.f32 v49, v31;
	v34 =	vadd.f32 v47, v45;
	v61 =	vld [tilespmem:s17+$0xFFFFFF20];
	[tilespmem:s4+$0xFFFFFF90] =	vst v40;
	v40 =	vmul.f32 v39, v9  }
0x3a5: {  	s16 =	sadd.s32 $0x2, s16;
	v44 =	vadd.f32 v56, v51;
	v41 =	vmul.f32 v29, v10;
	v39 =	vadd.f32 v54, v52;
	v31 =	vld [tilespmem:s15+$0xFFFFFF20];
	[tilespmem:s4+$0xFFFFFFA0] =	vst v33  }
0x3a6: {  	p0 =	slt.u32 s16, $0x1E;
	v36 =	vadd.f32 v55, v57;
	v33 =	vadd.f32 v58, v50;
	v29 =	vld [tilespmem:s17+$0xFFFFFF30]  }
0x3a7: {  	v43 =	vadd.f32 v30, v59;
	v45 =	vld [tilespmem:s15+$0xFFFFFF30];
	v20 =	vadd.f32 v46, v42  }
0x3a8: {  	v49 =	vmul.f32 v34, v34;
	v47 =	vadd.f32 v44, v39;
	v46 =	vadd.f32 v35, v34;
	v30 =	vld [tilespmem:s17+$0xFFFFFF40]  }
0x3a9: {  	v52 =	vmul.f32 v35, v35;
	v54 =	vmul.f32 v39, v39;
	v51 =	vadd.f32 v33, v36;
	v50 =	vld [tilespmem:s15+$0xFFFFFF40]  }
0x3aa: {  	v57 =	vmul.f32 v44, v44;
	v58 =	vmul.f32 v36, v36;
	v56 =	vadd.f32 v20, v43;
	v55 =	vld [tilespmem:s17+$0xFFFFFF50]  }
0x3ab: {  	v59 =	vmul.f32 v33, v33;
	v42 =	vadd.f32 v31, v61;
	v61 =	vmul.f32 v43, v43;
	v31 =	vld [tilespmem:s15+$0xFFFFFF50]  }
0x3ac: {  	v46 =	vadd.f32 v47, v46;
	v47 =	vadd.f32 v56, v51;
	v51 =	vmul.f32 v20, v20;
	v62 =	vld [tilespmem:s17+$0xFFFFFF60]  }
0x3ad: {  	v49 =	vadd.f32 v52, v49;
	v52 =	vadd.f32 v57, v54;
	v63 =	vmul.f32 v42, v42;
	v56 =	vld [tilespmem:s15+$0xFFFFFF60]  }
0x3ae: {  	v57 =	vadd.f32 v59, v58;
	v51 =	vadd.f32 v51, v61;
	v54 =	vld [tilespmem:s17+$0xFFFFFF70]  }
0x3af: {  	v45 =	vadd.f32 v45, v29;
	v59 =	vadd.f32 v47, v46;
	v58 =	vld [tilespmem:s15+$0xFFFFFF70]  }
0x3b0: {  	v49 =	vadd.f32 v52, v49;
	v51 =	vadd.f32 v51, v57;
	v61 =	vld [tilespmem:s17+$0xFFFFFF80]  }
0x3b1: {  	v46 =	vadd.f32 v50, v30;
	v50 =	vmul.f32 v45, v45;
	v47 =	vadd.f32 v31, v55;
	v31 =	vld [tilespmem:s15+$0xFFFFFF80]  }
0x3b2: {  	v49 =	vadd.f32 v51, v49;
	v51 =	vperm.xlane v59, v0;
	v52 =	vld [tilespmem:s17+$0xFFFFFF10];
	v29 =	vadd.f32 v56, v62  }
0x3b3: {  	v55 =	vadd.f32 v46, v45;
	v56 =	vmul.f32 v46, v46;
	v57 =	vmul.f32 v47, v47  }
0x3b4: {  	v51 =	vadd.f32 v59, v51;
	v30 =	vadd.f32 v58, v54;
	v54 =	vperm.xlane v49, v0  }
0x3b5: {  	v58 =	vadd.f32 v29, v47;
	v50 =	vadd.f32 v56, v50;
	v56 =	vmul.f32 v29, v29  }
0x3b6: {  	v31 =	vadd.f32 v31, v61;
	v49 =	vadd.f32 v49, v54;
	v54 =	vperm.xlane v51, v1  }
0x3b7: {  	v59 =	vadd.f32 v53, v52;
	v52 =	vadd.f32 v56, v57;
	v53 =	vmul.f32 v30, v30  }
0x3b8: {  	v56 =	vadd.f32 v31, v30;
	v51 =	vadd.f32 v51, v54;
	v54 =	vperm.xlane v49, v1  }
0x3b9: {  	v62 =	vmul.f32 v31, v31;
	v57 =	vadd.f32 v42, v59;
	v61 =	vmul.f32 v59, v59  }
0x3ba: {  	v56 =	vadd.f32 v56, v58;
	v49 =	vadd.f32 v49, v54;
	v54 =	vperm.xlane v51, v2  }
0x3bb: {  	v55 =	vadd.f32 v55, v57;
	v57 =	vadd.f32 v63, v61  }
0x3bc: {  	v53 =	vadd.f32 v62, v53;
	v51 =	vadd.f32 v51, v54;
	v54 =	vperm.xlane v49, v2  }
0x3bd: {  	v55 =	vadd.f32 v56, v55;
	v50 =	vadd.f32 v50, v57  }
0x3be: {  	v52 =	vadd.f32 v53, v52;
	v49 =	vadd.f32 v49, v54;
	v53 =	vperm.xlane v51, v3  }
0x3bf: {  	v48 =	vadd.f32 v48, v14;
	v56 =	vsub.f32 $1.500000000e+00, v60;
	v54 =	vperm.xlane v55, v0  }
0x3c0: {  	v50 =	vadd.f32 v52, v50;
	v51 =	vadd.f32 v53, v51;
	v52 =	vperm.xlane v49, v3  }
0x3c1: {  	v53 =	vadd.f32 v55, v54;
	v54 =	vmul.f32 v56, v32;
	[tilespmem:s4+$0xFFFFFFB0] =	vst v48;
	v32 =	vadd.f32 v38, v15  }
0x3c2: {  	v48 =	vperm.xlane v50, v0;
	v49 =	vadd.f32 v52, v49;
	v38 =	vmul.f32 $7.812500000e-03, v51  }
0x3c3: {  	v51 =	vperm.xlane v53, v1;
	v55 =	vmul.f32 v54, v25;
	[tilespmem:s4+$0xFFFFFFC0] =	vst v32;
	v25 =	vadd.f32 v37, v16  }
0x3c4: {  	v50 =	vadd.f32 v50, v48;
	v32 =	vmul.f32 $7.812500000e-03, v49;
	v37 =	vmul.f32 v38, v38  }
0x3c5: {  	v48 =	vmul.f32 v54, v24;
	v34 =	vsub.f32 v34, v38;
	v51 =	vadd.f32 v53, v51;
	[tilespmem:s4+$0xFFFFFFD0] =	vst v25  }
0x3c6: {  	v24 =	vperm.xlane v50, v1;
	v25 =	vsub.f32 v32, v37;
	v37 =	vsub.f32 v35, v38  }
0x3c7: {  	v35 =	vsub.f32 v39, v38;
	v32 =	vsub.f32 v44, v38;
	v52 =	vperm.xlane v51, v2  }
0x3c8: {  	v49 =	vmul.f32 v54, v22;
	v24 =	vadd.f32 v50, v24;
	v25 =	vadd.f32 $9.999999960e-13, v25  }
0x3c9: {  	v36 =	vsub.f32 v36, v38;
	v44 =	vmul.f32 v54, v23;
	v22 =	vadd.f32 v51, v52  }
0x3ca: {  	v23 =	vperm.xlane v24, v2;
	v39 =	vshrl.u32 v25, $0x1;
	v52 =	vmul.f32 $5.000000000e-01, v25  }
0x3cb: {  	v25 =	vperm.xlane v22, v3;
	v56 =	vsub.s32 $0x5F3759DF, v39;
	v39 =	vsub.f32 v33, v38  }
0x3cc: {  	v23 =	vadd.f32 v24, v23;
	v33 =	vsub.f32 v43, v38;
	v24 =	vmul.f32 v56, v52  }
0x3cd: {  	v50 =	vmul.f32 v54, v21;
	v43 =	vmul.f32 v54, v28;
	v22 =	vadd.f32 v25, v22  }
0x3ce: {  	v21 =	vperm.xlane v23, v3;
	v25 =	vadd.f32 v40, v17;
	v24 =	vmul.f32 v56, v24  }
.Ltmp3:
0x3cf: {  	v51 =	vmul.f32 v54, v27;
	v53 =	vmul.f32 $7.812500000e-03, v22;
	v22 =	vadd.f32 v41, v18;
	(pc) =	sbr.rel @p0 .LBB2_9-.Ltmp3, $4  }
0x3d0: {  	v21 =	vadd.f32 v21, v23;
	v41 =	vmul.f32 v54, v26;
	v23 =	vsub.f32 $1.500000000e+00, v24;
	[tilespmem:s4+$0xFFFFFFE0] =	vst v25  }
0x3d1: {  	v26 =	vmul.f32 v53, v53;
	v25 =	vsub.f32 v59, v53;
	v24 =	vsub.f32 v42, v53;
	[tilespmem:s4+$0xFFFFFFF0] =	vst v22  }
0x3d2: {  	v27 =	vmul.f32 $7.812500000e-03, v21;
	v22 =	vsub.f32 v45, v53;
	v40 =	vmul.f32 v56, v23  }
0x3d3: {  	s17 =	sadd.s32 $0x100, s17;
	v21 =	vsub.f32 v47, v53;
	v42 =	vmul.f32 v55, v4;
	v23 =	vsub.f32 v46, v53  }
0x3d4: {  	v26 =	vsub.f32 v27, v26;
	_ =	sdelay $0x1  }
0x3d5: {  	v26 =	vadd.f32 $9.999999960e-13, v26;
	_ =	sdelay $0x1  }
0x3d6: {  	v56 =	vmul.f32 v40, v52;
	v28 =	vshrl.u32 v26, $0x1;
	v26 =	vmul.f32 $5.000000000e-01, v26  }
0x3d7: {  	v28 =	vsub.s32 $0x5F3759DF, v28  }
0x3d8: {  	v29 =	vsub.f32 v29, v53;
	v27 =	vmul.f32 v56, v40;
	v45 =	vmul.f32 v28, v26  }
0x3d9: {  	v30 =	vsub.f32 v30, v53;
	v31 =	vsub.f32 v31, v53;
	v46 =	vmul.f32 v48, v5  }
0x3da: {  	v47 =	vmul.f32 v49, v6;
	v27 =	vsub.f32 $1.500000000e+00, v27;
	v45 =	vmul.f32 v28, v45  }
0x3db: {  	v44 =	vmul.f32 v44, v7;
	v57 =	vmul.f32 v50, v8;
	v20 =	vsub.f32 v20, v38  }
0x3dc: {  	v42 =	vadd.f32 v42, v12;
	v27 =	vmul.f32 v27, v40;
	v58 =	vsub.f32 $1.500000000e+00, v45  }
0x3dd: {  	v59 =	vmul.f32 v43, v9;
	v60 =	vmul.f32 v51, v10;
	v61 =	vadd.f32 v46, v13  }
0x3de: {  	v62 =	vadd.f32 v47, v14;
	[tilespmem:s4+$0xFFFFFF10] =	vst v42;
	v20 =	vmul.f32 v27, v20;
	v28 =	vmul.f32 v28, v58  }
0x3df: {  	v63 =	vmul.f32 v41, v11;
	v49 =	vadd.f32 v44, v15;
	[tilespmem:s4+$0xFFFFFF20] =	vst v61;
	v34 =	vmul.f32 v27, v34  }
0x3e0: {  	v50 =	vadd.f32 v57, v16;
	[tilespmem:s4+$0xFFFFFF30] =	vst v62;
	v20 =	vmul.f32 v20, v11;
	v26 =	vmul.f32 v28, v26  }
0x3e1: {  	v51 =	vadd.f32 v60, v18;
	[tilespmem:s4+$0xFFFFFF40] =	vst v49;
	v37 =	vmul.f32 v27, v37;
	v35 =	vmul.f32 v27, v35  }
0x3e2: {  	[tilespmem:s4+$0xFFFFFF50] =	vst v50;
	v32 =	vmul.f32 v27, v32;
	v20 =	vadd.f32 v20, v19;
	v26 =	vmul.f32 v26, v28  }
0x3e3: {  	[tilespmem:s4+$0xFFFFFF70] =	vst v51;
	v40 =	vadd.f32 v59, v17;
	v36 =	vmul.f32 v27, v36;
	v34 =	vmul.f32 v34, v4  }
0x3e4: {  	v37 =	vmul.f32 v37, v5;
	[tilespmem:s14+$0x0] =	vst v20;
	v20 =	vadd.f32 v63, v19;
	v26 =	vsub.f32 $1.500000000e+00, v26  }
0x3e5: {  	[tilespmem:s4+$0xFFFFFF60] =	vst v40;
	v52 =	vmul.f32 v27, v39;
	v35 =	vmul.f32 v35, v6;
	v34 =	vadd.f32 v34, v12  }
0x3e6: {  	v32 =	vmul.f32 v32, v7;
	v37 =	vadd.f32 v37, v13;
	[tilespmem:s4+$0xFFFFFF80] =	vst v20;
	v20 =	vmul.f32 v26, v28  }
0x3e7: {  	v53 =	vmul.f32 v27, v33;
	v54 =	vmul.f32 v36, v8;
	v55 =	vadd.f32 v35, v14;
	[tilespmem:s14+$0xFFFFFF90] =	vst v34  }
0x3e8: {  	v56 =	vmul.f32 v52, v9;
	v32 =	vadd.f32 v32, v15;
	[tilespmem:s14+$0xFFFFFFA0] =	vst v37;
	v25 =	vmul.f32 v20, v25  }
0x3e9: {  	v27 =	vadd.f32 v54, v16;
	[tilespmem:s14+$0xFFFFFFB0] =	vst v55;
	v26 =	vmul.f32 v53, v10;
	v24 =	vmul.f32 v20, v24  }
0x3ea: {  	v57 =	vadd.f32 v56, v17;
	[tilespmem:s14+$0xFFFFFFC0] =	vst v32;
	v22 =	vmul.f32 v20, v22;
	v25 =	vmul.f32 v25, v4  }
0x3eb: {  	[tilespmem:s14+$0xFFFFFFD0] =	vst v27;
	v23 =	vmul.f32 v20, v23;
	v26 =	vadd.f32 v26, v18;
	v24 =	vmul.f32 v24, v5  }
0x3ec: {  	[tilespmem:s14+$0xFFFFFFE0] =	vst v57;
	v21 =	vmul.f32 v20, v21;
	v22 =	vmul.f32 v22, v6;
	v25 =	vadd.f32 v25, v12  }
0x3ed: {  	v58 =	vmul.f32 v20, v29;
	[tilespmem:s14+$0xFFFFFFF0] =	vst v26;
	v23 =	vmul.f32 v23, v7;
	v24 =	vadd.f32 v24, v13  }
0x3ee: {  	v59 =	vmul.f32 v20, v30;
	v21 =	vmul.f32 v21, v8;
	v22 =	vadd.f32 v22, v14;
	[tilespmem:s14+$0xFFFFFF10] =	vst v25  }
0x3ef: {  	v20 =	vmul.f32 v20, v31;
	v60 =	vmul.f32 v58, v9;
	v23 =	vadd.f32 v23, v15;
	[tilespmem:s14+$0xFFFFFF20] =	vst v24  }
0x3f0: {  	s29 =	sadd.s32 $0x1, s29;
	v61 =	vmul.f32 v59, v10;
	v21 =	vadd.f32 v21, v16;
	[tilespmem:s14+$0xFFFFFF30] =	vst v22  }
0x3f1: {  	p0 =	sne.s32 s29, $0x64;
	v20 =	vmul.f32 v20, v11;
	v62 =	vadd.f32 v60, v17;
	[tilespmem:s14+$0xFFFFFF40] =	vst v23  }
.Ltmp4:
0x3f2: {  	v63 =	vadd.f32 v61, v18;
	[tilespmem:s14+$0xFFFFFF50] =	vst v21;
	(pc) =	sbr.rel @p0 .LBB2_6-.Ltmp4, $4  }
0x3f3: {  	s3 =	sadd.s32 s10, s3;
	v20 =	vadd.f32 v20, v19;
	[tilespmem:s14+$0xFFFFFF60] =	vst v62  }
0x3f4: {  	s30 =	sadd.s32 $0x2000, s30;
	s31 =	sadd.s32 $0x40, s31;
	s3 =	sshll.u32 s3, $0x4;
	[tilespmem:s14+$0xFFFFFF70] =	vst v63  }
0x3f5: {  	s5 =	sadd.s32 $0x2000, s5;
	s0 =	sadd.s32 $0x40, s0;
	s3 =	sadd.s32 s6, s3;
	[tilespmem:s14+$0xFFFFFF80] =	vst v20  }
0x3f6: {  	[hbm4b:s3+s7] =	stream.linear.scatter [tilespmem:s21], [sflag:$0x4], $0x1000, $0x38;
	[tilespmem:$0xF900] =	vst v63  }
0x3f7: {  	s28 =	sadd.s32 $0x1, s28  }
0x3f8: {  	_ =	swait.ge [sflag:s22], $0x1000;
	p0 =	sne.s32 s28, s12  }
.Ltmp5:
0x3f9: {  	[sflag:s22] =	ssyncset.done $0x0;
	(pc) =	sbr.rel @p0 .LBB2_1-.Ltmp5, $4  }
0x3fa: {  	[sflag:s22] =	ssyncadd.s32 $0xFFFFF000  }
0x3fb: {  	_ =	swait.ge [sflag:s26], $0x1000  }
0x3fc: {  	[sflag:s26] =	ssyncset.done $0x0  }
0x3fd: {  	[sflag:s26] =	ssyncadd.s32 $0xFFFFF000  }
0x3fe: {  	_ =	sfence.sel $0x180000  }
0x3ff: {  	[bflag:$0x0] =	sbarrier.arrive $0xFFFF  }
0x400: {  	_ =	strace $0x90000047  }
0x401: {  	s0 =	stileid.u32;
	[bflag:$0x2] =	sbarrier.arrive $0xFFFF  }
0x402: {  	p0 =	sne.s32 s0, $0x0;
	s0 =	rddreg [dreg:$0x6]  }
0x403: {  	s0 =	sadd.s32 @!p0 $0x100000, s0  }
0x404: {  	[sflag:s0] =	ssyncadd.tile.s32 @!p0 $0x1;
	_ =	shalt  }
.Lfunc_end2:
_tile_overlayer_lowered:
.L_overlay_start_2:
0x405: {  	(tag) =	ssettag $0x2  }
0x406: {  	s0 =	rddreg [dreg:$0x0];
	s2 =	stileid.u32  }
0x407: {  	s1 =	rddreg [dreg:$0x1];
	p0 =	sne.s32 s2, $0x0  }
0x408: {  	s3 =	rddreg [dreg:$0x2];
	[bflag:$0x3] =	sbarrier.arrive $0xFFFF;
	s2 =	simm.s32 @!p0 $0x1C05  }
0x409: {  	[timem:s3], [sflag:s2] =	dma.local @!p0 [hbm:s0], s1  }
0x40a: {  	s0 =	simm.s32 @!p0 $0x5  }
0x40b: {  	_ =	swait.ge @!p0 [sflag:s0], s1  }
0x40c: {  	s1 =	ssub.s32 @!p0 $0x0, s1;
	[sflag:s0] =	ssyncset.done @!p0 $0x0  }
0x40d: {  	[sflag:s0] =	ssyncadd.s32 @!p0 s1  }
0x40e: {  	[bflag:$0x3] =	sbarrier.arrive $0xFFFF  }
0x40f: {  	_ =	shalt  }

</sc_bundles>
